<compile_context>
chip_gen: v7x
topology: tpu7x:2x2x1
jax: 0.10.2.dev20260603
libtpu: 0.0.44.dev20260713+nightly
codegen_flags: <defaults>
</compile_context>

<pallas_src>
import functools

import jax
import jax.numpy as jnp
from jax import lax
from jax.experimental import pallas as pl
from jax.experimental.pallas import tpu as pltpu
from jax.experimental.pallas import tpu_sc as plsc


def _encoding_table(length: int, size: int) -> jax.Array:
    depth = size // 2
    positions = jnp.arange(length, dtype=jnp.float32)[:, None]
    depths = jnp.arange(depth, dtype=jnp.float32)[None, :] / depth
    angle_rates = 1.0 / (10000.0 ** depths)
    angle_rads = positions * angle_rates
    return jnp.concatenate([jnp.sin(angle_rads), jnp.cos(angle_rads)], axis=-1)


@functools.partial(jax.jit, static_argnums=(2,))
def _sc_gather(table, idx4, size):
    w, nb, d, nl = idx4.shape
    n = nb * nl
    rows_total = w * n
    info = plsc.get_sparse_core_info()
    nc, ns = info.num_cores, info.num_subcores
    nw = nc * ns
    rows_per_w = rows_total // nw
    chunk_rows = nl
    n_chunks = rows_per_w // chunk_rows
    n_rounds = n_chunks // 2

    mesh = plsc.VectorSubcoreMesh(core_axis_name="c", subcore_axis_name="s")

    @functools.partial(
        pl.kernel,
        mesh=mesh,
        out_type=jax.ShapeDtypeStruct((rows_total, d * size), jnp.float32),
        compiler_params=pltpu.CompilerParams(use_tc_tiling_on_sc=False),
        scratch_types=[
            pltpu.VMEM((d, nl), jnp.int32),
            pltpu.VMEM((d, nl), jnp.int32),
            pltpu.VMEM((d, nl, size), jnp.float32),
            pltpu.VMEM((d, nl, size), jnp.float32),
            pltpu.VMEM_SHARED((2048, 64), jnp.float32),
            pltpu.SemaphoreType.DMA,
            pltpu.SemaphoreType.DMA,
            pltpu.SemaphoreType.DMA,
            pltpu.SemaphoreType.DMA,
            pltpu.SemaphoreType.DMA,
            pltpu.SemaphoreType.DMA,
        ],
    )
    def k(table_hbm, idx_hbm, out_hbm, i0, i1, g0, g1, table_sp,
          si0, si1, sg0, sg1, so0, so1):
        idx_v, raw_v = (i0, i1), (g0, g1)
        sidx, sgat, sout = (si0, si1), (sg0, sg1), (so0, so1)
        wid = lax.axis_index("s") * nc + lax.axis_index("c")
        rbase = wid * rows_per_w

        @pl.when(lax.axis_index("s") == 0)
        def _stage():
            pltpu.sync_copy(table_hbm, table_sp)

        plsc.subcore_barrier()

        def start_idx(slot, i):
            r = rbase + i * chunk_rows
            pltpu.async_copy(idx_hbm.at[r // n, (r % n) // nl], idx_v[slot],
                             sidx[slot])

        def wait_idx(slot, i):
            r = rbase + i * chunk_rows
            pltpu.make_async_copy(idx_hbm.at[r // n, (r % n) // nl],
                                  idx_v[slot], sidx[slot]).wait()

        def start_gathers(slot):
            for dc in range(d):
                pltpu.async_copy(table_sp.at[idx_v[slot].at[dc]],
                                 raw_v[slot].at[dc], sgat[slot])

        def drain_gathers(slot):
            for dc in range(d):
                pltpu.make_async_copy(table_sp.at[idx_v[slot].at[dc]],
                                      raw_v[slot].at[dc], sgat[slot]).wait()

        def start_out(slot, i):
            r = rbase + i * chunk_rows
            for dc in range(d):
                pltpu.async_copy(
                    raw_v[slot].at[dc],
                    out_hbm.at[pl.ds(r, chunk_rows),
                               pl.ds(dc * size, size)],
                    sout[slot])

        def wait_out(slot, i):
            r = rbase + i * chunk_rows
            for dc in range(d):
                pltpu.make_async_copy(
                    raw_v[slot].at[dc],
                    out_hbm.at[pl.ds(r, chunk_rows),
                               pl.ds(dc * size, size)],
                    sout[slot]).wait()

        start_idx(0, 0)
        start_idx(1, 1)
        wait_idx(0, 0)
        start_gathers(0)
        wait_idx(1, 1)
        start_gathers(1)
        for slot in (0, 1):
            drain_gathers(slot)
            start_idx(slot, slot + 2)
            start_out(slot, slot)

        def round_body(r, carry):
            i0b = 2 * r
            wait_idx(0, i0b)
            wait_out(0, i0b - 2)
            start_gathers(0)
            wait_idx(1, i0b + 1)
            wait_out(1, i0b - 1)
            start_gathers(1)
            for slot in (0, 1):
                drain_gathers(slot)
                start_idx(slot, i0b + slot + 2)
                start_out(slot, i0b + slot)
            return carry

        lax.fori_loop(1, n_rounds - 1, round_body, 0)

        i0b = 2 * (n_rounds - 1)
        wait_idx(0, i0b)
        wait_out(0, i0b - 2)
        start_gathers(0)
        wait_idx(1, i0b + 1)
        wait_out(1, i0b - 1)
        start_gathers(1)
        for slot in (0, 1):
            drain_gathers(slot)
            start_out(slot, i0b + slot)
        for slot in (0, 1):
            wait_out(slot, i0b + slot)

    return k(table, idx4)


def kernel(boxes):
    n, w, d = boxes.shape
    size = 256 // d
    nl = 128
    table = _encoding_table(2048, size)
    q = jnp.round(boxes).astype(jnp.int32)
    idx4 = (q.transpose(1, 0, 2)
             .reshape(w, n // nl, nl, d)
             .transpose(0, 1, 3, 2))
    out = _sc_gather(table, idx4, size)
    return jnp.transpose(out.reshape(w, n, d * size), (1, 0, 2))

# --- scband reference (transcript-rebuilt; emitter-appended) ---
"""Pipeline reference for scband-sin-positional-encoding-10857677324779 (READ-ONLY COPY).

The authoritative reference and input builder live on the scoring server;
editing this copy changes nothing except your own understanding.
"""

import jax, jax.numpy as jnp
import numpy as np


def positional_encoding(length, depth):
    depth = depth // 2
    positions = jnp.arange(length, dtype=jnp.float32)[:, None]
    depths = jnp.arange(depth, dtype=jnp.float32)[None, :] / depth
    angle_rates = 1.0 / (10000.0 ** depths)
    angle_rads = positions * angle_rates
    return jnp.concatenate([jnp.sin(angle_rads), jnp.cos(angle_rads)], axis=-1)


def setup_inputs(seed: int = 0) -> dict:
    key = jax.random.key(seed)
    # boxes are integer-valued coordinates stored as float32, in [0, 2048)
    boxes = jax.random.randint(key, (4096, 50, 4), 0, 2048).astype(jnp.float32)
    return {"boxes": boxes}


def reference(boxes):
    d_model = 256
    N, W, D = boxes.shape
    size = d_model // D
    int_boxes = jnp.round(boxes).astype(jnp.int32)
    encodings = positional_encoding(2048, size)
    encoded = encodings[int_boxes]
    return encoded.reshape((N, W, D * size))

if __name__ == "__main__":
    import jax
    _d = setup_inputs()
    print(jax.jit(kernel)(*tuple(_d.values())))

</pallas_src>

<mosaic_0001>
#map = affine_map<(d0, d1) -> (0, 0)>
#map1 = affine_map<(d0, d1) -> (0, 0, 0, 0)>
module attributes {stable_mosaic.version = 14 : i64} {
  func.func @k(%arg0: i32, %arg1: i32, %arg2: memref<2048x64xf32, #tpu.memory_space<hbm>>, %arg3: memref<50x32x4x128xi32, #tpu.memory_space<hbm>>, %arg4: memref<204800x256xf32, #tpu.memory_space<hbm>>, %arg5: memref<4x128xi32, #tpu.memory_space<vmem>>, %arg6: memref<4x128xi32, #tpu.memory_space<vmem>>, %arg7: memref<4x128x64xf32, #tpu.memory_space<vmem>>, %arg8: memref<4x128x64xf32, #tpu.memory_space<vmem>>, %arg9: memref<2048x64xf32, #tpu.memory_space<vmem_shared>>, %arg10: memref<!tpu.dma_semaphore, #tpu.memory_space<semaphore_mem>>, %arg11: memref<!tpu.dma_semaphore, #tpu.memory_space<semaphore_mem>>, %arg12: memref<!tpu.dma_semaphore, #tpu.memory_space<semaphore_mem>>, %arg13: memref<!tpu.dma_semaphore, #tpu.memory_space<semaphore_mem>>, %arg14: memref<!tpu.dma_semaphore, #tpu.memory_space<semaphore_mem>>, %arg15: memref<!tpu.dma_semaphore, #tpu.memory_space<semaphore_mem>>) attributes {dimension_semantics = [#tpu.dimension_semantics<core_parallel>, #tpu.dimension_semantics<subcore_parallel>], iteration_bounds = array<i64: 2, 16>, scalar_prefetch = 0 : i64, scratch_operands = 11 : i64, tpu.core_type = #tpu.core_type<sc_vector_subcore>, window_params = [{transform_indices = #map}, {transform_indices = #map1}, {transform_indices = #map}]} {
    %mul3A = arith.constant 2 : i32
    %mul3A_0 = arith.muli %arg1, %mul3A : i32
    %add3A = arith.addi %mul3A_0, %arg0 : i32
    %mul3A_1 = arith.constant 6400 : i32
    %mul3A_2 = arith.muli %add3A, %mul3A_1 : i32
    %eq3A = arith.constant 0 : i32
    %eq3A_3 = arith.cmpi eq, %arg1, %eq3A : i32
    %convert_element_type3A = arith.extui %eq3A_3 : i1 to i32
    %cond3A = arith.constant 0 : i32
    %cond3A_4 = arith.cmpi ne, %convert_element_type3A, %cond3A : i32
    scf.if %cond3A_4 {
      "tpu.region"() ({
        %run_scoped3A = tpu.sem_alloc : memref<!tpu.dma_semaphore, #tpu.memory_space<semaphore_mem>>
        tpu.enqueue_dma source(%arg2 : memref<2048x64xf32, #tpu.memory_space<hbm>>) target(%arg9 : memref<2048x64xf32, #tpu.memory_space<vmem_shared>>) target_semaphore(%run_scoped3A : memref<!tpu.dma_semaphore, #tpu.memory_space<semaphore_mem>>)
        tpu.wait_dma2 semaphore(%run_scoped3A : memref<!tpu.dma_semaphore, #tpu.memory_space<semaphore_mem>>) src(%arg2 : memref<2048x64xf32, #tpu.memory_space<hbm>>) dst(%arg9 : memref<2048x64xf32, #tpu.memory_space<vmem_shared>>)
        tpu.yield
      }) : () -> ()
    } else {
    }
    %barrier3A = arith.constant 0 : index
    tpu.barrier barrier_id(%barrier3A)
    %add3A_5 = arith.constant 0 : i32
    %add3A_6 = arith.addi %mul3A_2, %add3A_5 : i32
    %jit3A = arith.constant 4096 : i32
    %div3A = arith.divsi %add3A_6, %jit3A : i32
    %sign3A = arith.constant 0 : i32
    %sign3A_7 = arith.cmpi sgt, %add3A_6, %sign3A : i32
    %sign3A_8 = arith.extui %sign3A_7 : i1 to i32
    %sign3A_9 = arith.constant 0 : i32
    %sign3A_10 = arith.cmpi slt, %add3A_6, %sign3A_9 : i32
    %sign3A_11 = arith.extui %sign3A_10 : i1 to i32
    %sign3A_12 = arith.subi %sign3A_8, %sign3A_11 : i32
    %sign3A_13 = arith.constant 0 : i32
    %sign3A_14 = arith.cmpi sgt, %jit3A, %sign3A_13 : i32
    %sign3A_15 = arith.extui %sign3A_14 : i1 to i32
    %sign3A_16 = arith.constant 0 : i32
    %sign3A_17 = arith.cmpi slt, %jit3A, %sign3A_16 : i32
    %sign3A_18 = arith.extui %sign3A_17 : i1 to i32
    %sign3A_19 = arith.subi %sign3A_15, %sign3A_18 : i32
    %ne3A = arith.cmpi ne, %sign3A_12, %sign3A_19 : i32
    %rem3A = arith.remsi %add3A_6, %jit3A : i32
    %ne3A_20 = arith.constant 0 : i32
    %ne3A_21 = arith.cmpi ne, %rem3A, %ne3A_20 : i32
    %and3A = arith.andi %ne3A, %ne3A_21 : i1
    %sub3A = arith.constant 1 : i32
    %sub3A_22 = arith.subi %div3A, %sub3A : i32
    %select_n3A = arith.select %and3A, %sub3A_22, %div3A : i32
    %jit3A_23 = arith.constant 4096 : i32
    %eq3A_24 = arith.constant 0 : i32
    %eq3A_25 = arith.cmpi eq, %jit3A_23, %eq3A_24 : i32
    %jit3A_26 = arith.constant 1 : i32
    %select_n3A_27 = arith.select %eq3A_25, %jit3A_26, %jit3A_23 : i32
    %rem3A_28 = arith.remsi %add3A_6, %select_n3A_27 : i32
    %ne3A_29 = arith.constant 0 : i32
    %ne3A_30 = arith.cmpi ne, %rem3A_28, %ne3A_29 : i32
    %lt3A = arith.constant 0 : i32
    %lt3A_31 = arith.cmpi slt, %rem3A_28, %lt3A : i32
    %lt3A_32 = arith.constant 0 : i32
    %lt3A_33 = arith.cmpi slt, %select_n3A_27, %lt3A_32 : i32
    %ne3A_34 = arith.xori %lt3A_31, %lt3A_33 : i1
    %and3A_35 = arith.andi %ne3A_34, %ne3A_30 : i1
    %add3A_36 = arith.addi %rem3A_28, %select_n3A_27 : i32
    %select_n3A_37 = arith.select %and3A_35, %add3A_36, %rem3A_28 : i32
    %jit3A_38 = arith.constant 128 : i32
    %div3A_39 = arith.divsi %select_n3A_37, %jit3A_38 : i32
    %sign3A_40 = arith.constant 0 : i32
    %sign3A_41 = arith.cmpi sgt, %select_n3A_37, %sign3A_40 : i32
    %sign3A_42 = arith.extui %sign3A_41 : i1 to i32
    %sign3A_43 = arith.constant 0 : i32
    %sign3A_44 = arith.cmpi slt, %select_n3A_37, %sign3A_43 : i32
    %sign3A_45 = arith.extui %sign3A_44 : i1 to i32
    %sign3A_46 = arith.subi %sign3A_42, %sign3A_45 : i32
    %sign3A_47 = arith.constant 0 : i32
    %sign3A_48 = arith.cmpi sgt, %jit3A_38, %sign3A_47 : i32
    %sign3A_49 = arith.extui %sign3A_48 : i1 to i32
    %sign3A_50 = arith.constant 0 : i32
    %sign3A_51 = arith.cmpi slt, %jit3A_38, %sign3A_50 : i32
    %sign3A_52 = arith.extui %sign3A_51 : i1 to i32
    %sign3A_53 = arith.subi %sign3A_49, %sign3A_52 : i32
    %ne3A_54 = arith.cmpi ne, %sign3A_46, %sign3A_53 : i32
    %rem3A_55 = arith.remsi %select_n3A_37, %jit3A_38 : i32
    %ne3A_56 = arith.constant 0 : i32
    %ne3A_57 = arith.cmpi ne, %rem3A_55, %ne3A_56 : i32
    %and3A_58 = arith.andi %ne3A_54, %ne3A_57 : i1
    %sub3A_59 = arith.constant 1 : i32
    %sub3A_60 = arith.subi %div3A_39, %sub3A_59 : i32
    %select_n3A_61 = arith.select %and3A_58, %sub3A_60, %div3A_39 : i32
    %dma_start3A = arith.constant 0 : i32
    %dma_start3A_62 = arith.constant 0 : i32
    %dma_start3A_63 = tpu.memref_slice %arg3[%select_n3A, %select_n3A_61, %dma_start3A, %dma_start3A_62] : memref<50x32x4x128xi32, #tpu.memory_space<hbm>> -> memref<1x1x4x128xi32, #tpu.memory_space<hbm>>
    %dma_start3A_64 = tpu.memref_squeeze %dma_start3A_63 : memref<1x1x4x128xi32, #tpu.memory_space<hbm>> -> memref<4x128xi32, #tpu.memory_space<hbm>>
    %dma_start3A_65 = arith.constant 0 : i32
    %dma_start3A_66 = arith.constant 0 : i32
    %dma_start3A_67 = tpu.memref_slice %arg3[%select_n3A, %select_n3A_61, %dma_start3A_65, %dma_start3A_66] : memref<50x32x4x128xi32, #tpu.memory_space<hbm>> -> memref<1x1x4x128xi32, #tpu.memory_space<hbm>>
    %dma_start3A_68 = tpu.memref_squeeze %dma_start3A_67 : memref<1x1x4x128xi32, #tpu.memory_space<hbm>> -> memref<4x128xi32, #tpu.memory_space<hbm>>
    tpu.enqueue_dma source(%dma_start3A_68 : memref<4x128xi32, #tpu.memory_space<hbm>>) target(%arg5 : memref<4x128xi32, #tpu.memory_space<vmem>>) target_semaphore(%arg10 : memref<!tpu.dma_semaphore, #tpu.memory_space<semaphore_mem>>)
    %add3A_69 = arith.constant 128 : i32
    %add3A_70 = arith.addi %mul3A_2, %add3A_69 : i32
    %jit3A_71 = arith.constant 4096 : i32
    %div3A_72 = arith.divsi %add3A_70, %jit3A_71 : i32
    %sign3A_73 = arith.constant 0 : i32
    %sign3A_74 = arith.cmpi sgt, %add3A_70, %sign3A_73 : i32
    %sign3A_75 = arith.extui %sign3A_74 : i1 to i32
    %sign3A_76 = arith.constant 0 : i32
    %sign3A_77 = arith.cmpi slt, %add3A_70, %sign3A_76 : i32
    %sign3A_78 = arith.extui %sign3A_77 : i1 to i32
    %sign3A_79 = arith.subi %sign3A_75, %sign3A_78 : i32
    %sign3A_80 = arith.constant 0 : i32
    %sign3A_81 = arith.cmpi sgt, %jit3A_71, %sign3A_80 : i32
    %sign3A_82 = arith.extui %sign3A_81 : i1 to i32
    %sign3A_83 = arith.constant 0 : i32
    %sign3A_84 = arith.cmpi slt, %jit3A_71, %sign3A_83 : i32
    %sign3A_85 = arith.extui %sign3A_84 : i1 to i32
    %sign3A_86 = arith.subi %sign3A_82, %sign3A_85 : i32
    %ne3A_87 = arith.cmpi ne, %sign3A_79, %sign3A_86 : i32
    %rem3A_88 = arith.remsi %add3A_70, %jit3A_71 : i32
    %ne3A_89 = arith.constant 0 : i32
    %ne3A_90 = arith.cmpi ne, %rem3A_88, %ne3A_89 : i32
    %and3A_91 = arith.andi %ne3A_87, %ne3A_90 : i1
    %sub3A_92 = arith.constant 1 : i32
    %sub3A_93 = arith.subi %div3A_72, %sub3A_92 : i32
    %select_n3A_94 = arith.select %and3A_91, %sub3A_93, %div3A_72 : i32
    %jit3A_95 = arith.constant 4096 : i32
    %eq3A_96 = arith.constant 0 : i32
    %eq3A_97 = arith.cmpi eq, %jit3A_95, %eq3A_96 : i32
    %jit3A_98 = arith.constant 1 : i32
    %select_n3A_99 = arith.select %eq3A_97, %jit3A_98, %jit3A_95 : i32
    %rem3A_100 = arith.remsi %add3A_70, %select_n3A_99 : i32
    %ne3A_101 = arith.constant 0 : i32
    %ne3A_102 = arith.cmpi ne, %rem3A_100, %ne3A_101 : i32
    %lt3A_103 = arith.constant 0 : i32
    %lt3A_104 = arith.cmpi slt, %rem3A_100, %lt3A_103 : i32
    %lt3A_105 = arith.constant 0 : i32
    %lt3A_106 = arith.cmpi slt, %select_n3A_99, %lt3A_105 : i32
    %ne3A_107 = arith.xori %lt3A_104, %lt3A_106 : i1
    %and3A_108 = arith.andi %ne3A_107, %ne3A_102 : i1
    %add3A_109 = arith.addi %rem3A_100, %select_n3A_99 : i32
    %select_n3A_110 = arith.select %and3A_108, %add3A_109, %rem3A_100 : i32
    %jit3A_111 = arith.constant 128 : i32
    %div3A_112 = arith.divsi %select_n3A_110, %jit3A_111 : i32
    %sign3A_113 = arith.constant 0 : i32
    %sign3A_114 = arith.cmpi sgt, %select_n3A_110, %sign3A_113 : i32
    %sign3A_115 = arith.extui %sign3A_114 : i1 to i32
    %sign3A_116 = arith.constant 0 : i32
    %sign3A_117 = arith.cmpi slt, %select_n3A_110, %sign3A_116 : i32
    %sign3A_118 = arith.extui %sign3A_117 : i1 to i32
    %sign3A_119 = arith.subi %sign3A_115, %sign3A_118 : i32
    %sign3A_120 = arith.constant 0 : i32
    %sign3A_121 = arith.cmpi sgt, %jit3A_111, %sign3A_120 : i32
    %sign3A_122 = arith.extui %sign3A_121 : i1 to i32
    %sign3A_123 = arith.constant 0 : i32
    %sign3A_124 = arith.cmpi slt, %jit3A_111, %sign3A_123 : i32
    %sign3A_125 = arith.extui %sign3A_124 : i1 to i32
    %sign3A_126 = arith.subi %sign3A_122, %sign3A_125 : i32
    %ne3A_127 = arith.cmpi ne, %sign3A_119, %sign3A_126 : i32
    %rem3A_128 = arith.remsi %select_n3A_110, %jit3A_111 : i32
    %ne3A_129 = arith.constant 0 : i32
    %ne3A_130 = arith.cmpi ne, %rem3A_128, %ne3A_129 : i32
    %and3A_131 = arith.andi %ne3A_127, %ne3A_130 : i1
    %sub3A_132 = arith.constant 1 : i32
    %sub3A_133 = arith.subi %div3A_112, %sub3A_132 : i32
    %select_n3A_134 = arith.select %and3A_131, %sub3A_133, %div3A_112 : i32
    %dma_start3A_135 = arith.constant 0 : i32
    %dma_start3A_136 = arith.constant 0 : i32
    %dma_start3A_137 = tpu.memref_slice %arg3[%select_n3A_94, %select_n3A_134, %dma_start3A_135, %dma_start3A_136] : memref<50x32x4x128xi32, #tpu.memory_space<hbm>> -> memref<1x1x4x128xi32, #tpu.memory_space<hbm>>
    %dma_start3A_138 = tpu.memref_squeeze %dma_start3A_137 : memref<1x1x4x128xi32, #tpu.memory_space<hbm>> -> memref<4x128xi32, #tpu.memory_space<hbm>>
    %dma_start3A_139 = arith.constant 0 : i32
    %dma_start3A_140 = arith.constant 0 : i32
    %dma_start3A_141 = tpu.memref_slice %arg3[%select_n3A_94, %select_n3A_134, %dma_start3A_139, %dma_start3A_140] : memref<50x32x4x128xi32, #tpu.memory_space<hbm>> -> memref<1x1x4x128xi32, #tpu.memory_space<hbm>>
    %dma_start3A_142 = tpu.memref_squeeze %dma_start3A_141 : memref<1x1x4x128xi32, #tpu.memory_space<hbm>> -> memref<4x128xi32, #tpu.memory_space<hbm>>
    tpu.enqueue_dma source(%dma_start3A_142 : memref<4x128xi32, #tpu.memory_space<hbm>>) target(%arg6 : memref<4x128xi32, #tpu.memory_space<vmem>>) target_semaphore(%arg11 : memref<!tpu.dma_semaphore, #tpu.memory_space<semaphore_mem>>)
    %add3A_143 = arith.constant 0 : i32
    %add3A_144 = arith.addi %mul3A_2, %add3A_143 : i32
    %jit3A_145 = arith.constant 4096 : i32
    %div3A_146 = arith.divsi %add3A_144, %jit3A_145 : i32
    %sign3A_147 = arith.constant 0 : i32
    %sign3A_148 = arith.cmpi sgt, %add3A_144, %sign3A_147 : i32
    %sign3A_149 = arith.extui %sign3A_148 : i1 to i32
    %sign3A_150 = arith.constant 0 : i32
    %sign3A_151 = arith.cmpi slt, %add3A_144, %sign3A_150 : i32
    %sign3A_152 = arith.extui %sign3A_151 : i1 to i32
    %sign3A_153 = arith.subi %sign3A_149, %sign3A_152 : i32
    %sign3A_154 = arith.constant 0 : i32
    %sign3A_155 = arith.cmpi sgt, %jit3A_145, %sign3A_154 : i32
    %sign3A_156 = arith.extui %sign3A_155 : i1 to i32
    %sign3A_157 = arith.constant 0 : i32
    %sign3A_158 = arith.cmpi slt, %jit3A_145, %sign3A_157 : i32
    %sign3A_159 = arith.extui %sign3A_158 : i1 to i32
    %sign3A_160 = arith.subi %sign3A_156, %sign3A_159 : i32
    %ne3A_161 = arith.cmpi ne, %sign3A_153, %sign3A_160 : i32
    %rem3A_162 = arith.remsi %add3A_144, %jit3A_145 : i32
    %ne3A_163 = arith.constant 0 : i32
    %ne3A_164 = arith.cmpi ne, %rem3A_162, %ne3A_163 : i32
    %and3A_165 = arith.andi %ne3A_161, %ne3A_164 : i1
    %sub3A_166 = arith.constant 1 : i32
    %sub3A_167 = arith.subi %div3A_146, %sub3A_166 : i32
    %select_n3A_168 = arith.select %and3A_165, %sub3A_167, %div3A_146 : i32
    %jit3A_169 = arith.constant 4096 : i32
    %eq3A_170 = arith.constant 0 : i32
    %eq3A_171 = arith.cmpi eq, %jit3A_169, %eq3A_170 : i32
    %jit3A_172 = arith.constant 1 : i32
    %select_n3A_173 = arith.select %eq3A_171, %jit3A_172, %jit3A_169 : i32
    %rem3A_174 = arith.remsi %add3A_144, %select_n3A_173 : i32
    %ne3A_175 = arith.constant 0 : i32
    %ne3A_176 = arith.cmpi ne, %rem3A_174, %ne3A_175 : i32
    %lt3A_177 = arith.constant 0 : i32
    %lt3A_178 = arith.cmpi slt, %rem3A_174, %lt3A_177 : i32
    %lt3A_179 = arith.constant 0 : i32
    %lt3A_180 = arith.cmpi slt, %select_n3A_173, %lt3A_179 : i32
    %ne3A_181 = arith.xori %lt3A_178, %lt3A_180 : i1
    %and3A_182 = arith.andi %ne3A_181, %ne3A_176 : i1
    %add3A_183 = arith.addi %rem3A_174, %select_n3A_173 : i32
    %select_n3A_184 = arith.select %and3A_182, %add3A_183, %rem3A_174 : i32
    %jit3A_185 = arith.constant 128 : i32
    %div3A_186 = arith.divsi %select_n3A_184, %jit3A_185 : i32
    %sign3A_187 = arith.constant 0 : i32
    %sign3A_188 = arith.cmpi sgt, %select_n3A_184, %sign3A_187 : i32
    %sign3A_189 = arith.extui %sign3A_188 : i1 to i32
    %sign3A_190 = arith.constant 0 : i32
    %sign3A_191 = arith.cmpi slt, %select_n3A_184, %sign3A_190 : i32
    %sign3A_192 = arith.extui %sign3A_191 : i1 to i32
    %sign3A_193 = arith.subi %sign3A_189, %sign3A_192 : i32
    %sign3A_194 = arith.constant 0 : i32
    %sign3A_195 = arith.cmpi sgt, %jit3A_185, %sign3A_194 : i32
    %sign3A_196 = arith.extui %sign3A_195 : i1 to i32
    %sign3A_197 = arith.constant 0 : i32
    %sign3A_198 = arith.cmpi slt, %jit3A_185, %sign3A_197 : i32
    %sign3A_199 = arith.extui %sign3A_198 : i1 to i32
    %sign3A_200 = arith.subi %sign3A_196, %sign3A_199 : i32
    %ne3A_201 = arith.cmpi ne, %sign3A_193, %sign3A_200 : i32
    %rem3A_202 = arith.remsi %select_n3A_184, %jit3A_185 : i32
    %ne3A_203 = arith.constant 0 : i32
    %ne3A_204 = arith.cmpi ne, %rem3A_202, %ne3A_203 : i32
    %and3A_205 = arith.andi %ne3A_201, %ne3A_204 : i1
    %sub3A_206 = arith.constant 1 : i32
    %sub3A_207 = arith.subi %div3A_186, %sub3A_206 : i32
    %select_n3A_208 = arith.select %and3A_205, %sub3A_207, %div3A_186 : i32
    %dma_wait3A = arith.constant 0 : i32
    %dma_wait3A_209 = arith.constant 0 : i32
    %dma_wait3A_210 = tpu.memref_slice %arg3[%select_n3A_168, %select_n3A_208, %dma_wait3A, %dma_wait3A_209] : memref<50x32x4x128xi32, #tpu.memory_space<hbm>> -> memref<1x1x4x128xi32, #tpu.memory_space<hbm>>
    %dma_wait3A_211 = tpu.memref_squeeze %dma_wait3A_210 : memref<1x1x4x128xi32, #tpu.memory_space<hbm>> -> memref<4x128xi32, #tpu.memory_space<hbm>>
    %dma_wait3A_212 = arith.constant 0 : i32
    %dma_wait3A_213 = arith.constant 0 : i32
    %dma_wait3A_214 = tpu.memref_slice %arg3[%select_n3A_168, %select_n3A_208, %dma_wait3A_212, %dma_wait3A_213] : memref<50x32x4x128xi32, #tpu.memory_space<hbm>> -> memref<1x1x4x128xi32, #tpu.memory_space<hbm>>
    %dma_wait3A_215 = tpu.memref_squeeze %dma_wait3A_214 : memref<1x1x4x128xi32, #tpu.memory_space<hbm>> -> memref<4x128xi32, #tpu.memory_space<hbm>>
    tpu.wait_dma2 semaphore(%arg10 : memref<!tpu.dma_semaphore, #tpu.memory_space<semaphore_mem>>) src(%dma_wait3A_215 : memref<4x128xi32, #tpu.memory_space<hbm>>) dst(%arg5 : memref<4x128xi32, #tpu.memory_space<vmem>>)
    %dma_start3A_216 = arith.constant 0 : i32
    %dma_start3A_217 = arith.constant 0 : i32
    %dma_start3A_218 = arith.constant 0 : i32
    %dma_start3A_219 = arith.constant 0 : i32
    %dma_start3A_220 = tpu.memref_slice %arg7[%dma_start3A_217, %dma_start3A_218, %dma_start3A_219] : memref<4x128x64xf32, #tpu.memory_space<vmem>> -> memref<1x128x64xf32, #tpu.memory_space<vmem>>
    %dma_start3A_221 = tpu.memref_squeeze %dma_start3A_220 : memref<1x128x64xf32, #tpu.memory_space<vmem>> -> memref<128x64xf32, #tpu.memory_space<vmem>>
    %dma_start3A_222 = arith.constant 0 : i32
    %dma_start3A_223 = tpu.memref_slice %arg5[%dma_start3A_216, %dma_start3A_222] : memref<4x128xi32, #tpu.memory_space<vmem>> -> memref<1x128xi32, #tpu.memory_space<vmem>>
    %dma_start3A_224 = tpu.memref_squeeze %dma_start3A_223 : memref<1x128xi32, #tpu.memory_space<vmem>> -> memref<128xi32, #tpu.memory_space<vmem>>
    %dma_start3A_225 = arith.constant 0 : i32
    %dma_start3A_226 = arith.constant 0 : i32
    %dma_start3A_227 = tpu.memref_slice %arg9[%dma_start3A_225, %dma_start3A_226] : memref<2048x64xf32, #tpu.memory_space<vmem_shared>> -> memref<2048x64xf32, #tpu.memory_space<vmem_shared>>
    tpu.enqueue_indirect_dma source(%dma_start3A_227 : memref<2048x64xf32, #tpu.memory_space<vmem_shared>>) target(%dma_start3A_221 : memref<128x64xf32, #tpu.memory_space<vmem>>) offsets(%dma_start3A_224 : memref<128xi32, #tpu.memory_space<vmem>>) semaphore(%arg12 : memref<!tpu.dma_semaphore, #tpu.memory_space<semaphore_mem>>)
    %dma_start3A_228 = arith.constant 1 : i32
    %dma_start3A_229 = arith.constant 1 : i32
    %dma_start3A_230 = arith.constant 0 : i32
    %dma_start3A_231 = arith.constant 0 : i32
    %dma_start3A_232 = tpu.memref_slice %arg7[%dma_start3A_229, %dma_start3A_230, %dma_start3A_231] : memref<4x128x64xf32, #tpu.memory_space<vmem>> -> memref<1x128x64xf32, #tpu.memory_space<vmem>>
    %dma_start3A_233 = tpu.memref_squeeze %dma_start3A_232 : memref<1x128x64xf32, #tpu.memory_space<vmem>> -> memref<128x64xf32, #tpu.memory_space<vmem>>
    %dma_start3A_234 = arith.constant 0 : i32
    %dma_start3A_235 = tpu.memref_slice %arg5[%dma_start3A_228, %dma_start3A_234] : memref<4x128xi32, #tpu.memory_space<vmem>> -> memref<1x128xi32, #tpu.memory_space<vmem>>
    %dma_start3A_236 = tpu.memref_squeeze %dma_start3A_235 : memref<1x128xi32, #tpu.memory_space<vmem>> -> memref<128xi32, #tpu.memory_space<vmem>>
    %dma_start3A_237 = arith.constant 0 : i32
    %dma_start3A_238 = arith.constant 0 : i32
    %dma_start3A_239 = tpu.memref_slice %arg9[%dma_start3A_237, %dma_start3A_238] : memref<2048x64xf32, #tpu.memory_space<vmem_shared>> -> memref<2048x64xf32, #tpu.memory_space<vmem_shared>>
    tpu.enqueue_indirect_dma source(%dma_start3A_239 : memref<2048x64xf32, #tpu.memory_space<vmem_shared>>) target(%dma_start3A_233 : memref<128x64xf32, #tpu.memory_space<vmem>>) offsets(%dma_start3A_236 : memref<128xi32, #tpu.memory_space<vmem>>) semaphore(%arg12 : memref<!tpu.dma_semaphore, #tpu.memory_space<semaphore_mem>>)
    %dma_start3A_240 = arith.constant 2 : i32
    %dma_start3A_241 = arith.constant 2 : i32
    %dma_start3A_242 = arith.constant 0 : i32
    %dma_start3A_243 = arith.constant 0 : i32
    %dma_start3A_244 = tpu.memref_slice %arg7[%dma_start3A_241, %dma_start3A_242, %dma_start3A_243] : memref<4x128x64xf32, #tpu.memory_space<vmem>> -> memref<1x128x64xf32, #tpu.memory_space<vmem>>
    %dma_start3A_245 = tpu.memref_squeeze %dma_start3A_244 : memref<1x128x64xf32, #tpu.memory_space<vmem>> -> memref<128x64xf32, #tpu.memory_space<vmem>>
    %dma_start3A_246 = arith.constant 0 : i32
    %dma_start3A_247 = tpu.memref_slice %arg5[%dma_start3A_240, %dma_start3A_246] : memref<4x128xi32, #tpu.memory_space<vmem>> -> memref<1x128xi32, #tpu.memory_space<vmem>>
    %dma_start3A_248 = tpu.memref_squeeze %dma_start3A_247 : memref<1x128xi32, #tpu.memory_space<vmem>> -> memref<128xi32, #tpu.memory_space<vmem>>
    %dma_start3A_249 = arith.constant 0 : i32
    %dma_start3A_250 = arith.constant 0 : i32
    %dma_start3A_251 = tpu.memref_slice %arg9[%dma_start3A_249, %dma_start3A_250] : memref<2048x64xf32, #tpu.memory_space<vmem_shared>> -> memref<2048x64xf32, #tpu.memory_space<vmem_shared>>
    tpu.enqueue_indirect_dma source(%dma_start3A_251 : memref<2048x64xf32, #tpu.memory_space<vmem_shared>>) target(%dma_start3A_245 : memref<128x64xf32, #tpu.memory_space<vmem>>) offsets(%dma_start3A_248 : memref<128xi32, #tpu.memory_space<vmem>>) semaphore(%arg12 : memref<!tpu.dma_semaphore, #tpu.memory_space<semaphore_mem>>)
    %dma_start3A_252 = arith.constant 3 : i32
    %dma_start3A_253 = arith.constant 3 : i32
    %dma_start3A_254 = arith.constant 0 : i32
    %dma_start3A_255 = arith.constant 0 : i32
    %dma_start3A_256 = tpu.memref_slice %arg7[%dma_start3A_253, %dma_start3A_254, %dma_start3A_255] : memref<4x128x64xf32, #tpu.memory_space<vmem>> -> memref<1x128x64xf32, #tpu.memory_space<vmem>>
    %dma_start3A_257 = tpu.memref_squeeze %dma_start3A_256 : memref<1x128x64xf32, #tpu.memory_space<vmem>> -> memref<128x64xf32, #tpu.memory_space<vmem>>
    %dma_start3A_258 = arith.constant 0 : i32
    %dma_start3A_259 = tpu.memref_slice %arg5[%dma_start3A_252, %dma_start3A_258] : memref<4x128xi32, #tpu.memory_space<vmem>> -> memref<1x128xi32, #tpu.memory_space<vmem>>
    %dma_start3A_260 = tpu.memref_squeeze %dma_start3A_259 : memref<1x128xi32, #tpu.memory_space<vmem>> -> memref<128xi32, #tpu.memory_space<vmem>>
    %dma_start3A_261 = arith.constant 0 : i32
    %dma_start3A_262 = arith.constant 0 : i32
    %dma_start3A_263 = tpu.memref_slice %arg9[%dma_start3A_261, %dma_start3A_262] : memref<2048x64xf32, #tpu.memory_space<vmem_shared>> -> memref<2048x64xf32, #tpu.memory_space<vmem_shared>>
    tpu.enqueue_indirect_dma source(%dma_start3A_263 : memref<2048x64xf32, #tpu.memory_space<vmem_shared>>) target(%dma_start3A_257 : memref<128x64xf32, #tpu.memory_space<vmem>>) offsets(%dma_start3A_260 : memref<128xi32, #tpu.memory_space<vmem>>) semaphore(%arg12 : memref<!tpu.dma_semaphore, #tpu.memory_space<semaphore_mem>>)
    %add3A_264 = arith.constant 128 : i32
    %add3A_265 = arith.addi %mul3A_2, %add3A_264 : i32
    %jit3A_266 = arith.constant 4096 : i32
    %div3A_267 = arith.divsi %add3A_265, %jit3A_266 : i32
    %sign3A_268 = arith.constant 0 : i32
    %sign3A_269 = arith.cmpi sgt, %add3A_265, %sign3A_268 : i32
    %sign3A_270 = arith.extui %sign3A_269 : i1 to i32
    %sign3A_271 = arith.constant 0 : i32
    %sign3A_272 = arith.cmpi slt, %add3A_265, %sign3A_271 : i32
    %sign3A_273 = arith.extui %sign3A_272 : i1 to i32
    %sign3A_274 = arith.subi %sign3A_270, %sign3A_273 : i32
    %sign3A_275 = arith.constant 0 : i32
    %sign3A_276 = arith.cmpi sgt, %jit3A_266, %sign3A_275 : i32
    %sign3A_277 = arith.extui %sign3A_276 : i1 to i32
    %sign3A_278 = arith.constant 0 : i32
    %sign3A_279 = arith.cmpi slt, %jit3A_266, %sign3A_278 : i32
    %sign3A_280 = arith.extui %sign3A_279 : i1 to i32
    %sign3A_281 = arith.subi %sign3A_277, %sign3A_280 : i32
    %ne3A_282 = arith.cmpi ne, %sign3A_274, %sign3A_281 : i32
    %rem3A_283 = arith.remsi %add3A_265, %jit3A_266 : i32
    %ne3A_284 = arith.constant 0 : i32
    %ne3A_285 = arith.cmpi ne, %rem3A_283, %ne3A_284 : i32
    %and3A_286 = arith.andi %ne3A_282, %ne3A_285 : i1
    %sub3A_287 = arith.constant 1 : i32
    %sub3A_288 = arith.subi %div3A_267, %sub3A_287 : i32
    %select_n3A_289 = arith.select %and3A_286, %sub3A_288, %div3A_267 : i32
    %jit3A_290 = arith.constant 4096 : i32
    %eq3A_291 = arith.constant 0 : i32
    %eq3A_292 = arith.cmpi eq, %jit3A_290, %eq3A_291 : i32
    %jit3A_293 = arith.constant 1 : i32
    %select_n3A_294 = arith.select %eq3A_292, %jit3A_293, %jit3A_290 : i32
    %rem3A_295 = arith.remsi %add3A_265, %select_n3A_294 : i32
    %ne3A_296 = arith.constant 0 : i32
    %ne3A_297 = arith.cmpi ne, %rem3A_295, %ne3A_296 : i32
    %lt3A_298 = arith.constant 0 : i32
    %lt3A_299 = arith.cmpi slt, %rem3A_295, %lt3A_298 : i32
    %lt3A_300 = arith.constant 0 : i32
    %lt3A_301 = arith.cmpi slt, %select_n3A_294, %lt3A_300 : i32
    %ne3A_302 = arith.xori %lt3A_299, %lt3A_301 : i1
    %and3A_303 = arith.andi %ne3A_302, %ne3A_297 : i1
    %add3A_304 = arith.addi %rem3A_295, %select_n3A_294 : i32
    %select_n3A_305 = arith.select %and3A_303, %add3A_304, %rem3A_295 : i32
    %jit3A_306 = arith.constant 128 : i32
    %div3A_307 = arith.divsi %select_n3A_305, %jit3A_306 : i32
    %sign3A_308 = arith.constant 0 : i32
    %sign3A_309 = arith.cmpi sgt, %select_n3A_305, %sign3A_308 : i32
    %sign3A_310 = arith.extui %sign3A_309 : i1 to i32
    %sign3A_311 = arith.constant 0 : i32
    %sign3A_312 = arith.cmpi slt, %select_n3A_305, %sign3A_311 : i32
    %sign3A_313 = arith.extui %sign3A_312 : i1 to i32
    %sign3A_314 = arith.subi %sign3A_310, %sign3A_313 : i32
    %sign3A_315 = arith.constant 0 : i32
    %sign3A_316 = arith.cmpi sgt, %jit3A_306, %sign3A_315 : i32
    %sign3A_317 = arith.extui %sign3A_316 : i1 to i32
    %sign3A_318 = arith.constant 0 : i32
    %sign3A_319 = arith.cmpi slt, %jit3A_306, %sign3A_318 : i32
    %sign3A_320 = arith.extui %sign3A_319 : i1 to i32
    %sign3A_321 = arith.subi %sign3A_317, %sign3A_320 : i32
    %ne3A_322 = arith.cmpi ne, %sign3A_314, %sign3A_321 : i32
    %rem3A_323 = arith.remsi %select_n3A_305, %jit3A_306 : i32
    %ne3A_324 = arith.constant 0 : i32
    %ne3A_325 = arith.cmpi ne, %rem3A_323, %ne3A_324 : i32
    %and3A_326 = arith.andi %ne3A_322, %ne3A_325 : i1
    %sub3A_327 = arith.constant 1 : i32
    %sub3A_328 = arith.subi %div3A_307, %sub3A_327 : i32
    %select_n3A_329 = arith.select %and3A_326, %sub3A_328, %div3A_307 : i32
    %dma_wait3A_330 = arith.constant 0 : i32
    %dma_wait3A_331 = arith.constant 0 : i32
    %dma_wait3A_332 = tpu.memref_slice %arg3[%select_n3A_289, %select_n3A_329, %dma_wait3A_330, %dma_wait3A_331] : memref<50x32x4x128xi32, #tpu.memory_space<hbm>> -> memref<1x1x4x128xi32, #tpu.memory_space<hbm>>
    %dma_wait3A_333 = tpu.memref_squeeze %dma_wait3A_332 : memref<1x1x4x128xi32, #tpu.memory_space<hbm>> -> memref<4x128xi32, #tpu.memory_space<hbm>>
    %dma_wait3A_334 = arith.constant 0 : i32
    %dma_wait3A_335 = arith.constant 0 : i32
    %dma_wait3A_336 = tpu.memref_slice %arg3[%select_n3A_289, %select_n3A_329, %dma_wait3A_334, %dma_wait3A_335] : memref<50x32x4x128xi32, #tpu.memory_space<hbm>> -> memref<1x1x4x128xi32, #tpu.memory_space<hbm>>
    %dma_wait3A_337 = tpu.memref_squeeze %dma_wait3A_336 : memref<1x1x4x128xi32, #tpu.memory_space<hbm>> -> memref<4x128xi32, #tpu.memory_space<hbm>>
    tpu.wait_dma2 semaphore(%arg11 : memref<!tpu.dma_semaphore, #tpu.memory_space<semaphore_mem>>) src(%dma_wait3A_337 : memref<4x128xi32, #tpu.memory_space<hbm>>) dst(%arg6 : memref<4x128xi32, #tpu.memory_space<vmem>>)
    %dma_start3A_338 = arith.constant 0 : i32
    %dma_start3A_339 = arith.constant 0 : i32
    %dma_start3A_340 = arith.constant 0 : i32
    %dma_start3A_341 = arith.constant 0 : i32
    %dma_start3A_342 = tpu.memref_slice %arg8[%dma_start3A_339, %dma_start3A_340, %dma_start3A_341] : memref<4x128x64xf32, #tpu.memory_space<vmem>> -> memref<1x128x64xf32, #tpu.memory_space<vmem>>
    %dma_start3A_343 = tpu.memref_squeeze %dma_start3A_342 : memref<1x128x64xf32, #tpu.memory_space<vmem>> -> memref<128x64xf32, #tpu.memory_space<vmem>>
    %dma_start3A_344 = arith.constant 0 : i32
    %dma_start3A_345 = tpu.memref_slice %arg6[%dma_start3A_338, %dma_start3A_344] : memref<4x128xi32, #tpu.memory_space<vmem>> -> memref<1x128xi32, #tpu.memory_space<vmem>>
    %dma_start3A_346 = tpu.memref_squeeze %dma_start3A_345 : memref<1x128xi32, #tpu.memory_space<vmem>> -> memref<128xi32, #tpu.memory_space<vmem>>
    %dma_start3A_347 = arith.constant 0 : i32
    %dma_start3A_348 = arith.constant 0 : i32
    %dma_start3A_349 = tpu.memref_slice %arg9[%dma_start3A_347, %dma_start3A_348] : memref<2048x64xf32, #tpu.memory_space<vmem_shared>> -> memref<2048x64xf32, #tpu.memory_space<vmem_shared>>
    tpu.enqueue_indirect_dma source(%dma_start3A_349 : memref<2048x64xf32, #tpu.memory_space<vmem_shared>>) target(%dma_start3A_343 : memref<128x64xf32, #tpu.memory_space<vmem>>) offsets(%dma_start3A_346 : memref<128xi32, #tpu.memory_space<vmem>>) semaphore(%arg13 : memref<!tpu.dma_semaphore, #tpu.memory_space<semaphore_mem>>)
    %dma_start3A_350 = arith.constant 1 : i32
    %dma_start3A_351 = arith.constant 1 : i32
    %dma_start3A_352 = arith.constant 0 : i32
    %dma_start3A_353 = arith.constant 0 : i32
    %dma_start3A_354 = tpu.memref_slice %arg8[%dma_start3A_351, %dma_start3A_352, %dma_start3A_353] : memref<4x128x64xf32, #tpu.memory_space<vmem>> -> memref<1x128x64xf32, #tpu.memory_space<vmem>>
    %dma_start3A_355 = tpu.memref_squeeze %dma_start3A_354 : memref<1x128x64xf32, #tpu.memory_space<vmem>> -> memref<128x64xf32, #tpu.memory_space<vmem>>
    %dma_start3A_356 = arith.constant 0 : i32
    %dma_start3A_357 = tpu.memref_slice %arg6[%dma_start3A_350, %dma_start3A_356] : memref<4x128xi32, #tpu.memory_space<vmem>> -> memref<1x128xi32, #tpu.memory_space<vmem>>
    %dma_start3A_358 = tpu.memref_squeeze %dma_start3A_357 : memref<1x128xi32, #tpu.memory_space<vmem>> -> memref<128xi32, #tpu.memory_space<vmem>>
    %dma_start3A_359 = arith.constant 0 : i32
    %dma_start3A_360 = arith.constant 0 : i32
    %dma_start3A_361 = tpu.memref_slice %arg9[%dma_start3A_359, %dma_start3A_360] : memref<2048x64xf32, #tpu.memory_space<vmem_shared>> -> memref<2048x64xf32, #tpu.memory_space<vmem_shared>>
    tpu.enqueue_indirect_dma source(%dma_start3A_361 : memref<2048x64xf32, #tpu.memory_space<vmem_shared>>) target(%dma_start3A_355 : memref<128x64xf32, #tpu.memory_space<vmem>>) offsets(%dma_start3A_358 : memref<128xi32, #tpu.memory_space<vmem>>) semaphore(%arg13 : memref<!tpu.dma_semaphore, #tpu.memory_space<semaphore_mem>>)
    %dma_start3A_362 = arith.constant 2 : i32
    %dma_start3A_363 = arith.constant 2 : i32
    %dma_start3A_364 = arith.constant 0 : i32
    %dma_start3A_365 = arith.constant 0 : i32
    %dma_start3A_366 = tpu.memref_slice %arg8[%dma_start3A_363, %dma_start3A_364, %dma_start3A_365] : memref<4x128x64xf32, #tpu.memory_space<vmem>> -> memref<1x128x64xf32, #tpu.memory_space<vmem>>
    %dma_start3A_367 = tpu.memref_squeeze %dma_start3A_366 : memref<1x128x64xf32, #tpu.memory_space<vmem>> -> memref<128x64xf32, #tpu.memory_space<vmem>>
    %dma_start3A_368 = arith.constant 0 : i32
    %dma_start3A_369 = tpu.memref_slice %arg6[%dma_start3A_362, %dma_start3A_368] : memref<4x128xi32, #tpu.memory_space<vmem>> -> memref<1x128xi32, #tpu.memory_space<vmem>>
    %dma_start3A_370 = tpu.memref_squeeze %dma_start3A_369 : memref<1x128xi32, #tpu.memory_space<vmem>> -> memref<128xi32, #tpu.memory_space<vmem>>
    %dma_start3A_371 = arith.constant 0 : i32
    %dma_start3A_372 = arith.constant 0 : i32
    %dma_start3A_373 = tpu.memref_slice %arg9[%dma_start3A_371, %dma_start3A_372] : memref<2048x64xf32, #tpu.memory_space<vmem_shared>> -> memref<2048x64xf32, #tpu.memory_space<vmem_shared>>
    tpu.enqueue_indirect_dma source(%dma_start3A_373 : memref<2048x64xf32, #tpu.memory_space<vmem_shared>>) target(%dma_start3A_367 : memref<128x64xf32, #tpu.memory_space<vmem>>) offsets(%dma_start3A_370 : memref<128xi32, #tpu.memory_space<vmem>>) semaphore(%arg13 : memref<!tpu.dma_semaphore, #tpu.memory_space<semaphore_mem>>)
    %dma_start3A_374 = arith.constant 3 : i32
    %dma_start3A_375 = arith.constant 3 : i32
    %dma_start3A_376 = arith.constant 0 : i32
    %dma_start3A_377 = arith.constant 0 : i32
    %dma_start3A_378 = tpu.memref_slice %arg8[%dma_start3A_375, %dma_start3A_376, %dma_start3A_377] : memref<4x128x64xf32, #tpu.memory_space<vmem>> -> memref<1x128x64xf32, #tpu.memory_space<vmem>>
    %dma_start3A_379 = tpu.memref_squeeze %dma_start3A_378 : memref<1x128x64xf32, #tpu.memory_space<vmem>> -> memref<128x64xf32, #tpu.memory_space<vmem>>
    %dma_start3A_380 = arith.constant 0 : i32
    %dma_start3A_381 = tpu.memref_slice %arg6[%dma_start3A_374, %dma_start3A_380] : memref<4x128xi32, #tpu.memory_space<vmem>> -> memref<1x128xi32, #tpu.memory_space<vmem>>
    %dma_start3A_382 = tpu.memref_squeeze %dma_start3A_381 : memref<1x128xi32, #tpu.memory_space<vmem>> -> memref<128xi32, #tpu.memory_space<vmem>>
    %dma_start3A_383 = arith.constant 0 : i32
    %dma_start3A_384 = arith.constant 0 : i32
    %dma_start3A_385 = tpu.memref_slice %arg9[%dma_start3A_383, %dma_start3A_384] : memref<2048x64xf32, #tpu.memory_space<vmem_shared>> -> memref<2048x64xf32, #tpu.memory_space<vmem_shared>>
    tpu.enqueue_indirect_dma source(%dma_start3A_385 : memref<2048x64xf32, #tpu.memory_space<vmem_shared>>) target(%dma_start3A_379 : memref<128x64xf32, #tpu.memory_space<vmem>>) offsets(%dma_start3A_382 : memref<128xi32, #tpu.memory_space<vmem>>) semaphore(%arg13 : memref<!tpu.dma_semaphore, #tpu.memory_space<semaphore_mem>>)
    %dma_wait3A_386 = arith.constant 0 : i32
    %dma_wait3A_387 = arith.constant 0 : i32
    %dma_wait3A_388 = arith.constant 0 : i32
    %dma_wait3A_389 = arith.constant 0 : i32
    %dma_wait3A_390 = tpu.memref_slice %arg7[%dma_wait3A_387, %dma_wait3A_388, %dma_wait3A_389] : memref<4x128x64xf32, #tpu.memory_space<vmem>> -> memref<1x128x64xf32, #tpu.memory_space<vmem>>
    %dma_wait3A_391 = tpu.memref_squeeze %dma_wait3A_390 : memref<1x128x64xf32, #tpu.memory_space<vmem>> -> memref<128x64xf32, #tpu.memory_space<vmem>>
    %dma_wait3A_392 = arith.constant 0 : i32
    %dma_wait3A_393 = tpu.memref_slice %arg5[%dma_wait3A_386, %dma_wait3A_392] : memref<4x128xi32, #tpu.memory_space<vmem>> -> memref<1x128xi32, #tpu.memory_space<vmem>>
    %dma_wait3A_394 = tpu.memref_squeeze %dma_wait3A_393 : memref<1x128xi32, #tpu.memory_space<vmem>> -> memref<128xi32, #tpu.memory_space<vmem>>
    %dma_wait3A_395 = arith.constant 0 : i32
    %dma_wait3A_396 = arith.constant 0 : i32
    %dma_wait3A_397 = tpu.memref_slice %arg9[%dma_wait3A_395, %dma_wait3A_396] : memref<2048x64xf32, #tpu.memory_space<vmem_shared>> -> memref<2048x64xf32, #tpu.memory_space<vmem_shared>>
    tpu.wait_indirect_dma semaphore(%arg12 : memref<!tpu.dma_semaphore, #tpu.memory_space<semaphore_mem>>) src(%dma_wait3A_397 : memref<2048x64xf32, #tpu.memory_space<vmem_shared>>) dst(%dma_wait3A_391 : memref<128x64xf32, #tpu.memory_space<vmem>>)
    %dma_wait3A_398 = arith.constant 1 : i32
    %dma_wait3A_399 = arith.constant 1 : i32
    %dma_wait3A_400 = arith.constant 0 : i32
    %dma_wait3A_401 = arith.constant 0 : i32
    %dma_wait3A_402 = tpu.memref_slice %arg7[%dma_wait3A_399, %dma_wait3A_400, %dma_wait3A_401] : memref<4x128x64xf32, #tpu.memory_space<vmem>> -> memref<1x128x64xf32, #tpu.memory_space<vmem>>
    %dma_wait3A_403 = tpu.memref_squeeze %dma_wait3A_402 : memref<1x128x64xf32, #tpu.memory_space<vmem>> -> memref<128x64xf32, #tpu.memory_space<vmem>>
    %dma_wait3A_404 = arith.constant 0 : i32
    %dma_wait3A_405 = tpu.memref_slice %arg5[%dma_wait3A_398, %dma_wait3A_404] : memref<4x128xi32, #tpu.memory_space<vmem>> -> memref<1x128xi32, #tpu.memory_space<vmem>>
    %dma_wait3A_406 = tpu.memref_squeeze %dma_wait3A_405 : memref<1x128xi32, #tpu.memory_space<vmem>> -> memref<128xi32, #tpu.memory_space<vmem>>
    %dma_wait3A_407 = arith.constant 0 : i32
    %dma_wait3A_408 = arith.constant 0 : i32
    %dma_wait3A_409 = tpu.memref_slice %arg9[%dma_wait3A_407, %dma_wait3A_408] : memref<2048x64xf32, #tpu.memory_space<vmem_shared>> -> memref<2048x64xf32, #tpu.memory_space<vmem_shared>>
    tpu.wait_indirect_dma semaphore(%arg12 : memref<!tpu.dma_semaphore, #tpu.memory_space<semaphore_mem>>) src(%dma_wait3A_409 : memref<2048x64xf32, #tpu.memory_space<vmem_shared>>) dst(%dma_wait3A_403 : memref<128x64xf32, #tpu.memory_space<vmem>>)
    %dma_wait3A_410 = arith.constant 2 : i32
    %dma_wait3A_411 = arith.constant 2 : i32
    %dma_wait3A_412 = arith.constant 0 : i32
    %dma_wait3A_413 = arith.constant 0 : i32
    %dma_wait3A_414 = tpu.memref_slice %arg7[%dma_wait3A_411, %dma_wait3A_412, %dma_wait3A_413] : memref<4x128x64xf32, #tpu.memory_space<vmem>> -> memref<1x128x64xf32, #tpu.memory_space<vmem>>
    %dma_wait3A_415 = tpu.memref_squeeze %dma_wait3A_414 : memref<1x128x64xf32, #tpu.memory_space<vmem>> -> memref<128x64xf32, #tpu.memory_space<vmem>>
    %dma_wait3A_416 = arith.constant 0 : i32
    %dma_wait3A_417 = tpu.memref_slice %arg5[%dma_wait3A_410, %dma_wait3A_416] : memref<4x128xi32, #tpu.memory_space<vmem>> -> memref<1x128xi32, #tpu.memory_space<vmem>>
    %dma_wait3A_418 = tpu.memref_squeeze %dma_wait3A_417 : memref<1x128xi32, #tpu.memory_space<vmem>> -> memref<128xi32, #tpu.memory_space<vmem>>
    %dma_wait3A_419 = arith.constant 0 : i32
    %dma_wait3A_420 = arith.constant 0 : i32
    %dma_wait3A_421 = tpu.memref_slice %arg9[%dma_wait3A_419, %dma_wait3A_420] : memref<2048x64xf32, #tpu.memory_space<vmem_shared>> -> memref<2048x64xf32, #tpu.memory_space<vmem_shared>>
    tpu.wait_indirect_dma semaphore(%arg12 : memref<!tpu.dma_semaphore, #tpu.memory_space<semaphore_mem>>) src(%dma_wait3A_421 : memref<2048x64xf32, #tpu.memory_space<vmem_shared>>) dst(%dma_wait3A_415 : memref<128x64xf32, #tpu.memory_space<vmem>>)
    %dma_wait3A_422 = arith.constant 3 : i32
    %dma_wait3A_423 = arith.constant 3 : i32
    %dma_wait3A_424 = arith.constant 0 : i32
    %dma_wait3A_425 = arith.constant 0 : i32
    %dma_wait3A_426 = tpu.memref_slice %arg7[%dma_wait3A_423, %dma_wait3A_424, %dma_wait3A_425] : memref<4x128x64xf32, #tpu.memory_space<vmem>> -> memref<1x128x64xf32, #tpu.memory_space<vmem>>
    %dma_wait3A_427 = tpu.memref_squeeze %dma_wait3A_426 : memref<1x128x64xf32, #tpu.memory_space<vmem>> -> memref<128x64xf32, #tpu.memory_space<vmem>>
    %dma_wait3A_428 = arith.constant 0 : i32
    %dma_wait3A_429 = tpu.memref_slice %arg5[%dma_wait3A_422, %dma_wait3A_428] : memref<4x128xi32, #tpu.memory_space<vmem>> -> memref<1x128xi32, #tpu.memory_space<vmem>>
    %dma_wait3A_430 = tpu.memref_squeeze %dma_wait3A_429 : memref<1x128xi32, #tpu.memory_space<vmem>> -> memref<128xi32, #tpu.memory_space<vmem>>
    %dma_wait3A_431 = arith.constant 0 : i32
    %dma_wait3A_432 = arith.constant 0 : i32
    %dma_wait3A_433 = tpu.memref_slice %arg9[%dma_wait3A_431, %dma_wait3A_432] : memref<2048x64xf32, #tpu.memory_space<vmem_shared>> -> memref<2048x64xf32, #tpu.memory_space<vmem_shared>>
    tpu.wait_indirect_dma semaphore(%arg12 : memref<!tpu.dma_semaphore, #tpu.memory_space<semaphore_mem>>) src(%dma_wait3A_433 : memref<2048x64xf32, #tpu.memory_space<vmem_shared>>) dst(%dma_wait3A_427 : memref<128x64xf32, #tpu.memory_space<vmem>>)
    %add3A_434 = arith.constant 256 : i32
    %add3A_435 = arith.addi %mul3A_2, %add3A_434 : i32
    %jit3A_436 = arith.constant 4096 : i32
    %div3A_437 = arith.divsi %add3A_435, %jit3A_436 : i32
    %sign3A_438 = arith.constant 0 : i32
    %sign3A_439 = arith.cmpi sgt, %add3A_435, %sign3A_438 : i32
    %sign3A_440 = arith.extui %sign3A_439 : i1 to i32
    %sign3A_441 = arith.constant 0 : i32
    %sign3A_442 = arith.cmpi slt, %add3A_435, %sign3A_441 : i32
    %sign3A_443 = arith.extui %sign3A_442 : i1 to i32
    %sign3A_444 = arith.subi %sign3A_440, %sign3A_443 : i32
    %sign3A_445 = arith.constant 0 : i32
    %sign3A_446 = arith.cmpi sgt, %jit3A_436, %sign3A_445 : i32
    %sign3A_447 = arith.extui %sign3A_446 : i1 to i32
    %sign3A_448 = arith.constant 0 : i32
    %sign3A_449 = arith.cmpi slt, %jit3A_436, %sign3A_448 : i32
    %sign3A_450 = arith.extui %sign3A_449 : i1 to i32
    %sign3A_451 = arith.subi %sign3A_447, %sign3A_450 : i32
    %ne3A_452 = arith.cmpi ne, %sign3A_444, %sign3A_451 : i32
    %rem3A_453 = arith.remsi %add3A_435, %jit3A_436 : i32
    %ne3A_454 = arith.constant 0 : i32
    %ne3A_455 = arith.cmpi ne, %rem3A_453, %ne3A_454 : i32
    %and3A_456 = arith.andi %ne3A_452, %ne3A_455 : i1
    %sub3A_457 = arith.constant 1 : i32
    %sub3A_458 = arith.subi %div3A_437, %sub3A_457 : i32
    %select_n3A_459 = arith.select %and3A_456, %sub3A_458, %div3A_437 : i32
    %jit3A_460 = arith.constant 4096 : i32
    %eq3A_461 = arith.constant 0 : i32
    %eq3A_462 = arith.cmpi eq, %jit3A_460, %eq3A_461 : i32
    %jit3A_463 = arith.constant 1 : i32
    %select_n3A_464 = arith.select %eq3A_462, %jit3A_463, %jit3A_460 : i32
    %rem3A_465 = arith.remsi %add3A_435, %select_n3A_464 : i32
    %ne3A_466 = arith.constant 0 : i32
    %ne3A_467 = arith.cmpi ne, %rem3A_465, %ne3A_466 : i32
    %lt3A_468 = arith.constant 0 : i32
    %lt3A_469 = arith.cmpi slt, %rem3A_465, %lt3A_468 : i32
    %lt3A_470 = arith.constant 0 : i32
    %lt3A_471 = arith.cmpi slt, %select_n3A_464, %lt3A_470 : i32
    %ne3A_472 = arith.xori %lt3A_469, %lt3A_471 : i1
    %and3A_473 = arith.andi %ne3A_472, %ne3A_467 : i1
    %add3A_474 = arith.addi %rem3A_465, %select_n3A_464 : i32
    %select_n3A_475 = arith.select %and3A_473, %add3A_474, %rem3A_465 : i32
    %jit3A_476 = arith.constant 128 : i32
    %div3A_477 = arith.divsi %select_n3A_475, %jit3A_476 : i32
    %sign3A_478 = arith.constant 0 : i32
    %sign3A_479 = arith.cmpi sgt, %select_n3A_475, %sign3A_478 : i32
    %sign3A_480 = arith.extui %sign3A_479 : i1 to i32
    %sign3A_481 = arith.constant 0 : i32
    %sign3A_482 = arith.cmpi slt, %select_n3A_475, %sign3A_481 : i32
    %sign3A_483 = arith.extui %sign3A_482 : i1 to i32
    %sign3A_484 = arith.subi %sign3A_480, %sign3A_483 : i32
    %sign3A_485 = arith.constant 0 : i32
    %sign3A_486 = arith.cmpi sgt, %jit3A_476, %sign3A_485 : i32
    %sign3A_487 = arith.extui %sign3A_486 : i1 to i32
    %sign3A_488 = arith.constant 0 : i32
    %sign3A_489 = arith.cmpi slt, %jit3A_476, %sign3A_488 : i32
    %sign3A_490 = arith.extui %sign3A_489 : i1 to i32
    %sign3A_491 = arith.subi %sign3A_487, %sign3A_490 : i32
    %ne3A_492 = arith.cmpi ne, %sign3A_484, %sign3A_491 : i32
    %rem3A_493 = arith.remsi %select_n3A_475, %jit3A_476 : i32
    %ne3A_494 = arith.constant 0 : i32
    %ne3A_495 = arith.cmpi ne, %rem3A_493, %ne3A_494 : i32
    %and3A_496 = arith.andi %ne3A_492, %ne3A_495 : i1
    %sub3A_497 = arith.constant 1 : i32
    %sub3A_498 = arith.subi %div3A_477, %sub3A_497 : i32
    %select_n3A_499 = arith.select %and3A_496, %sub3A_498, %div3A_477 : i32
    %dma_start3A_500 = arith.constant 0 : i32
    %dma_start3A_501 = arith.constant 0 : i32
    %dma_start3A_502 = tpu.memref_slice %arg3[%select_n3A_459, %select_n3A_499, %dma_start3A_500, %dma_start3A_501] : memref<50x32x4x128xi32, #tpu.memory_space<hbm>> -> memref<1x1x4x128xi32, #tpu.memory_space<hbm>>
    %dma_start3A_503 = tpu.memref_squeeze %dma_start3A_502 : memref<1x1x4x128xi32, #tpu.memory_space<hbm>> -> memref<4x128xi32, #tpu.memory_space<hbm>>
    %dma_start3A_504 = arith.constant 0 : i32
    %dma_start3A_505 = arith.constant 0 : i32
    %dma_start3A_506 = tpu.memref_slice %arg3[%select_n3A_459, %select_n3A_499, %dma_start3A_504, %dma_start3A_505] : memref<50x32x4x128xi32, #tpu.memory_space<hbm>> -> memref<1x1x4x128xi32, #tpu.memory_space<hbm>>
    %dma_start3A_507 = tpu.memref_squeeze %dma_start3A_506 : memref<1x1x4x128xi32, #tpu.memory_space<hbm>> -> memref<4x128xi32, #tpu.memory_space<hbm>>
    tpu.enqueue_dma source(%dma_start3A_507 : memref<4x128xi32, #tpu.memory_space<hbm>>) target(%arg5 : memref<4x128xi32, #tpu.memory_space<vmem>>) target_semaphore(%arg10 : memref<!tpu.dma_semaphore, #tpu.memory_space<semaphore_mem>>)
    %add3A_508 = arith.constant 0 : i32
    %add3A_509 = arith.addi %mul3A_2, %add3A_508 : i32
    %dma_start3A_510 = arith.constant 0 : i32
    %dma_start3A_511 = arith.constant 0 : i32
    %dma_start3A_512 = arith.constant 0 : i32
    %dma_start3A_513 = tpu.memref_slice %arg7[%dma_start3A_510, %dma_start3A_511, %dma_start3A_512] : memref<4x128x64xf32, #tpu.memory_space<vmem>> -> memref<1x128x64xf32, #tpu.memory_space<vmem>>
    %dma_start3A_514 = tpu.memref_squeeze %dma_start3A_513 : memref<1x128x64xf32, #tpu.memory_space<vmem>> -> memref<128x64xf32, #tpu.memory_space<vmem>>
    %dma_start3A_515 = arith.constant 0 : i32
    %dma_start3A_516 = tpu.memref_slice %arg4[%add3A_509, %dma_start3A_515] : memref<204800x256xf32, #tpu.memory_space<hbm>> -> memref<128x64xf32, #tpu.memory_space<hbm>>
    %dma_start3A_517 = arith.constant 0 : i32
    %dma_start3A_518 = tpu.memref_slice %arg4[%add3A_509, %dma_start3A_517] : memref<204800x256xf32, #tpu.memory_space<hbm>> -> memref<128x64xf32, #tpu.memory_space<hbm>>
    %dma_start3A_519 = arith.constant 0 : i32
    %dma_start3A_520 = arith.constant 0 : i32
    %dma_start3A_521 = tpu.memref_slice %arg7[%dma_start3A_510, %dma_start3A_519, %dma_start3A_520] : memref<4x128x64xf32, #tpu.memory_space<vmem>> -> memref<1x128x64xf32, #tpu.memory_space<vmem>>
    %dma_start3A_522 = tpu.memref_squeeze %dma_start3A_521 : memref<1x128x64xf32, #tpu.memory_space<vmem>> -> memref<128x64xf32, #tpu.memory_space<vmem>>
    tpu.enqueue_dma source(%dma_start3A_522 : memref<128x64xf32, #tpu.memory_space<vmem>>) target(%dma_start3A_518 : memref<128x64xf32, #tpu.memory_space<hbm>>) target_semaphore(%arg14 : memref<!tpu.dma_semaphore, #tpu.memory_space<semaphore_mem>>)
    %dma_start3A_523 = arith.constant 1 : i32
    %dma_start3A_524 = arith.constant 0 : i32
    %dma_start3A_525 = arith.constant 0 : i32
    %dma_start3A_526 = tpu.memref_slice %arg7[%dma_start3A_523, %dma_start3A_524, %dma_start3A_525] : memref<4x128x64xf32, #tpu.memory_space<vmem>> -> memref<1x128x64xf32, #tpu.memory_space<vmem>>
    %dma_start3A_527 = tpu.memref_squeeze %dma_start3A_526 : memref<1x128x64xf32, #tpu.memory_space<vmem>> -> memref<128x64xf32, #tpu.memory_space<vmem>>
    %dma_start3A_528 = arith.constant 64 : i32
    %dma_start3A_529 = tpu.memref_slice %arg4[%add3A_509, %dma_start3A_528] : memref<204800x256xf32, #tpu.memory_space<hbm>> -> memref<128x64xf32, #tpu.memory_space<hbm>>
    %dma_start3A_530 = arith.constant 64 : i32
    %dma_start3A_531 = tpu.memref_slice %arg4[%add3A_509, %dma_start3A_530] : memref<204800x256xf32, #tpu.memory_space<hbm>> -> memref<128x64xf32, #tpu.memory_space<hbm>>
    %dma_start3A_532 = arith.constant 0 : i32
    %dma_start3A_533 = arith.constant 0 : i32
    %dma_start3A_534 = tpu.memref_slice %arg7[%dma_start3A_523, %dma_start3A_532, %dma_start3A_533] : memref<4x128x64xf32, #tpu.memory_space<vmem>> -> memref<1x128x64xf32, #tpu.memory_space<vmem>>
    %dma_start3A_535 = tpu.memref_squeeze %dma_start3A_534 : memref<1x128x64xf32, #tpu.memory_space<vmem>> -> memref<128x64xf32, #tpu.memory_space<vmem>>
    tpu.enqueue_dma source(%dma_start3A_535 : memref<128x64xf32, #tpu.memory_space<vmem>>) target(%dma_start3A_531 : memref<128x64xf32, #tpu.memory_space<hbm>>) target_semaphore(%arg14 : memref<!tpu.dma_semaphore, #tpu.memory_space<semaphore_mem>>)
    %dma_start3A_536 = arith.constant 2 : i32
    %dma_start3A_537 = arith.constant 0 : i32
    %dma_start3A_538 = arith.constant 0 : i32
    %dma_start3A_539 = tpu.memref_slice %arg7[%dma_start3A_536, %dma_start3A_537, %dma_start3A_538] : memref<4x128x64xf32, #tpu.memory_space<vmem>> -> memref<1x128x64xf32, #tpu.memory_space<vmem>>
    %dma_start3A_540 = tpu.memref_squeeze %dma_start3A_539 : memref<1x128x64xf32, #tpu.memory_space<vmem>> -> memref<128x64xf32, #tpu.memory_space<vmem>>
    %dma_start3A_541 = arith.constant 128 : i32
    %dma_start3A_542 = tpu.memref_slice %arg4[%add3A_509, %dma_start3A_541] : memref<204800x256xf32, #tpu.memory_space<hbm>> -> memref<128x64xf32, #tpu.memory_space<hbm>>
    %dma_start3A_543 = arith.constant 128 : i32
    %dma_start3A_544 = tpu.memref_slice %arg4[%add3A_509, %dma_start3A_543] : memref<204800x256xf32, #tpu.memory_space<hbm>> -> memref<128x64xf32, #tpu.memory_space<hbm>>
    %dma_start3A_545 = arith.constant 0 : i32
    %dma_start3A_546 = arith.constant 0 : i32
    %dma_start3A_547 = tpu.memref_slice %arg7[%dma_start3A_536, %dma_start3A_545, %dma_start3A_546] : memref<4x128x64xf32, #tpu.memory_space<vmem>> -> memref<1x128x64xf32, #tpu.memory_space<vmem>>
    %dma_start3A_548 = tpu.memref_squeeze %dma_start3A_547 : memref<1x128x64xf32, #tpu.memory_space<vmem>> -> memref<128x64xf32, #tpu.memory_space<vmem>>
    tpu.enqueue_dma source(%dma_start3A_548 : memref<128x64xf32, #tpu.memory_space<vmem>>) target(%dma_start3A_544 : memref<128x64xf32, #tpu.memory_space<hbm>>) target_semaphore(%arg14 : memref<!tpu.dma_semaphore, #tpu.memory_space<semaphore_mem>>)
    %dma_start3A_549 = arith.constant 3 : i32
    %dma_start3A_550 = arith.constant 0 : i32
    %dma_start3A_551 = arith.constant 0 : i32
    %dma_start3A_552 = tpu.memref_slice %arg7[%dma_start3A_549, %dma_start3A_550, %dma_start3A_551] : memref<4x128x64xf32, #tpu.memory_space<vmem>> -> memref<1x128x64xf32, #tpu.memory_space<vmem>>
    %dma_start3A_553 = tpu.memref_squeeze %dma_start3A_552 : memref<1x128x64xf32, #tpu.memory_space<vmem>> -> memref<128x64xf32, #tpu.memory_space<vmem>>
    %dma_start3A_554 = arith.constant 192 : i32
    %dma_start3A_555 = tpu.memref_slice %arg4[%add3A_509, %dma_start3A_554] : memref<204800x256xf32, #tpu.memory_space<hbm>> -> memref<128x64xf32, #tpu.memory_space<hbm>>
    %dma_start3A_556 = arith.constant 192 : i32
    %dma_start3A_557 = tpu.memref_slice %arg4[%add3A_509, %dma_start3A_556] : memref<204800x256xf32, #tpu.memory_space<hbm>> -> memref<128x64xf32, #tpu.memory_space<hbm>>
    %dma_start3A_558 = arith.constant 0 : i32
    %dma_start3A_559 = arith.constant 0 : i32
    %dma_start3A_560 = tpu.memref_slice %arg7[%dma_start3A_549, %dma_start3A_558, %dma_start3A_559] : memref<4x128x64xf32, #tpu.memory_space<vmem>> -> memref<1x128x64xf32, #tpu.memory_space<vmem>>
    %dma_start3A_561 = tpu.memref_squeeze %dma_start3A_560 : memref<1x128x64xf32, #tpu.memory_space<vmem>> -> memref<128x64xf32, #tpu.memory_space<vmem>>
    tpu.enqueue_dma source(%dma_start3A_561 : memref<128x64xf32, #tpu.memory_space<vmem>>) target(%dma_start3A_557 : memref<128x64xf32, #tpu.memory_space<hbm>>) target_semaphore(%arg14 : memref<!tpu.dma_semaphore, #tpu.memory_space<semaphore_mem>>)
    %dma_wait3A_562 = arith.constant 0 : i32
    %dma_wait3A_563 = arith.constant 0 : i32
    %dma_wait3A_564 = arith.constant 0 : i32
    %dma_wait3A_565 = arith.constant 0 : i32
    %dma_wait3A_566 = tpu.memref_slice %arg8[%dma_wait3A_563, %dma_wait3A_564, %dma_wait3A_565] : memref<4x128x64xf32, #tpu.memory_space<vmem>> -> memref<1x128x64xf32, #tpu.memory_space<vmem>>
    %dma_wait3A_567 = tpu.memref_squeeze %dma_wait3A_566 : memref<1x128x64xf32, #tpu.memory_space<vmem>> -> memref<128x64xf32, #tpu.memory_space<vmem>>
    %dma_wait3A_568 = arith.constant 0 : i32
    %dma_wait3A_569 = tpu.memref_slice %arg6[%dma_wait3A_562, %dma_wait3A_568] : memref<4x128xi32, #tpu.memory_space<vmem>> -> memref<1x128xi32, #tpu.memory_space<vmem>>
    %dma_wait3A_570 = tpu.memref_squeeze %dma_wait3A_569 : memref<1x128xi32, #tpu.memory_space<vmem>> -> memref<128xi32, #tpu.memory_space<vmem>>
    %dma_wait3A_571 = arith.constant 0 : i32
    %dma_wait3A_572 = arith.constant 0 : i32
    %dma_wait3A_573 = tpu.memref_slice %arg9[%dma_wait3A_571, %dma_wait3A_572] : memref<2048x64xf32, #tpu.memory_space<vmem_shared>> -> memref<2048x64xf32, #tpu.memory_space<vmem_shared>>
    tpu.wait_indirect_dma semaphore(%arg13 : memref<!tpu.dma_semaphore, #tpu.memory_space<semaphore_mem>>) src(%dma_wait3A_573 : memref<2048x64xf32, #tpu.memory_space<vmem_shared>>) dst(%dma_wait3A_567 : memref<128x64xf32, #tpu.memory_space<vmem>>)
    %dma_wait3A_574 = arith.constant 1 : i32
    %dma_wait3A_575 = arith.constant 1 : i32
    %dma_wait3A_576 = arith.constant 0 : i32
    %dma_wait3A_577 = arith.constant 0 : i32
    %dma_wait3A_578 = tpu.memref_slice %arg8[%dma_wait3A_575, %dma_wait3A_576, %dma_wait3A_577] : memref<4x128x64xf32, #tpu.memory_space<vmem>> -> memref<1x128x64xf32, #tpu.memory_space<vmem>>
    %dma_wait3A_579 = tpu.memref_squeeze %dma_wait3A_578 : memref<1x128x64xf32, #tpu.memory_space<vmem>> -> memref<128x64xf32, #tpu.memory_space<vmem>>
    %dma_wait3A_580 = arith.constant 0 : i32
    %dma_wait3A_581 = tpu.memref_slice %arg6[%dma_wait3A_574, %dma_wait3A_580] : memref<4x128xi32, #tpu.memory_space<vmem>> -> memref<1x128xi32, #tpu.memory_space<vmem>>
    %dma_wait3A_582 = tpu.memref_squeeze %dma_wait3A_581 : memref<1x128xi32, #tpu.memory_space<vmem>> -> memref<128xi32, #tpu.memory_space<vmem>>
    %dma_wait3A_583 = arith.constant 0 : i32
    %dma_wait3A_584 = arith.constant 0 : i32
    %dma_wait3A_585 = tpu.memref_slice %arg9[%dma_wait3A_583, %dma_wait3A_584] : memref<2048x64xf32, #tpu.memory_space<vmem_shared>> -> memref<2048x64xf32, #tpu.memory_space<vmem_shared>>
    tpu.wait_indirect_dma semaphore(%arg13 : memref<!tpu.dma_semaphore, #tpu.memory_space<semaphore_mem>>) src(%dma_wait3A_585 : memref<2048x64xf32, #tpu.memory_space<vmem_shared>>) dst(%dma_wait3A_579 : memref<128x64xf32, #tpu.memory_space<vmem>>)
    %dma_wait3A_586 = arith.constant 2 : i32
    %dma_wait3A_587 = arith.constant 2 : i32
    %dma_wait3A_588 = arith.constant 0 : i32
    %dma_wait3A_589 = arith.constant 0 : i32
    %dma_wait3A_590 = tpu.memref_slice %arg8[%dma_wait3A_587, %dma_wait3A_588, %dma_wait3A_589] : memref<4x128x64xf32, #tpu.memory_space<vmem>> -> memref<1x128x64xf32, #tpu.memory_space<vmem>>
    %dma_wait3A_591 = tpu.memref_squeeze %dma_wait3A_590 : memref<1x128x64xf32, #tpu.memory_space<vmem>> -> memref<128x64xf32, #tpu.memory_space<vmem>>
    %dma_wait3A_592 = arith.constant 0 : i32
    %dma_wait3A_593 = tpu.memref_slice %arg6[%dma_wait3A_586, %dma_wait3A_592] : memref<4x128xi32, #tpu.memory_space<vmem>> -> memref<1x128xi32, #tpu.memory_space<vmem>>
    %dma_wait3A_594 = tpu.memref_squeeze %dma_wait3A_593 : memref<1x128xi32, #tpu.memory_space<vmem>> -> memref<128xi32, #tpu.memory_space<vmem>>
    %dma_wait3A_595 = arith.constant 0 : i32
    %dma_wait3A_596 = arith.constant 0 : i32
    %dma_wait3A_597 = tpu.memref_slice %arg9[%dma_wait3A_595, %dma_wait3A_596] : memref<2048x64xf32, #tpu.memory_space<vmem_shared>> -> memref<2048x64xf32, #tpu.memory_space<vmem_shared>>
    tpu.wait_indirect_dma semaphore(%arg13 : memref<!tpu.dma_semaphore, #tpu.memory_space<semaphore_mem>>) src(%dma_wait3A_597 : memref<2048x64xf32, #tpu.memory_space<vmem_shared>>) dst(%dma_wait3A_591 : memref<128x64xf32, #tpu.memory_space<vmem>>)
    %dma_wait3A_598 = arith.constant 3 : i32
    %dma_wait3A_599 = arith.constant 3 : i32
    %dma_wait3A_600 = arith.constant 0 : i32
    %dma_wait3A_601 = arith.constant 0 : i32
    %dma_wait3A_602 = tpu.memref_slice %arg8[%dma_wait3A_599, %dma_wait3A_600, %dma_wait3A_601] : memref<4x128x64xf32, #tpu.memory_space<vmem>> -> memref<1x128x64xf32, #tpu.memory_space<vmem>>
    %dma_wait3A_603 = tpu.memref_squeeze %dma_wait3A_602 : memref<1x128x64xf32, #tpu.memory_space<vmem>> -> memref<128x64xf32, #tpu.memory_space<vmem>>
    %dma_wait3A_604 = arith.constant 0 : i32
    %dma_wait3A_605 = tpu.memref_slice %arg6[%dma_wait3A_598, %dma_wait3A_604] : memref<4x128xi32, #tpu.memory_space<vmem>> -> memref<1x128xi32, #tpu.memory_space<vmem>>
    %dma_wait3A_606 = tpu.memref_squeeze %dma_wait3A_605 : memref<1x128xi32, #tpu.memory_space<vmem>> -> memref<128xi32, #tpu.memory_space<vmem>>
    %dma_wait3A_607 = arith.constant 0 : i32
    %dma_wait3A_608 = arith.constant 0 : i32
    %dma_wait3A_609 = tpu.memref_slice %arg9[%dma_wait3A_607, %dma_wait3A_608] : memref<2048x64xf32, #tpu.memory_space<vmem_shared>> -> memref<2048x64xf32, #tpu.memory_space<vmem_shared>>
    tpu.wait_indirect_dma semaphore(%arg13 : memref<!tpu.dma_semaphore, #tpu.memory_space<semaphore_mem>>) src(%dma_wait3A_609 : memref<2048x64xf32, #tpu.memory_space<vmem_shared>>) dst(%dma_wait3A_603 : memref<128x64xf32, #tpu.memory_space<vmem>>)
    %add3A_610 = arith.constant 384 : i32
    %add3A_611 = arith.addi %mul3A_2, %add3A_610 : i32
    %jit3A_612 = arith.constant 4096 : i32
    %div3A_613 = arith.divsi %add3A_611, %jit3A_612 : i32
    %sign3A_614 = arith.constant 0 : i32
    %sign3A_615 = arith.cmpi sgt, %add3A_611, %sign3A_614 : i32
    %sign3A_616 = arith.extui %sign3A_615 : i1 to i32
    %sign3A_617 = arith.constant 0 : i32
    %sign3A_618 = arith.cmpi slt, %add3A_611, %sign3A_617 : i32
    %sign3A_619 = arith.extui %sign3A_618 : i1 to i32
    %sign3A_620 = arith.subi %sign3A_616, %sign3A_619 : i32
    %sign3A_621 = arith.constant 0 : i32
    %sign3A_622 = arith.cmpi sgt, %jit3A_612, %sign3A_621 : i32
    %sign3A_623 = arith.extui %sign3A_622 : i1 to i32
    %sign3A_624 = arith.constant 0 : i32
    %sign3A_625 = arith.cmpi slt, %jit3A_612, %sign3A_624 : i32
    %sign3A_626 = arith.extui %sign3A_625 : i1 to i32
    %sign3A_627 = arith.subi %sign3A_623, %sign3A_626 : i32
    %ne3A_628 = arith.cmpi ne, %sign3A_620, %sign3A_627 : i32
    %rem3A_629 = arith.remsi %add3A_611, %jit3A_612 : i32
    %ne3A_630 = arith.constant 0 : i32
    %ne3A_631 = arith.cmpi ne, %rem3A_629, %ne3A_630 : i32
    %and3A_632 = arith.andi %ne3A_628, %ne3A_631 : i1
    %sub3A_633 = arith.constant 1 : i32
    %sub3A_634 = arith.subi %div3A_613, %sub3A_633 : i32
    %select_n3A_635 = arith.select %and3A_632, %sub3A_634, %div3A_613 : i32
    %jit3A_636 = arith.constant 4096 : i32
    %eq3A_637 = arith.constant 0 : i32
    %eq3A_638 = arith.cmpi eq, %jit3A_636, %eq3A_637 : i32
    %jit3A_639 = arith.constant 1 : i32
    %select_n3A_640 = arith.select %eq3A_638, %jit3A_639, %jit3A_636 : i32
    %rem3A_641 = arith.remsi %add3A_611, %select_n3A_640 : i32
    %ne3A_642 = arith.constant 0 : i32
    %ne3A_643 = arith.cmpi ne, %rem3A_641, %ne3A_642 : i32
    %lt3A_644 = arith.constant 0 : i32
    %lt3A_645 = arith.cmpi slt, %rem3A_641, %lt3A_644 : i32
    %lt3A_646 = arith.constant 0 : i32
    %lt3A_647 = arith.cmpi slt, %select_n3A_640, %lt3A_646 : i32
    %ne3A_648 = arith.xori %lt3A_645, %lt3A_647 : i1
    %and3A_649 = arith.andi %ne3A_648, %ne3A_643 : i1
    %add3A_650 = arith.addi %rem3A_641, %select_n3A_640 : i32
    %select_n3A_651 = arith.select %and3A_649, %add3A_650, %rem3A_641 : i32
    %jit3A_652 = arith.constant 128 : i32
    %div3A_653 = arith.divsi %select_n3A_651, %jit3A_652 : i32
    %sign3A_654 = arith.constant 0 : i32
    %sign3A_655 = arith.cmpi sgt, %select_n3A_651, %sign3A_654 : i32
    %sign3A_656 = arith.extui %sign3A_655 : i1 to i32
    %sign3A_657 = arith.constant 0 : i32
    %sign3A_658 = arith.cmpi slt, %select_n3A_651, %sign3A_657 : i32
    %sign3A_659 = arith.extui %sign3A_658 : i1 to i32
    %sign3A_660 = arith.subi %sign3A_656, %sign3A_659 : i32
    %sign3A_661 = arith.constant 0 : i32
    %sign3A_662 = arith.cmpi sgt, %jit3A_652, %sign3A_661 : i32
    %sign3A_663 = arith.extui %sign3A_662 : i1 to i32
    %sign3A_664 = arith.constant 0 : i32
    %sign3A_665 = arith.cmpi slt, %jit3A_652, %sign3A_664 : i32
    %sign3A_666 = arith.extui %sign3A_665 : i1 to i32
    %sign3A_667 = arith.subi %sign3A_663, %sign3A_666 : i32
    %ne3A_668 = arith.cmpi ne, %sign3A_660, %sign3A_667 : i32
    %rem3A_669 = arith.remsi %select_n3A_651, %jit3A_652 : i32
    %ne3A_670 = arith.constant 0 : i32
    %ne3A_671 = arith.cmpi ne, %rem3A_669, %ne3A_670 : i32
    %and3A_672 = arith.andi %ne3A_668, %ne3A_671 : i1
    %sub3A_673 = arith.constant 1 : i32
    %sub3A_674 = arith.subi %div3A_653, %sub3A_673 : i32
    %select_n3A_675 = arith.select %and3A_672, %sub3A_674, %div3A_653 : i32
    %dma_start3A_676 = arith.constant 0 : i32
    %dma_start3A_677 = arith.constant 0 : i32
    %dma_start3A_678 = tpu.memref_slice %arg3[%select_n3A_635, %select_n3A_675, %dma_start3A_676, %dma_start3A_677] : memref<50x32x4x128xi32, #tpu.memory_space<hbm>> -> memref<1x1x4x128xi32, #tpu.memory_space<hbm>>
    %dma_start3A_679 = tpu.memref_squeeze %dma_start3A_678 : memref<1x1x4x128xi32, #tpu.memory_space<hbm>> -> memref<4x128xi32, #tpu.memory_space<hbm>>
    %dma_start3A_680 = arith.constant 0 : i32
    %dma_start3A_681 = arith.constant 0 : i32
    %dma_start3A_682 = tpu.memref_slice %arg3[%select_n3A_635, %select_n3A_675, %dma_start3A_680, %dma_start3A_681] : memref<50x32x4x128xi32, #tpu.memory_space<hbm>> -> memref<1x1x4x128xi32, #tpu.memory_space<hbm>>
    %dma_start3A_683 = tpu.memref_squeeze %dma_start3A_682 : memref<1x1x4x128xi32, #tpu.memory_space<hbm>> -> memref<4x128xi32, #tpu.memory_space<hbm>>
    tpu.enqueue_dma source(%dma_start3A_683 : memref<4x128xi32, #tpu.memory_space<hbm>>) target(%arg6 : memref<4x128xi32, #tpu.memory_space<vmem>>) target_semaphore(%arg11 : memref<!tpu.dma_semaphore, #tpu.memory_space<semaphore_mem>>)
    %add3A_684 = arith.constant 128 : i32
    %add3A_685 = arith.addi %mul3A_2, %add3A_684 : i32
    %dma_start3A_686 = arith.constant 0 : i32
    %dma_start3A_687 = arith.constant 0 : i32
    %dma_start3A_688 = arith.constant 0 : i32
    %dma_start3A_689 = tpu.memref_slice %arg8[%dma_start3A_686, %dma_start3A_687, %dma_start3A_688] : memref<4x128x64xf32, #tpu.memory_space<vmem>> -> memref<1x128x64xf32, #tpu.memory_space<vmem>>
    %dma_start3A_690 = tpu.memref_squeeze %dma_start3A_689 : memref<1x128x64xf32, #tpu.memory_space<vmem>> -> memref<128x64xf32, #tpu.memory_space<vmem>>
    %dma_start3A_691 = arith.constant 0 : i32
    %dma_start3A_692 = tpu.memref_slice %arg4[%add3A_685, %dma_start3A_691] : memref<204800x256xf32, #tpu.memory_space<hbm>> -> memref<128x64xf32, #tpu.memory_space<hbm>>
    %dma_start3A_693 = arith.constant 0 : i32
    %dma_start3A_694 = tpu.memref_slice %arg4[%add3A_685, %dma_start3A_693] : memref<204800x256xf32, #tpu.memory_space<hbm>> -> memref<128x64xf32, #tpu.memory_space<hbm>>
    %dma_start3A_695 = arith.constant 0 : i32
    %dma_start3A_696 = arith.constant 0 : i32
    %dma_start3A_697 = tpu.memref_slice %arg8[%dma_start3A_686, %dma_start3A_695, %dma_start3A_696] : memref<4x128x64xf32, #tpu.memory_space<vmem>> -> memref<1x128x64xf32, #tpu.memory_space<vmem>>
    %dma_start3A_698 = tpu.memref_squeeze %dma_start3A_697 : memref<1x128x64xf32, #tpu.memory_space<vmem>> -> memref<128x64xf32, #tpu.memory_space<vmem>>
    tpu.enqueue_dma source(%dma_start3A_698 : memref<128x64xf32, #tpu.memory_space<vmem>>) target(%dma_start3A_694 : memref<128x64xf32, #tpu.memory_space<hbm>>) target_semaphore(%arg15 : memref<!tpu.dma_semaphore, #tpu.memory_space<semaphore_mem>>)
    %dma_start3A_699 = arith.constant 1 : i32
    %dma_start3A_700 = arith.constant 0 : i32
    %dma_start3A_701 = arith.constant 0 : i32
    %dma_start3A_702 = tpu.memref_slice %arg8[%dma_start3A_699, %dma_start3A_700, %dma_start3A_701] : memref<4x128x64xf32, #tpu.memory_space<vmem>> -> memref<1x128x64xf32, #tpu.memory_space<vmem>>
    %dma_start3A_703 = tpu.memref_squeeze %dma_start3A_702 : memref<1x128x64xf32, #tpu.memory_space<vmem>> -> memref<128x64xf32, #tpu.memory_space<vmem>>
    %dma_start3A_704 = arith.constant 64 : i32
    %dma_start3A_705 = tpu.memref_slice %arg4[%add3A_685, %dma_start3A_704] : memref<204800x256xf32, #tpu.memory_space<hbm>> -> memref<128x64xf32, #tpu.memory_space<hbm>>
    %dma_start3A_706 = arith.constant 64 : i32
    %dma_start3A_707 = tpu.memref_slice %arg4[%add3A_685, %dma_start3A_706] : memref<204800x256xf32, #tpu.memory_space<hbm>> -> memref<128x64xf32, #tpu.memory_space<hbm>>
    %dma_start3A_708 = arith.constant 0 : i32
    %dma_start3A_709 = arith.constant 0 : i32
    %dma_start3A_710 = tpu.memref_slice %arg8[%dma_start3A_699, %dma_start3A_708, %dma_start3A_709] : memref<4x128x64xf32, #tpu.memory_space<vmem>> -> memref<1x128x64xf32, #tpu.memory_space<vmem>>
    %dma_start3A_711 = tpu.memref_squeeze %dma_start3A_710 : memref<1x128x64xf32, #tpu.memory_space<vmem>> -> memref<128x64xf32, #tpu.memory_space<vmem>>
    tpu.enqueue_dma source(%dma_start3A_711 : memref<128x64xf32, #tpu.memory_space<vmem>>) target(%dma_start3A_707 : memref<128x64xf32, #tpu.memory_space<hbm>>) target_semaphore(%arg15 : memref<!tpu.dma_semaphore, #tpu.memory_space<semaphore_mem>>)
    %dma_start3A_712 = arith.constant 2 : i32
    %dma_start3A_713 = arith.constant 0 : i32
    %dma_start3A_714 = arith.constant 0 : i32
    %dma_start3A_715 = tpu.memref_slice %arg8[%dma_start3A_712, %dma_start3A_713, %dma_start3A_714] : memref<4x128x64xf32, #tpu.memory_space<vmem>> -> memref<1x128x64xf32, #tpu.memory_space<vmem>>
    %dma_start3A_716 = tpu.memref_squeeze %dma_start3A_715 : memref<1x128x64xf32, #tpu.memory_space<vmem>> -> memref<128x64xf32, #tpu.memory_space<vmem>>
    %dma_start3A_717 = arith.constant 128 : i32
    %dma_start3A_718 = tpu.memref_slice %arg4[%add3A_685, %dma_start3A_717] : memref<204800x256xf32, #tpu.memory_space<hbm>> -> memref<128x64xf32, #tpu.memory_space<hbm>>
    %dma_start3A_719 = arith.constant 128 : i32
    %dma_start3A_720 = tpu.memref_slice %arg4[%add3A_685, %dma_start3A_719] : memref<204800x256xf32, #tpu.memory_space<hbm>> -> memref<128x64xf32, #tpu.memory_space<hbm>>
    %dma_start3A_721 = arith.constant 0 : i32
    %dma_start3A_722 = arith.constant 0 : i32
    %dma_start3A_723 = tpu.memref_slice %arg8[%dma_start3A_712, %dma_start3A_721, %dma_start3A_722] : memref<4x128x64xf32, #tpu.memory_space<vmem>> -> memref<1x128x64xf32, #tpu.memory_space<vmem>>
    %dma_start3A_724 = tpu.memref_squeeze %dma_start3A_723 : memref<1x128x64xf32, #tpu.memory_space<vmem>> -> memref<128x64xf32, #tpu.memory_space<vmem>>
    tpu.enqueue_dma source(%dma_start3A_724 : memref<128x64xf32, #tpu.memory_space<vmem>>) target(%dma_start3A_720 : memref<128x64xf32, #tpu.memory_space<hbm>>) target_semaphore(%arg15 : memref<!tpu.dma_semaphore, #tpu.memory_space<semaphore_mem>>)
    %dma_start3A_725 = arith.constant 3 : i32
    %dma_start3A_726 = arith.constant 0 : i32
    %dma_start3A_727 = arith.constant 0 : i32
    %dma_start3A_728 = tpu.memref_slice %arg8[%dma_start3A_725, %dma_start3A_726, %dma_start3A_727] : memref<4x128x64xf32, #tpu.memory_space<vmem>> -> memref<1x128x64xf32, #tpu.memory_space<vmem>>
    %dma_start3A_729 = tpu.memref_squeeze %dma_start3A_728 : memref<1x128x64xf32, #tpu.memory_space<vmem>> -> memref<128x64xf32, #tpu.memory_space<vmem>>
    %dma_start3A_730 = arith.constant 192 : i32
    %dma_start3A_731 = tpu.memref_slice %arg4[%add3A_685, %dma_start3A_730] : memref<204800x256xf32, #tpu.memory_space<hbm>> -> memref<128x64xf32, #tpu.memory_space<hbm>>
    %dma_start3A_732 = arith.constant 192 : i32
    %dma_start3A_733 = tpu.memref_slice %arg4[%add3A_685, %dma_start3A_732] : memref<204800x256xf32, #tpu.memory_space<hbm>> -> memref<128x64xf32, #tpu.memory_space<hbm>>
    %dma_start3A_734 = arith.constant 0 : i32
    %dma_start3A_735 = arith.constant 0 : i32
    %dma_start3A_736 = tpu.memref_slice %arg8[%dma_start3A_725, %dma_start3A_734, %dma_start3A_735] : memref<4x128x64xf32, #tpu.memory_space<vmem>> -> memref<1x128x64xf32, #tpu.memory_space<vmem>>
    %dma_start3A_737 = tpu.memref_squeeze %dma_start3A_736 : memref<1x128x64xf32, #tpu.memory_space<vmem>> -> memref<128x64xf32, #tpu.memory_space<vmem>>
    tpu.enqueue_dma source(%dma_start3A_737 : memref<128x64xf32, #tpu.memory_space<vmem>>) target(%dma_start3A_733 : memref<128x64xf32, #tpu.memory_space<hbm>>) target_semaphore(%arg15 : memref<!tpu.dma_semaphore, #tpu.memory_space<semaphore_mem>>)
    %scan3A = arith.constant 0 : i32
    %scan3A_738 = arith.constant 1 : i32
    %scan3A_739 = arith.constant 23 : i32
    %scan3A_740 = arith.addi %scan3A_738, %scan3A_739 : i32
    %scan3A_741 = arith.constant 1 : i32
    scf.for %scan3A_1407 = %scan3A_738 to %scan3A_740 step %scan3A_741  : i32 {
      %mul3A_1408 = arith.constant 2 : i32
      %mul3A_1409 = arith.muli %mul3A_1408, %scan3A_1407 : i32
      %mul3A_1410 = arith.constant 128 : i32
      %mul3A_1411 = arith.muli %mul3A_1409, %mul3A_1410 : i32
      %add3A_1412 = arith.addi %mul3A_2, %mul3A_1411 : i32
      %jit3A_1413 = arith.constant 4096 : i32
      %div3A_1414 = arith.divsi %add3A_1412, %jit3A_1413 : i32
      %sign3A_1415 = arith.constant 0 : i32
      %sign3A_1416 = arith.cmpi sgt, %add3A_1412, %sign3A_1415 : i32
      %sign3A_1417 = arith.extui %sign3A_1416 : i1 to i32
      %sign3A_1418 = arith.constant 0 : i32
      %sign3A_1419 = arith.cmpi slt, %add3A_1412, %sign3A_1418 : i32
      %sign3A_1420 = arith.extui %sign3A_1419 : i1 to i32
      %sign3A_1421 = arith.subi %sign3A_1417, %sign3A_1420 : i32
      %sign3A_1422 = arith.constant 0 : i32
      %sign3A_1423 = arith.cmpi sgt, %jit3A_1413, %sign3A_1422 : i32
      %sign3A_1424 = arith.extui %sign3A_1423 : i1 to i32
      %sign3A_1425 = arith.constant 0 : i32
      %sign3A_1426 = arith.cmpi slt, %jit3A_1413, %sign3A_1425 : i32
      %sign3A_1427 = arith.extui %sign3A_1426 : i1 to i32
      %sign3A_1428 = arith.subi %sign3A_1424, %sign3A_1427 : i32
      %ne3A_1429 = arith.cmpi ne, %sign3A_1421, %sign3A_1428 : i32
      %rem3A_1430 = arith.remsi %add3A_1412, %jit3A_1413 : i32
      %ne3A_1431 = arith.constant 0 : i32
      %ne3A_1432 = arith.cmpi ne, %rem3A_1430, %ne3A_1431 : i32
      %and3A_1433 = arith.andi %ne3A_1429, %ne3A_1432 : i1
      %sub3A_1434 = arith.constant 1 : i32
      %sub3A_1435 = arith.subi %div3A_1414, %sub3A_1434 : i32
      %select_n3A_1436 = arith.select %and3A_1433, %sub3A_1435, %div3A_1414 : i32
      %jit3A_1437 = arith.constant 4096 : i32
      %eq3A_1438 = arith.constant 0 : i32
      %eq3A_1439 = arith.cmpi eq, %jit3A_1437, %eq3A_1438 : i32
      %jit3A_1440 = arith.constant 1 : i32
      %select_n3A_1441 = arith.select %eq3A_1439, %jit3A_1440, %jit3A_1437 : i32
      %rem3A_1442 = arith.remsi %add3A_1412, %select_n3A_1441 : i32
      %ne3A_1443 = arith.constant 0 : i32
      %ne3A_1444 = arith.cmpi ne, %rem3A_1442, %ne3A_1443 : i32
      %lt3A_1445 = arith.constant 0 : i32
      %lt3A_1446 = arith.cmpi slt, %rem3A_1442, %lt3A_1445 : i32
      %lt3A_1447 = arith.constant 0 : i32
      %lt3A_1448 = arith.cmpi slt, %select_n3A_1441, %lt3A_1447 : i32
      %ne3A_1449 = arith.xori %lt3A_1446, %lt3A_1448 : i1
      %and3A_1450 = arith.andi %ne3A_1449, %ne3A_1444 : i1
      %add3A_1451 = arith.addi %rem3A_1442, %select_n3A_1441 : i32
      %select_n3A_1452 = arith.select %and3A_1450, %add3A_1451, %rem3A_1442 : i32
      %jit3A_1453 = arith.constant 128 : i32
      %div3A_1454 = arith.divsi %select_n3A_1452, %jit3A_1453 : i32
      %sign3A_1455 = arith.constant 0 : i32
      %sign3A_1456 = arith.cmpi sgt, %select_n3A_1452, %sign3A_1455 : i32
      %sign3A_1457 = arith.extui %sign3A_1456 : i1 to i32
      %sign3A_1458 = arith.constant 0 : i32
      %sign3A_1459 = arith.cmpi slt, %select_n3A_1452, %sign3A_1458 : i32
      %sign3A_1460 = arith.extui %sign3A_1459 : i1 to i32
      %sign3A_1461 = arith.subi %sign3A_1457, %sign3A_1460 : i32
      %sign3A_1462 = arith.constant 0 : i32
      %sign3A_1463 = arith.cmpi sgt, %jit3A_1453, %sign3A_1462 : i32
      %sign3A_1464 = arith.extui %sign3A_1463 : i1 to i32
      %sign3A_1465 = arith.constant 0 : i32
      %sign3A_1466 = arith.cmpi slt, %jit3A_1453, %sign3A_1465 : i32
      %sign3A_1467 = arith.extui %sign3A_1466 : i1 to i32
      %sign3A_1468 = arith.subi %sign3A_1464, %sign3A_1467 : i32
      %ne3A_1469 = arith.cmpi ne, %sign3A_1461, %sign3A_1468 : i32
      %rem3A_1470 = arith.remsi %select_n3A_1452, %jit3A_1453 : i32
      %ne3A_1471 = arith.constant 0 : i32
      %ne3A_1472 = arith.cmpi ne, %rem3A_1470, %ne3A_1471 : i32
      %and3A_1473 = arith.andi %ne3A_1469, %ne3A_1472 : i1
      %sub3A_1474 = arith.constant 1 : i32
      %sub3A_1475 = arith.subi %div3A_1454, %sub3A_1474 : i32
      %select_n3A_1476 = arith.select %and3A_1473, %sub3A_1475, %div3A_1454 : i32
      %dma_wait3A_1477 = arith.constant 0 : i32
      %dma_wait3A_1478 = arith.constant 0 : i32
      %dma_wait3A_1479 = tpu.memref_slice %arg3[%select_n3A_1436, %select_n3A_1476, %dma_wait3A_1477, %dma_wait3A_1478] : memref<50x32x4x128xi32, #tpu.memory_space<hbm>> -> memref<1x1x4x128xi32, #tpu.memory_space<hbm>>
      %dma_wait3A_1480 = tpu.memref_squeeze %dma_wait3A_1479 : memref<1x1x4x128xi32, #tpu.memory_space<hbm>> -> memref<4x128xi32, #tpu.memory_space<hbm>>
      %dma_wait3A_1481 = arith.constant 0 : i32
      %dma_wait3A_1482 = arith.constant 0 : i32
      %dma_wait3A_1483 = tpu.memref_slice %arg3[%select_n3A_1436, %select_n3A_1476, %dma_wait3A_1481, %dma_wait3A_1482] : memref<50x32x4x128xi32, #tpu.memory_space<hbm>> -> memref<1x1x4x128xi32, #tpu.memory_space<hbm>>
      %dma_wait3A_1484 = tpu.memref_squeeze %dma_wait3A_1483 : memref<1x1x4x128xi32, #tpu.memory_space<hbm>> -> memref<4x128xi32, #tpu.memory_space<hbm>>
      tpu.wait_dma2 semaphore(%arg10 : memref<!tpu.dma_semaphore, #tpu.memory_space<semaphore_mem>>) src(%dma_wait3A_1484 : memref<4x128xi32, #tpu.memory_space<hbm>>) dst(%arg5 : memref<4x128xi32, #tpu.memory_space<vmem>>)
      %sub3A_1485 = arith.constant 2 : i32
      %sub3A_1486 = arith.subi %mul3A_1409, %sub3A_1485 : i32
      %mul3A_1487 = arith.constant 128 : i32
      %mul3A_1488 = arith.muli %sub3A_1486, %mul3A_1487 : i32
      %add3A_1489 = arith.addi %mul3A_2, %mul3A_1488 : i32
      %dma_wait3A_1490 = arith.constant 0 : i32
      %dma_wait3A_1491 = arith.constant 0 : i32
      %dma_wait3A_1492 = arith.constant 0 : i32
      %dma_wait3A_1493 = tpu.memref_slice %arg7[%dma_wait3A_1490, %dma_wait3A_1491, %dma_wait3A_1492] : memref<4x128x64xf32, #tpu.memory_space<vmem>> -> memref<1x128x64xf32, #tpu.memory_space<vmem>>
      %dma_wait3A_1494 = tpu.memref_squeeze %dma_wait3A_1493 : memref<1x128x64xf32, #tpu.memory_space<vmem>> -> memref<128x64xf32, #tpu.memory_space<vmem>>
      %dma_wait3A_1495 = arith.constant 0 : i32
      %dma_wait3A_1496 = tpu.memref_slice %arg4[%add3A_1489, %dma_wait3A_1495] : memref<204800x256xf32, #tpu.memory_space<hbm>> -> memref<128x64xf32, #tpu.memory_space<hbm>>
      %dma_wait3A_1497 = arith.constant 0 : i32
      %dma_wait3A_1498 = tpu.memref_slice %arg4[%add3A_1489, %dma_wait3A_1497] : memref<204800x256xf32, #tpu.memory_space<hbm>> -> memref<128x64xf32, #tpu.memory_space<hbm>>
      %dma_wait3A_1499 = arith.constant 0 : i32
      %dma_wait3A_1500 = arith.constant 0 : i32
      %dma_wait3A_1501 = tpu.memref_slice %arg7[%dma_wait3A_1490, %dma_wait3A_1499, %dma_wait3A_1500] : memref<4x128x64xf32, #tpu.memory_space<vmem>> -> memref<1x128x64xf32, #tpu.memory_space<vmem>>
      %dma_wait3A_1502 = tpu.memref_squeeze %dma_wait3A_1501 : memref<1x128x64xf32, #tpu.memory_space<vmem>> -> memref<128x64xf32, #tpu.memory_space<vmem>>
      tpu.wait_dma2 semaphore(%arg14 : memref<!tpu.dma_semaphore, #tpu.memory_space<semaphore_mem>>) src(%dma_wait3A_1502 : memref<128x64xf32, #tpu.memory_space<vmem>>) dst(%dma_wait3A_1498 : memref<128x64xf32, #tpu.memory_space<hbm>>)
      %dma_wait3A_1503 = arith.constant 1 : i32
      %dma_wait3A_1504 = arith.constant 0 : i32
      %dma_wait3A_1505 = arith.constant 0 : i32
      %dma_wait3A_1506 = tpu.memref_slice %arg7[%dma_wait3A_1503, %dma_wait3A_1504, %dma_wait3A_1505] : memref<4x128x64xf32, #tpu.memory_space<vmem>> -> memref<1x128x64xf32, #tpu.memory_space<vmem>>
      %dma_wait3A_1507 = tpu.memref_squeeze %dma_wait3A_1506 : memref<1x128x64xf32, #tpu.memory_space<vmem>> -> memref<128x64xf32, #tpu.memory_space<vmem>>
      %dma_wait3A_1508 = arith.constant 64 : i32
      %dma_wait3A_1509 = tpu.memref_slice %arg4[%add3A_1489, %dma_wait3A_1508] : memref<204800x256xf32, #tpu.memory_space<hbm>> -> memref<128x64xf32, #tpu.memory_space<hbm>>
      %dma_wait3A_1510 = arith.constant 64 : i32
      %dma_wait3A_1511 = tpu.memref_slice %arg4[%add3A_1489, %dma_wait3A_1510] : memref<204800x256xf32, #tpu.memory_space<hbm>> -> memref<128x64xf32, #tpu.memory_space<hbm>>
      %dma_wait3A_1512 = arith.constant 0 : i32
      %dma_wait3A_1513 = arith.constant 0 : i32
      %dma_wait3A_1514 = tpu.memref_slice %arg7[%dma_wait3A_1503, %dma_wait3A_1512, %dma_wait3A_1513] : memref<4x128x64xf32, #tpu.memory_space<vmem>> -> memref<1x128x64xf32, #tpu.memory_space<vmem>>
      %dma_wait3A_1515 = tpu.memref_squeeze %dma_wait3A_1514 : memref<1x128x64xf32, #tpu.memory_space<vmem>> -> memref<128x64xf32, #tpu.memory_space<vmem>>
      tpu.wait_dma2 semaphore(%arg14 : memref<!tpu.dma_semaphore, #tpu.memory_space<semaphore_mem>>) src(%dma_wait3A_1515 : memref<128x64xf32, #tpu.memory_space<vmem>>) dst(%dma_wait3A_1511 : memref<128x64xf32, #tpu.memory_space<hbm>>)
      %dma_wait3A_1516 = arith.constant 2 : i32
      %dma_wait3A_1517 = arith.constant 0 : i32
      %dma_wait3A_1518 = arith.constant 0 : i32
      %dma_wait3A_1519 = tpu.memref_slice %arg7[%dma_wait3A_1516, %dma_wait3A_1517, %dma_wait3A_1518] : memref<4x128x64xf32, #tpu.memory_space<vmem>> -> memref<1x128x64xf32, #tpu.memory_space<vmem>>
      %dma_wait3A_1520 = tpu.memref_squeeze %dma_wait3A_1519 : memref<1x128x64xf32, #tpu.memory_space<vmem>> -> memref<128x64xf32, #tpu.memory_space<vmem>>
      %dma_wait3A_1521 = arith.constant 128 : i32
      %dma_wait3A_1522 = tpu.memref_slice %arg4[%add3A_1489, %dma_wait3A_1521] : memref<204800x256xf32, #tpu.memory_space<hbm>> -> memref<128x64xf32, #tpu.memory_space<hbm>>
      %dma_wait3A_1523 = arith.constant 128 : i32
      %dma_wait3A_1524 = tpu.memref_slice %arg4[%add3A_1489, %dma_wait3A_1523] : memref<204800x256xf32, #tpu.memory_space<hbm>> -> memref<128x64xf32, #tpu.memory_space<hbm>>
      %dma_wait3A_1525 = arith.constant 0 : i32
      %dma_wait3A_1526 = arith.constant 0 : i32
      %dma_wait3A_1527 = tpu.memref_slice %arg7[%dma_wait3A_1516, %dma_wait3A_1525, %dma_wait3A_1526] : memref<4x128x64xf32, #tpu.memory_space<vmem>> -> memref<1x128x64xf32, #tpu.memory_space<vmem>>
      %dma_wait3A_1528 = tpu.memref_squeeze %dma_wait3A_1527 : memref<1x128x64xf32, #tpu.memory_space<vmem>> -> memref<128x64xf32, #tpu.memory_space<vmem>>
      tpu.wait_dma2 semaphore(%arg14 : memref<!tpu.dma_semaphore, #tpu.memory_space<semaphore_mem>>) src(%dma_wait3A_1528 : memref<128x64xf32, #tpu.memory_space<vmem>>) dst(%dma_wait3A_1524 : memref<128x64xf32, #tpu.memory_space<hbm>>)
      %dma_wait3A_1529 = arith.constant 3 : i32
      %dma_wait3A_1530 = arith.constant 0 : i32
      %dma_wait3A_1531 = arith.constant 0 : i32
      %dma_wait3A_1532 = tpu.memref_slice %arg7[%dma_wait3A_1529, %dma_wait3A_1530, %dma_wait3A_1531] : memref<4x128x64xf32, #tpu.memory_space<vmem>> -> memref<1x128x64xf32, #tpu.memory_space<vmem>>
      %dma_wait3A_1533 = tpu.memref_squeeze %dma_wait3A_1532 : memref<1x128x64xf32, #tpu.memory_space<vmem>> -> memref<128x64xf32, #tpu.memory_space<vmem>>
      %dma_wait3A_1534 = arith.constant 192 : i32
      %dma_wait3A_1535 = tpu.memref_slice %arg4[%add3A_1489, %dma_wait3A_1534] : memref<204800x256xf32, #tpu.memory_space<hbm>> -> memref<128x64xf32, #tpu.memory_space<hbm>>
      %dma_wait3A_1536 = arith.constant 192 : i32
      %dma_wait3A_1537 = tpu.memref_slice %arg4[%add3A_1489, %dma_wait3A_1536] : memref<204800x256xf32, #tpu.memory_space<hbm>> -> memref<128x64xf32, #tpu.memory_space<hbm>>
      %dma_wait3A_1538 = arith.constant 0 : i32
      %dma_wait3A_1539 = arith.constant 0 : i32
      %dma_wait3A_1540 = tpu.memref_slice %arg7[%dma_wait3A_1529, %dma_wait3A_1538, %dma_wait3A_1539] : memref<4x128x64xf32, #tpu.memory_space<vmem>> -> memref<1x128x64xf32, #tpu.memory_space<vmem>>
      %dma_wait3A_1541 = tpu.memref_squeeze %dma_wait3A_1540 : memref<1x128x64xf32, #tpu.memory_space<vmem>> -> memref<128x64xf32, #tpu.memory_space<vmem>>
      tpu.wait_dma2 semaphore(%arg14 : memref<!tpu.dma_semaphore, #tpu.memory_space<semaphore_mem>>) src(%dma_wait3A_1541 : memref<128x64xf32, #tpu.memory_space<vmem>>) dst(%dma_wait3A_1537 : memref<128x64xf32, #tpu.memory_space<hbm>>)
      %dma_start3A_1542 = arith.constant 0 : i32
      %dma_start3A_1543 = arith.constant 0 : i32
      %dma_start3A_1544 = arith.constant 0 : i32
      %dma_start3A_1545 = arith.constant 0 : i32
      %dma_start3A_1546 = tpu.memref_slice %arg7[%dma_start3A_1543, %dma_start3A_1544, %dma_start3A_1545] : memref<4x128x64xf32, #tpu.memory_space<vmem>> -> memref<1x128x64xf32, #tpu.memory_space<vmem>>
      %dma_start3A_1547 = tpu.memref_squeeze %dma_start3A_1546 : memref<1x128x64xf32, #tpu.memory_space<vmem>> -> memref<128x64xf32, #tpu.memory_space<vmem>>
      %dma_start3A_1548 = arith.constant 0 : i32
      %dma_start3A_1549 = tpu.memref_slice %arg5[%dma_start3A_1542, %dma_start3A_1548] : memref<4x128xi32, #tpu.memory_space<vmem>> -> memref<1x128xi32, #tpu.memory_space<vmem>>
      %dma_start3A_1550 = tpu.memref_squeeze %dma_start3A_1549 : memref<1x128xi32, #tpu.memory_space<vmem>> -> memref<128xi32, #tpu.memory_space<vmem>>
      %dma_start3A_1551 = arith.constant 0 : i32
      %dma_start3A_1552 = arith.constant 0 : i32
      %dma_start3A_1553 = tpu.memref_slice %arg9[%dma_start3A_1551, %dma_start3A_1552] : memref<2048x64xf32, #tpu.memory_space<vmem_shared>> -> memref<2048x64xf32, #tpu.memory_space<vmem_shared>>
      tpu.enqueue_indirect_dma source(%dma_start3A_1553 : memref<2048x64xf32, #tpu.memory_space<vmem_shared>>) target(%dma_start3A_1547 : memref<128x64xf32, #tpu.memory_space<vmem>>) offsets(%dma_start3A_1550 : memref<128xi32, #tpu.memory_space<vmem>>) semaphore(%arg12 : memref<!tpu.dma_semaphore, #tpu.memory_space<semaphore_mem>>)
      %dma_start3A_1554 = arith.constant 1 : i32
      %dma_start3A_1555 = arith.constant 1 : i32
      %dma_start3A_1556 = arith.constant 0 : i32
      %dma_start3A_1557 = arith.constant 0 : i32
      %dma_start3A_1558 = tpu.memref_slice %arg7[%dma_start3A_1555, %dma_start3A_1556, %dma_start3A_1557] : memref<4x128x64xf32, #tpu.memory_space<vmem>> -> memref<1x128x64xf32, #tpu.memory_space<vmem>>
      %dma_start3A_1559 = tpu.memref_squeeze %dma_start3A_1558 : memref<1x128x64xf32, #tpu.memory_space<vmem>> -> memref<128x64xf32, #tpu.memory_space<vmem>>
      %dma_start3A_1560 = arith.constant 0 : i32
      %dma_start3A_1561 = tpu.memref_slice %arg5[%dma_start3A_1554, %dma_start3A_1560] : memref<4x128xi32, #tpu.memory_space<vmem>> -> memref<1x128xi32, #tpu.memory_space<vmem>>
      %dma_start3A_1562 = tpu.memref_squeeze %dma_start3A_1561 : memref<1x128xi32, #tpu.memory_space<vmem>> -> memref<128xi32, #tpu.memory_space<vmem>>
      %dma_start3A_1563 = arith.constant 0 : i32
      %dma_start3A_1564 = arith.constant 0 : i32
      %dma_start3A_1565 = tpu.memref_slice %arg9[%dma_start3A_1563, %dma_start3A_1564] : memref<2048x64xf32, #tpu.memory_space<vmem_shared>> -> memref<2048x64xf32, #tpu.memory_space<vmem_shared>>
      tpu.enqueue_indirect_dma source(%dma_start3A_1565 : memref<2048x64xf32, #tpu.memory_space<vmem_shared>>) target(%dma_start3A_1559 : memref<128x64xf32, #tpu.memory_space<vmem>>) offsets(%dma_start3A_1562 : memref<128xi32, #tpu.memory_space<vmem>>) semaphore(%arg12 : memref<!tpu.dma_semaphore, #tpu.memory_space<semaphore_mem>>)
      %dma_start3A_1566 = arith.constant 2 : i32
      %dma_start3A_1567 = arith.constant 2 : i32
      %dma_start3A_1568 = arith.constant 0 : i32
      %dma_start3A_1569 = arith.constant 0 : i32
      %dma_start3A_1570 = tpu.memref_slice %arg7[%dma_start3A_1567, %dma_start3A_1568, %dma_start3A_1569] : memref<4x128x64xf32, #tpu.memory_space<vmem>> -> memref<1x128x64xf32, #tpu.memory_space<vmem>>
      %dma_start3A_1571 = tpu.memref_squeeze %dma_start3A_1570 : memref<1x128x64xf32, #tpu.memory_space<vmem>> -> memref<128x64xf32, #tpu.memory_space<vmem>>
      %dma_start3A_1572 = arith.constant 0 : i32
      %dma_start3A_1573 = tpu.memref_slice %arg5[%dma_start3A_1566, %dma_start3A_1572] : memref<4x128xi32, #tpu.memory_space<vmem>> -> memref<1x128xi32, #tpu.memory_space<vmem>>
      %dma_start3A_1574 = tpu.memref_squeeze %dma_start3A_1573 : memref<1x128xi32, #tpu.memory_space<vmem>> -> memref<128xi32, #tpu.memory_space<vmem>>
      %dma_start3A_1575 = arith.constant 0 : i32
      %dma_start3A_1576 = arith.constant 0 : i32
      %dma_start3A_1577 = tpu.memref_slice %arg9[%dma_start3A_1575, %dma_start3A_1576] : memref<2048x64xf32, #tpu.memory_space<vmem_shared>> -> memref<2048x64xf32, #tpu.memory_space<vmem_shared>>
      tpu.enqueue_indirect_dma source(%dma_start3A_1577 : memref<2048x64xf32, #tpu.memory_space<vmem_shared>>) target(%dma_start3A_1571 : memref<128x64xf32, #tpu.memory_space<vmem>>) offsets(%dma_start3A_1574 : memref<128xi32, #tpu.memory_space<vmem>>) semaphore(%arg12 : memref<!tpu.dma_semaphore, #tpu.memory_space<semaphore_mem>>)
      %dma_start3A_1578 = arith.constant 3 : i32
      %dma_start3A_1579 = arith.constant 3 : i32
      %dma_start3A_1580 = arith.constant 0 : i32
      %dma_start3A_1581 = arith.constant 0 : i32
      %dma_start3A_1582 = tpu.memref_slice %arg7[%dma_start3A_1579, %dma_start3A_1580, %dma_start3A_1581] : memref<4x128x64xf32, #tpu.memory_space<vmem>> -> memref<1x128x64xf32, #tpu.memory_space<vmem>>
      %dma_start3A_1583 = tpu.memref_squeeze %dma_start3A_1582 : memref<1x128x64xf32, #tpu.memory_space<vmem>> -> memref<128x64xf32, #tpu.memory_space<vmem>>
      %dma_start3A_1584 = arith.constant 0 : i32
      %dma_start3A_1585 = tpu.memref_slice %arg5[%dma_start3A_1578, %dma_start3A_1584] : memref<4x128xi32, #tpu.memory_space<vmem>> -> memref<1x128xi32, #tpu.memory_space<vmem>>
      %dma_start3A_1586 = tpu.memref_squeeze %dma_start3A_1585 : memref<1x128xi32, #tpu.memory_space<vmem>> -> memref<128xi32, #tpu.memory_space<vmem>>
      %dma_start3A_1587 = arith.constant 0 : i32
      %dma_start3A_1588 = arith.constant 0 : i32
      %dma_start3A_1589 = tpu.memref_slice %arg9[%dma_start3A_1587, %dma_start3A_1588] : memref<2048x64xf32, #tpu.memory_space<vmem_shared>> -> memref<2048x64xf32, #tpu.memory_space<vmem_shared>>
      tpu.enqueue_indirect_dma source(%dma_start3A_1589 : memref<2048x64xf32, #tpu.memory_space<vmem_shared>>) target(%dma_start3A_1583 : memref<128x64xf32, #tpu.memory_space<vmem>>) offsets(%dma_start3A_1586 : memref<128xi32, #tpu.memory_space<vmem>>) semaphore(%arg12 : memref<!tpu.dma_semaphore, #tpu.memory_space<semaphore_mem>>)
      %add3A_1590 = arith.constant 1 : i32
      %add3A_1591 = arith.addi %mul3A_1409, %add3A_1590 : i32
      %mul3A_1592 = arith.constant 128 : i32
      %mul3A_1593 = arith.muli %add3A_1591, %mul3A_1592 : i32
      %add3A_1594 = arith.addi %mul3A_2, %mul3A_1593 : i32
      %jit3A_1595 = arith.constant 4096 : i32
      %div3A_1596 = arith.divsi %add3A_1594, %jit3A_1595 : i32
      %sign3A_1597 = arith.constant 0 : i32
      %sign3A_1598 = arith.cmpi sgt, %add3A_1594, %sign3A_1597 : i32
      %sign3A_1599 = arith.extui %sign3A_1598 : i1 to i32
      %sign3A_1600 = arith.constant 0 : i32
      %sign3A_1601 = arith.cmpi slt, %add3A_1594, %sign3A_1600 : i32
      %sign3A_1602 = arith.extui %sign3A_1601 : i1 to i32
      %sign3A_1603 = arith.subi %sign3A_1599, %sign3A_1602 : i32
      %sign3A_1604 = arith.constant 0 : i32
      %sign3A_1605 = arith.cmpi sgt, %jit3A_1595, %sign3A_1604 : i32
      %sign3A_1606 = arith.extui %sign3A_1605 : i1 to i32
      %sign3A_1607 = arith.constant 0 : i32
      %sign3A_1608 = arith.cmpi slt, %jit3A_1595, %sign3A_1607 : i32
      %sign3A_1609 = arith.extui %sign3A_1608 : i1 to i32
      %sign3A_1610 = arith.subi %sign3A_1606, %sign3A_1609 : i32
      %ne3A_1611 = arith.cmpi ne, %sign3A_1603, %sign3A_1610 : i32
      %rem3A_1612 = arith.remsi %add3A_1594, %jit3A_1595 : i32
      %ne3A_1613 = arith.constant 0 : i32
      %ne3A_1614 = arith.cmpi ne, %rem3A_1612, %ne3A_1613 : i32
      %and3A_1615 = arith.andi %ne3A_1611, %ne3A_1614 : i1
      %sub3A_1616 = arith.constant 1 : i32
      %sub3A_1617 = arith.subi %div3A_1596, %sub3A_1616 : i32
      %select_n3A_1618 = arith.select %and3A_1615, %sub3A_1617, %div3A_1596 : i32
      %jit3A_1619 = arith.constant 4096 : i32
      %eq3A_1620 = arith.constant 0 : i32
      %eq3A_1621 = arith.cmpi eq, %jit3A_1619, %eq3A_1620 : i32
      %jit3A_1622 = arith.constant 1 : i32
      %select_n3A_1623 = arith.select %eq3A_1621, %jit3A_1622, %jit3A_1619 : i32
      %rem3A_1624 = arith.remsi %add3A_1594, %select_n3A_1623 : i32
      %ne3A_1625 = arith.constant 0 : i32
      %ne3A_1626 = arith.cmpi ne, %rem3A_1624, %ne3A_1625 : i32
      %lt3A_1627 = arith.constant 0 : i32
      %lt3A_1628 = arith.cmpi slt, %rem3A_1624, %lt3A_1627 : i32
      %lt3A_1629 = arith.constant 0 : i32
      %lt3A_1630 = arith.cmpi slt, %select_n3A_1623, %lt3A_1629 : i32
      %ne3A_1631 = arith.xori %lt3A_1628, %lt3A_1630 : i1
      %and3A_1632 = arith.andi %ne3A_1631, %ne3A_1626 : i1
      %add3A_1633 = arith.addi %rem3A_1624, %select_n3A_1623 : i32
      %select_n3A_1634 = arith.select %and3A_1632, %add3A_1633, %rem3A_1624 : i32
      %jit3A_1635 = arith.constant 128 : i32
      %div3A_1636 = arith.divsi %select_n3A_1634, %jit3A_1635 : i32
      %sign3A_1637 = arith.constant 0 : i32
      %sign3A_1638 = arith.cmpi sgt, %select_n3A_1634, %sign3A_1637 : i32
      %sign3A_1639 = arith.extui %sign3A_1638 : i1 to i32
      %sign3A_1640 = arith.constant 0 : i32
      %sign3A_1641 = arith.cmpi slt, %select_n3A_1634, %sign3A_1640 : i32
      %sign3A_1642 = arith.extui %sign3A_1641 : i1 to i32
      %sign3A_1643 = arith.subi %sign3A_1639, %sign3A_1642 : i32
      %sign3A_1644 = arith.constant 0 : i32
      %sign3A_1645 = arith.cmpi sgt, %jit3A_1635, %sign3A_1644 : i32
      %sign3A_1646 = arith.extui %sign3A_1645 : i1 to i32
      %sign3A_1647 = arith.constant 0 : i32
      %sign3A_1648 = arith.cmpi slt, %jit3A_1635, %sign3A_1647 : i32
      %sign3A_1649 = arith.extui %sign3A_1648 : i1 to i32
      %sign3A_1650 = arith.subi %sign3A_1646, %sign3A_1649 : i32
      %ne3A_1651 = arith.cmpi ne, %sign3A_1643, %sign3A_1650 : i32
      %rem3A_1652 = arith.remsi %select_n3A_1634, %jit3A_1635 : i32
      %ne3A_1653 = arith.constant 0 : i32
      %ne3A_1654 = arith.cmpi ne, %rem3A_1652, %ne3A_1653 : i32
      %and3A_1655 = arith.andi %ne3A_1651, %ne3A_1654 : i1
      %sub3A_1656 = arith.constant 1 : i32
      %sub3A_1657 = arith.subi %div3A_1636, %sub3A_1656 : i32
      %select_n3A_1658 = arith.select %and3A_1655, %sub3A_1657, %div3A_1636 : i32
      %dma_wait3A_1659 = arith.constant 0 : i32
      %dma_wait3A_1660 = arith.constant 0 : i32
      %dma_wait3A_1661 = tpu.memref_slice %arg3[%select_n3A_1618, %select_n3A_1658, %dma_wait3A_1659, %dma_wait3A_1660] : memref<50x32x4x128xi32, #tpu.memory_space<hbm>> -> memref<1x1x4x128xi32, #tpu.memory_space<hbm>>
      %dma_wait3A_1662 = tpu.memref_squeeze %dma_wait3A_1661 : memref<1x1x4x128xi32, #tpu.memory_space<hbm>> -> memref<4x128xi32, #tpu.memory_space<hbm>>
      %dma_wait3A_1663 = arith.constant 0 : i32
      %dma_wait3A_1664 = arith.constant 0 : i32
      %dma_wait3A_1665 = tpu.memref_slice %arg3[%select_n3A_1618, %select_n3A_1658, %dma_wait3A_1663, %dma_wait3A_1664] : memref<50x32x4x128xi32, #tpu.memory_space<hbm>> -> memref<1x1x4x128xi32, #tpu.memory_space<hbm>>
      %dma_wait3A_1666 = tpu.memref_squeeze %dma_wait3A_1665 : memref<1x1x4x128xi32, #tpu.memory_space<hbm>> -> memref<4x128xi32, #tpu.memory_space<hbm>>
      tpu.wait_dma2 semaphore(%arg11 : memref<!tpu.dma_semaphore, #tpu.memory_space<semaphore_mem>>) src(%dma_wait3A_1666 : memref<4x128xi32, #tpu.memory_space<hbm>>) dst(%arg6 : memref<4x128xi32, #tpu.memory_space<vmem>>)
      %sub3A_1667 = arith.constant 1 : i32
      %sub3A_1668 = arith.subi %mul3A_1409, %sub3A_1667 : i32
      %mul3A_1669 = arith.constant 128 : i32
      %mul3A_1670 = arith.muli %sub3A_1668, %mul3A_1669 : i32
      %add3A_1671 = arith.addi %mul3A_2, %mul3A_1670 : i32
      %dma_wait3A_1672 = arith.constant 0 : i32
      %dma_wait3A_1673 = arith.constant 0 : i32
      %dma_wait3A_1674 = arith.constant 0 : i32
      %dma_wait3A_1675 = tpu.memref_slice %arg8[%dma_wait3A_1672, %dma_wait3A_1673, %dma_wait3A_1674] : memref<4x128x64xf32, #tpu.memory_space<vmem>> -> memref<1x128x64xf32, #tpu.memory_space<vmem>>
      %dma_wait3A_1676 = tpu.memref_squeeze %dma_wait3A_1675 : memref<1x128x64xf32, #tpu.memory_space<vmem>> -> memref<128x64xf32, #tpu.memory_space<vmem>>
      %dma_wait3A_1677 = arith.constant 0 : i32
      %dma_wait3A_1678 = tpu.memref_slice %arg4[%add3A_1671, %dma_wait3A_1677] : memref<204800x256xf32, #tpu.memory_space<hbm>> -> memref<128x64xf32, #tpu.memory_space<hbm>>
      %dma_wait3A_1679 = arith.constant 0 : i32
      %dma_wait3A_1680 = tpu.memref_slice %arg4[%add3A_1671, %dma_wait3A_1679] : memref<204800x256xf32, #tpu.memory_space<hbm>> -> memref<128x64xf32, #tpu.memory_space<hbm>>
      %dma_wait3A_1681 = arith.constant 0 : i32
      %dma_wait3A_1682 = arith.constant 0 : i32
      %dma_wait3A_1683 = tpu.memref_slice %arg8[%dma_wait3A_1672, %dma_wait3A_1681, %dma_wait3A_1682] : memref<4x128x64xf32, #tpu.memory_space<vmem>> -> memref<1x128x64xf32, #tpu.memory_space<vmem>>
      %dma_wait3A_1684 = tpu.memref_squeeze %dma_wait3A_1683 : memref<1x128x64xf32, #tpu.memory_space<vmem>> -> memref<128x64xf32, #tpu.memory_space<vmem>>
      tpu.wait_dma2 semaphore(%arg15 : memref<!tpu.dma_semaphore, #tpu.memory_space<semaphore_mem>>) src(%dma_wait3A_1684 : memref<128x64xf32, #tpu.memory_space<vmem>>) dst(%dma_wait3A_1680 : memref<128x64xf32, #tpu.memory_space<hbm>>)
      %dma_wait3A_1685 = arith.constant 1 : i32
      %dma_wait3A_1686 = arith.constant 0 : i32
      %dma_wait3A_1687 = arith.constant 0 : i32
      %dma_wait3A_1688 = tpu.memref_slice %arg8[%dma_wait3A_1685, %dma_wait3A_1686, %dma_wait3A_1687] : memref<4x128x64xf32, #tpu.memory_space<vmem>> -> memref<1x128x64xf32, #tpu.memory_space<vmem>>
      %dma_wait3A_1689 = tpu.memref_squeeze %dma_wait3A_1688 : memref<1x128x64xf32, #tpu.memory_space<vmem>> -> memref<128x64xf32, #tpu.memory_space<vmem>>
      %dma_wait3A_1690 = arith.constant 64 : i32
      %dma_wait3A_1691 = tpu.memref_slice %arg4[%add3A_1671, %dma_wait3A_1690] : memref<204800x256xf32, #tpu.memory_space<hbm>> -> memref<128x64xf32, #tpu.memory_space<hbm>>
      %dma_wait3A_1692 = arith.constant 64 : i32
      %dma_wait3A_1693 = tpu.memref_slice %arg4[%add3A_1671, %dma_wait3A_1692] : memref<204800x256xf32, #tpu.memory_space<hbm>> -> memref<128x64xf32, #tpu.memory_space<hbm>>
      %dma_wait3A_1694 = arith.constant 0 : i32
      %dma_wait3A_1695 = arith.constant 0 : i32
      %dma_wait3A_1696 = tpu.memref_slice %arg8[%dma_wait3A_1685, %dma_wait3A_1694, %dma_wait3A_1695] : memref<4x128x64xf32, #tpu.memory_space<vmem>> -> memref<1x128x64xf32, #tpu.memory_space<vmem>>
      %dma_wait3A_1697 = tpu.memref_squeeze %dma_wait3A_1696 : memref<1x128x64xf32, #tpu.memory_space<vmem>> -> memref<128x64xf32, #tpu.memory_space<vmem>>
      tpu.wait_dma2 semaphore(%arg15 : memref<!tpu.dma_semaphore, #tpu.memory_space<semaphore_mem>>) src(%dma_wait3A_1697 : memref<128x64xf32, #tpu.memory_space<vmem>>) dst(%dma_wait3A_1693 : memref<128x64xf32, #tpu.memory_space<hbm>>)
      %dma_wait3A_1698 = arith.constant 2 : i32
      %dma_wait3A_1699 = arith.constant 0 : i32
      %dma_wait3A_1700 = arith.constant 0 : i32
      %dma_wait3A_1701 = tpu.memref_slice %arg8[%dma_wait3A_1698, %dma_wait3A_1699, %dma_wait3A_1700] : memref<4x128x64xf32, #tpu.memory_space<vmem>> -> memref<1x128x64xf32, #tpu.memory_space<vmem>>
      %dma_wait3A_1702 = tpu.memref_squeeze %dma_wait3A_1701 : memref<1x128x64xf32, #tpu.memory_space<vmem>> -> memref<128x64xf32, #tpu.memory_space<vmem>>
      %dma_wait3A_1703 = arith.constant 128 : i32
      %dma_wait3A_1704 = tpu.memref_slice %arg4[%add3A_1671, %dma_wait3A_1703] : memref<204800x256xf32, #tpu.memory_space<hbm>> -> memref<128x64xf32, #tpu.memory_space<hbm>>
      %dma_wait3A_1705 = arith.constant 128 : i32
      %dma_wait3A_1706 = tpu.memref_slice %arg4[%add3A_1671, %dma_wait3A_1705] : memref<204800x256xf32, #tpu.memory_space<hbm>> -> memref<128x64xf32, #tpu.memory_space<hbm>>
      %dma_wait3A_1707 = arith.constant 0 : i32
      %dma_wait3A_1708 = arith.constant 0 : i32
      %dma_wait3A_1709 = tpu.memref_slice %arg8[%dma_wait3A_1698, %dma_wait3A_1707, %dma_wait3A_1708] : memref<4x128x64xf32, #tpu.memory_space<vmem>> -> memref<1x128x64xf32, #tpu.memory_space<vmem>>
      %dma_wait3A_1710 = tpu.memref_squeeze %dma_wait3A_1709 : memref<1x128x64xf32, #tpu.memory_space<vmem>> -> memref<128x64xf32, #tpu.memory_space<vmem>>
      tpu.wait_dma2 semaphore(%arg15 : memref<!tpu.dma_semaphore, #tpu.memory_space<semaphore_mem>>) src(%dma_wait3A_1710 : memref<128x64xf32, #tpu.memory_space<vmem>>) dst(%dma_wait3A_1706 : memref<128x64xf32, #tpu.memory_space<hbm>>)
      %dma_wait3A_1711 = arith.constant 3 : i32
      %dma_wait3A_1712 = arith.constant 0 : i32
      %dma_wait3A_1713 = arith.constant 0 : i32
      %dma_wait3A_1714 = tpu.memref_slice %arg8[%dma_wait3A_1711, %dma_wait3A_1712, %dma_wait3A_1713] : memref<4x128x64xf32, #tpu.memory_space<vmem>> -> memref<1x128x64xf32, #tpu.memory_space<vmem>>
      %dma_wait3A_1715 = tpu.memref_squeeze %dma_wait3A_1714 : memref<1x128x64xf32, #tpu.memory_space<vmem>> -> memref<128x64xf32, #tpu.memory_space<vmem>>
      %dma_wait3A_1716 = arith.constant 192 : i32
      %dma_wait3A_1717 = tpu.memref_slice %arg4[%add3A_1671, %dma_wait3A_1716] : memref<204800x256xf32, #tpu.memory_space<hbm>> -> memref<128x64xf32, #tpu.memory_space<hbm>>
      %dma_wait3A_1718 = arith.constant 192 : i32
      %dma_wait3A_1719 = tpu.memref_slice %arg4[%add3A_1671, %dma_wait3A_1718] : memref<204800x256xf32, #tpu.memory_space<hbm>> -> memref<128x64xf32, #tpu.memory_space<hbm>>
      %dma_wait3A_1720 = arith.constant 0 : i32
      %dma_wait3A_1721 = arith.constant 0 : i32
      %dma_wait3A_1722 = tpu.memref_slice %arg8[%dma_wait3A_1711, %dma_wait3A_1720, %dma_wait3A_1721] : memref<4x128x64xf32, #tpu.memory_space<vmem>> -> memref<1x128x64xf32, #tpu.memory_space<vmem>>
      %dma_wait3A_1723 = tpu.memref_squeeze %dma_wait3A_1722 : memref<1x128x64xf32, #tpu.memory_space<vmem>> -> memref<128x64xf32, #tpu.memory_space<vmem>>
      tpu.wait_dma2 semaphore(%arg15 : memref<!tpu.dma_semaphore, #tpu.memory_space<semaphore_mem>>) src(%dma_wait3A_1723 : memref<128x64xf32, #tpu.memory_space<vmem>>) dst(%dma_wait3A_1719 : memref<128x64xf32, #tpu.memory_space<hbm>>)
      %dma_start3A_1724 = arith.constant 0 : i32
      %dma_start3A_1725 = arith.constant 0 : i32
      %dma_start3A_1726 = arith.constant 0 : i32
      %dma_start3A_1727 = arith.constant 0 : i32
      %dma_start3A_1728 = tpu.memref_slice %arg8[%dma_start3A_1725, %dma_start3A_1726, %dma_start3A_1727] : memref<4x128x64xf32, #tpu.memory_space<vmem>> -> memref<1x128x64xf32, #tpu.memory_space<vmem>>
      %dma_start3A_1729 = tpu.memref_squeeze %dma_start3A_1728 : memref<1x128x64xf32, #tpu.memory_space<vmem>> -> memref<128x64xf32, #tpu.memory_space<vmem>>
      %dma_start3A_1730 = arith.constant 0 : i32
      %dma_start3A_1731 = tpu.memref_slice %arg6[%dma_start3A_1724, %dma_start3A_1730] : memref<4x128xi32, #tpu.memory_space<vmem>> -> memref<1x128xi32, #tpu.memory_space<vmem>>
      %dma_start3A_1732 = tpu.memref_squeeze %dma_start3A_1731 : memref<1x128xi32, #tpu.memory_space<vmem>> -> memref<128xi32, #tpu.memory_space<vmem>>
      %dma_start3A_1733 = arith.constant 0 : i32
      %dma_start3A_1734 = arith.constant 0 : i32
      %dma_start3A_1735 = tpu.memref_slice %arg9[%dma_start3A_1733, %dma_start3A_1734] : memref<2048x64xf32, #tpu.memory_space<vmem_shared>> -> memref<2048x64xf32, #tpu.memory_space<vmem_shared>>
      tpu.enqueue_indirect_dma source(%dma_start3A_1735 : memref<2048x64xf32, #tpu.memory_space<vmem_shared>>) target(%dma_start3A_1729 : memref<128x64xf32, #tpu.memory_space<vmem>>) offsets(%dma_start3A_1732 : memref<128xi32, #tpu.memory_space<vmem>>) semaphore(%arg13 : memref<!tpu.dma_semaphore, #tpu.memory_space<semaphore_mem>>)
      %dma_start3A_1736 = arith.constant 1 : i32
      %dma_start3A_1737 = arith.constant 1 : i32
      %dma_start3A_1738 = arith.constant 0 : i32
      %dma_start3A_1739 = arith.constant 0 : i32
      %dma_start3A_1740 = tpu.memref_slice %arg8[%dma_start3A_1737, %dma_start3A_1738, %dma_start3A_1739] : memref<4x128x64xf32, #tpu.memory_space<vmem>> -> memref<1x128x64xf32, #tpu.memory_space<vmem>>
      %dma_start3A_1741 = tpu.memref_squeeze %dma_start3A_1740 : memref<1x128x64xf32, #tpu.memory_space<vmem>> -> memref<128x64xf32, #tpu.memory_space<vmem>>
      %dma_start3A_1742 = arith.constant 0 : i32
      %dma_start3A_1743 = tpu.memref_slice %arg6[%dma_start3A_1736, %dma_start3A_1742] : memref<4x128xi32, #tpu.memory_space<vmem>> -> memref<1x128xi32, #tpu.memory_space<vmem>>
      %dma_start3A_1744 = tpu.memref_squeeze %dma_start3A_1743 : memref<1x128xi32, #tpu.memory_space<vmem>> -> memref<128xi32, #tpu.memory_space<vmem>>
      %dma_start3A_1745 = arith.constant 0 : i32
      %dma_start3A_1746 = arith.constant 0 : i32
      %dma_start3A_1747 = tpu.memref_slice %arg9[%dma_start3A_1745, %dma_start3A_1746] : memref<2048x64xf32, #tpu.memory_space<vmem_shared>> -> memref<2048x64xf32, #tpu.memory_space<vmem_shared>>
      tpu.enqueue_indirect_dma source(%dma_start3A_1747 : memref<2048x64xf32, #tpu.memory_space<vmem_shared>>) target(%dma_start3A_1741 : memref<128x64xf32, #tpu.memory_space<vmem>>) offsets(%dma_start3A_1744 : memref<128xi32, #tpu.memory_space<vmem>>) semaphore(%arg13 : memref<!tpu.dma_semaphore, #tpu.memory_space<semaphore_mem>>)
      %dma_start3A_1748 = arith.constant 2 : i32
      %dma_start3A_1749 = arith.constant 2 : i32
      %dma_start3A_1750 = arith.constant 0 : i32
      %dma_start3A_1751 = arith.constant 0 : i32
      %dma_start3A_1752 = tpu.memref_slice %arg8[%dma_start3A_1749, %dma_start3A_1750, %dma_start3A_1751] : memref<4x128x64xf32, #tpu.memory_space<vmem>> -> memref<1x128x64xf32, #tpu.memory_space<vmem>>
      %dma_start3A_1753 = tpu.memref_squeeze %dma_start3A_1752 : memref<1x128x64xf32, #tpu.memory_space<vmem>> -> memref<128x64xf32, #tpu.memory_space<vmem>>
      %dma_start3A_1754 = arith.constant 0 : i32
      %dma_start3A_1755 = tpu.memref_slice %arg6[%dma_start3A_1748, %dma_start3A_1754] : memref<4x128xi32, #tpu.memory_space<vmem>> -> memref<1x128xi32, #tpu.memory_space<vmem>>
      %dma_start3A_1756 = tpu.memref_squeeze %dma_start3A_1755 : memref<1x128xi32, #tpu.memory_space<vmem>> -> memref<128xi32, #tpu.memory_space<vmem>>
      %dma_start3A_1757 = arith.constant 0 : i32
      %dma_start3A_1758 = arith.constant 0 : i32
      %dma_start3A_1759 = tpu.memref_slice %arg9[%dma_start3A_1757, %dma_start3A_1758] : memref<2048x64xf32, #tpu.memory_space<vmem_shared>> -> memref<2048x64xf32, #tpu.memory_space<vmem_shared>>
      tpu.enqueue_indirect_dma source(%dma_start3A_1759 : memref<2048x64xf32, #tpu.memory_space<vmem_shared>>) target(%dma_start3A_1753 : memref<128x64xf32, #tpu.memory_space<vmem>>) offsets(%dma_start3A_1756 : memref<128xi32, #tpu.memory_space<vmem>>) semaphore(%arg13 : memref<!tpu.dma_semaphore, #tpu.memory_space<semaphore_mem>>)
      %dma_start3A_1760 = arith.constant 3 : i32
      %dma_start3A_1761 = arith.constant 3 : i32
      %dma_start3A_1762 = arith.constant 0 : i32
      %dma_start3A_1763 = arith.constant 0 : i32
      %dma_start3A_1764 = tpu.memref_slice %arg8[%dma_start3A_1761, %dma_start3A_1762, %dma_start3A_1763] : memref<4x128x64xf32, #tpu.memory_space<vmem>> -> memref<1x128x64xf32, #tpu.memory_space<vmem>>
      %dma_start3A_1765 = tpu.memref_squeeze %dma_start3A_1764 : memref<1x128x64xf32, #tpu.memory_space<vmem>> -> memref<128x64xf32, #tpu.memory_space<vmem>>
      %dma_start3A_1766 = arith.constant 0 : i32
      %dma_start3A_1767 = tpu.memref_slice %arg6[%dma_start3A_1760, %dma_start3A_1766] : memref<4x128xi32, #tpu.memory_space<vmem>> -> memref<1x128xi32, #tpu.memory_space<vmem>>
      %dma_start3A_1768 = tpu.memref_squeeze %dma_start3A_1767 : memref<1x128xi32, #tpu.memory_space<vmem>> -> memref<128xi32, #tpu.memory_space<vmem>>
      %dma_start3A_1769 = arith.constant 0 : i32
      %dma_start3A_1770 = arith.constant 0 : i32
      %dma_start3A_1771 = tpu.memref_slice %arg9[%dma_start3A_1769, %dma_start3A_1770] : memref<2048x64xf32, #tpu.memory_space<vmem_shared>> -> memref<2048x64xf32, #tpu.memory_space<vmem_shared>>
      tpu.enqueue_indirect_dma source(%dma_start3A_1771 : memref<2048x64xf32, #tpu.memory_space<vmem_shared>>) target(%dma_start3A_1765 : memref<128x64xf32, #tpu.memory_space<vmem>>) offsets(%dma_start3A_1768 : memref<128xi32, #tpu.memory_space<vmem>>) semaphore(%arg13 : memref<!tpu.dma_semaphore, #tpu.memory_space<semaphore_mem>>)
      %dma_wait3A_1772 = arith.constant 0 : i32
      %dma_wait3A_1773 = arith.constant 0 : i32
      %dma_wait3A_1774 = arith.constant 0 : i32
      %dma_wait3A_1775 = arith.constant 0 : i32
      %dma_wait3A_1776 = tpu.memref_slice %arg7[%dma_wait3A_1773, %dma_wait3A_1774, %dma_wait3A_1775] : memref<4x128x64xf32, #tpu.memory_space<vmem>> -> memref<1x128x64xf32, #tpu.memory_space<vmem>>
      %dma_wait3A_1777 = tpu.memref_squeeze %dma_wait3A_1776 : memref<1x128x64xf32, #tpu.memory_space<vmem>> -> memref<128x64xf32, #tpu.memory_space<vmem>>
      %dma_wait3A_1778 = arith.constant 0 : i32
      %dma_wait3A_1779 = tpu.memref_slice %arg5[%dma_wait3A_1772, %dma_wait3A_1778] : memref<4x128xi32, #tpu.memory_space<vmem>> -> memref<1x128xi32, #tpu.memory_space<vmem>>
      %dma_wait3A_1780 = tpu.memref_squeeze %dma_wait3A_1779 : memref<1x128xi32, #tpu.memory_space<vmem>> -> memref<128xi32, #tpu.memory_space<vmem>>
      %dma_wait3A_1781 = arith.constant 0 : i32
      %dma_wait3A_1782 = arith.constant 0 : i32
      %dma_wait3A_1783 = tpu.memref_slice %arg9[%dma_wait3A_1781, %dma_wait3A_1782] : memref<2048x64xf32, #tpu.memory_space<vmem_shared>> -> memref<2048x64xf32, #tpu.memory_space<vmem_shared>>
      tpu.wait_indirect_dma semaphore(%arg12 : memref<!tpu.dma_semaphore, #tpu.memory_space<semaphore_mem>>) src(%dma_wait3A_1783 : memref<2048x64xf32, #tpu.memory_space<vmem_shared>>) dst(%dma_wait3A_1777 : memref<128x64xf32, #tpu.memory_space<vmem>>)
      %dma_wait3A_1784 = arith.constant 1 : i32
      %dma_wait3A_1785 = arith.constant 1 : i32
      %dma_wait3A_1786 = arith.constant 0 : i32
      %dma_wait3A_1787 = arith.constant 0 : i32
      %dma_wait3A_1788 = tpu.memref_slice %arg7[%dma_wait3A_1785, %dma_wait3A_1786, %dma_wait3A_1787] : memref<4x128x64xf32, #tpu.memory_space<vmem>> -> memref<1x128x64xf32, #tpu.memory_space<vmem>>
      %dma_wait3A_1789 = tpu.memref_squeeze %dma_wait3A_1788 : memref<1x128x64xf32, #tpu.memory_space<vmem>> -> memref<128x64xf32, #tpu.memory_space<vmem>>
      %dma_wait3A_1790 = arith.constant 0 : i32
      %dma_wait3A_1791 = tpu.memref_slice %arg5[%dma_wait3A_1784, %dma_wait3A_1790] : memref<4x128xi32, #tpu.memory_space<vmem>> -> memref<1x128xi32, #tpu.memory_space<vmem>>
      %dma_wait3A_1792 = tpu.memref_squeeze %dma_wait3A_1791 : memref<1x128xi32, #tpu.memory_space<vmem>> -> memref<128xi32, #tpu.memory_space<vmem>>
      %dma_wait3A_1793 = arith.constant 0 : i32
      %dma_wait3A_1794 = arith.constant 0 : i32
      %dma_wait3A_1795 = tpu.memref_slice %arg9[%dma_wait3A_1793, %dma_wait3A_1794] : memref<2048x64xf32, #tpu.memory_space<vmem_shared>> -> memref<2048x64xf32, #tpu.memory_space<vmem_shared>>
      tpu.wait_indirect_dma semaphore(%arg12 : memref<!tpu.dma_semaphore, #tpu.memory_space<semaphore_mem>>) src(%dma_wait3A_1795 : memref<2048x64xf32, #tpu.memory_space<vmem_shared>>) dst(%dma_wait3A_1789 : memref<128x64xf32, #tpu.memory_space<vmem>>)
      %dma_wait3A_1796 = arith.constant 2 : i32
      %dma_wait3A_1797 = arith.constant 2 : i32
      %dma_wait3A_1798 = arith.constant 0 : i32
      %dma_wait3A_1799 = arith.constant 0 : i32
      %dma_wait3A_1800 = tpu.memref_slice %arg7[%dma_wait3A_1797, %dma_wait3A_1798, %dma_wait3A_1799] : memref<4x128x64xf32, #tpu.memory_space<vmem>> -> memref<1x128x64xf32, #tpu.memory_space<vmem>>
      %dma_wait3A_1801 = tpu.memref_squeeze %dma_wait3A_1800 : memref<1x128x64xf32, #tpu.memory_space<vmem>> -> memref<128x64xf32, #tpu.memory_space<vmem>>
      %dma_wait3A_1802 = arith.constant 0 : i32
      %dma_wait3A_1803 = tpu.memref_slice %arg5[%dma_wait3A_1796, %dma_wait3A_1802] : memref<4x128xi32, #tpu.memory_space<vmem>> -> memref<1x128xi32, #tpu.memory_space<vmem>>
      %dma_wait3A_1804 = tpu.memref_squeeze %dma_wait3A_1803 : memref<1x128xi32, #tpu.memory_space<vmem>> -> memref<128xi32, #tpu.memory_space<vmem>>
      %dma_wait3A_1805 = arith.constant 0 : i32
      %dma_wait3A_1806 = arith.constant 0 : i32
      %dma_wait3A_1807 = tpu.memref_slice %arg9[%dma_wait3A_1805, %dma_wait3A_1806] : memref<2048x64xf32, #tpu.memory_space<vmem_shared>> -> memref<2048x64xf32, #tpu.memory_space<vmem_shared>>
      tpu.wait_indirect_dma semaphore(%arg12 : memref<!tpu.dma_semaphore, #tpu.memory_space<semaphore_mem>>) src(%dma_wait3A_1807 : memref<2048x64xf32, #tpu.memory_space<vmem_shared>>) dst(%dma_wait3A_1801 : memref<128x64xf32, #tpu.memory_space<vmem>>)
      %dma_wait3A_1808 = arith.constant 3 : i32
      %dma_wait3A_1809 = arith.constant 3 : i32
      %dma_wait3A_1810 = arith.constant 0 : i32
      %dma_wait3A_1811 = arith.constant 0 : i32
      %dma_wait3A_1812 = tpu.memref_slice %arg7[%dma_wait3A_1809, %dma_wait3A_1810, %dma_wait3A_1811] : memref<4x128x64xf32, #tpu.memory_space<vmem>> -> memref<1x128x64xf32, #tpu.memory_space<vmem>>
      %dma_wait3A_1813 = tpu.memref_squeeze %dma_wait3A_1812 : memref<1x128x64xf32, #tpu.memory_space<vmem>> -> memref<128x64xf32, #tpu.memory_space<vmem>>
      %dma_wait3A_1814 = arith.constant 0 : i32
      %dma_wait3A_1815 = tpu.memref_slice %arg5[%dma_wait3A_1808, %dma_wait3A_1814] : memref<4x128xi32, #tpu.memory_space<vmem>> -> memref<1x128xi32, #tpu.memory_space<vmem>>
      %dma_wait3A_1816 = tpu.memref_squeeze %dma_wait3A_1815 : memref<1x128xi32, #tpu.memory_space<vmem>> -> memref<128xi32, #tpu.memory_space<vmem>>
      %dma_wait3A_1817 = arith.constant 0 : i32
      %dma_wait3A_1818 = arith.constant 0 : i32
      %dma_wait3A_1819 = tpu.memref_slice %arg9[%dma_wait3A_1817, %dma_wait3A_1818] : memref<2048x64xf32, #tpu.memory_space<vmem_shared>> -> memref<2048x64xf32, #tpu.memory_space<vmem_shared>>
      tpu.wait_indirect_dma semaphore(%arg12 : memref<!tpu.dma_semaphore, #tpu.memory_space<semaphore_mem>>) src(%dma_wait3A_1819 : memref<2048x64xf32, #tpu.memory_space<vmem_shared>>) dst(%dma_wait3A_1813 : memref<128x64xf32, #tpu.memory_space<vmem>>)
      %add3A_1820 = arith.constant 0 : i32
      %add3A_1821 = arith.addi %mul3A_1409, %add3A_1820 : i32
      %add3A_1822 = arith.constant 2 : i32
      %add3A_1823 = arith.addi %add3A_1821, %add3A_1822 : i32
      %mul3A_1824 = arith.constant 128 : i32
      %mul3A_1825 = arith.muli %add3A_1823, %mul3A_1824 : i32
      %add3A_1826 = arith.addi %mul3A_2, %mul3A_1825 : i32
      %jit3A_1827 = arith.constant 4096 : i32
      %div3A_1828 = arith.divsi %add3A_1826, %jit3A_1827 : i32
      %sign3A_1829 = arith.constant 0 : i32
      %sign3A_1830 = arith.cmpi sgt, %add3A_1826, %sign3A_1829 : i32
      %sign3A_1831 = arith.extui %sign3A_1830 : i1 to i32
      %sign3A_1832 = arith.constant 0 : i32
      %sign3A_1833 = arith.cmpi slt, %add3A_1826, %sign3A_1832 : i32
      %sign3A_1834 = arith.extui %sign3A_1833 : i1 to i32
      %sign3A_1835 = arith.subi %sign3A_1831, %sign3A_1834 : i32
      %sign3A_1836 = arith.constant 0 : i32
      %sign3A_1837 = arith.cmpi sgt, %jit3A_1827, %sign3A_1836 : i32
      %sign3A_1838 = arith.extui %sign3A_1837 : i1 to i32
      %sign3A_1839 = arith.constant 0 : i32
      %sign3A_1840 = arith.cmpi slt, %jit3A_1827, %sign3A_1839 : i32
      %sign3A_1841 = arith.extui %sign3A_1840 : i1 to i32
      %sign3A_1842 = arith.subi %sign3A_1838, %sign3A_1841 : i32
      %ne3A_1843 = arith.cmpi ne, %sign3A_1835, %sign3A_1842 : i32
      %rem3A_1844 = arith.remsi %add3A_1826, %jit3A_1827 : i32
      %ne3A_1845 = arith.constant 0 : i32
      %ne3A_1846 = arith.cmpi ne, %rem3A_1844, %ne3A_1845 : i32
      %and3A_1847 = arith.andi %ne3A_1843, %ne3A_1846 : i1
      %sub3A_1848 = arith.constant 1 : i32
      %sub3A_1849 = arith.subi %div3A_1828, %sub3A_1848 : i32
      %select_n3A_1850 = arith.select %and3A_1847, %sub3A_1849, %div3A_1828 : i32
      %jit3A_1851 = arith.constant 4096 : i32
      %eq3A_1852 = arith.constant 0 : i32
      %eq3A_1853 = arith.cmpi eq, %jit3A_1851, %eq3A_1852 : i32
      %jit3A_1854 = arith.constant 1 : i32
      %select_n3A_1855 = arith.select %eq3A_1853, %jit3A_1854, %jit3A_1851 : i32
      %rem3A_1856 = arith.remsi %add3A_1826, %select_n3A_1855 : i32
      %ne3A_1857 = arith.constant 0 : i32
      %ne3A_1858 = arith.cmpi ne, %rem3A_1856, %ne3A_1857 : i32
      %lt3A_1859 = arith.constant 0 : i32
      %lt3A_1860 = arith.cmpi slt, %rem3A_1856, %lt3A_1859 : i32
      %lt3A_1861 = arith.constant 0 : i32
      %lt3A_1862 = arith.cmpi slt, %select_n3A_1855, %lt3A_1861 : i32
      %ne3A_1863 = arith.xori %lt3A_1860, %lt3A_1862 : i1
      %and3A_1864 = arith.andi %ne3A_1863, %ne3A_1858 : i1
      %add3A_1865 = arith.addi %rem3A_1856, %select_n3A_1855 : i32
      %select_n3A_1866 = arith.select %and3A_1864, %add3A_1865, %rem3A_1856 : i32
      %jit3A_1867 = arith.constant 128 : i32
      %div3A_1868 = arith.divsi %select_n3A_1866, %jit3A_1867 : i32
      %sign3A_1869 = arith.constant 0 : i32
      %sign3A_1870 = arith.cmpi sgt, %select_n3A_1866, %sign3A_1869 : i32
      %sign3A_1871 = arith.extui %sign3A_1870 : i1 to i32
      %sign3A_1872 = arith.constant 0 : i32
      %sign3A_1873 = arith.cmpi slt, %select_n3A_1866, %sign3A_1872 : i32
      %sign3A_1874 = arith.extui %sign3A_1873 : i1 to i32
      %sign3A_1875 = arith.subi %sign3A_1871, %sign3A_1874 : i32
      %sign3A_1876 = arith.constant 0 : i32
      %sign3A_1877 = arith.cmpi sgt, %jit3A_1867, %sign3A_1876 : i32
      %sign3A_1878 = arith.extui %sign3A_1877 : i1 to i32
      %sign3A_1879 = arith.constant 0 : i32
      %sign3A_1880 = arith.cmpi slt, %jit3A_1867, %sign3A_1879 : i32
      %sign3A_1881 = arith.extui %sign3A_1880 : i1 to i32
      %sign3A_1882 = arith.subi %sign3A_1878, %sign3A_1881 : i32
      %ne3A_1883 = arith.cmpi ne, %sign3A_1875, %sign3A_1882 : i32
      %rem3A_1884 = arith.remsi %select_n3A_1866, %jit3A_1867 : i32
      %ne3A_1885 = arith.constant 0 : i32
      %ne3A_1886 = arith.cmpi ne, %rem3A_1884, %ne3A_1885 : i32
      %and3A_1887 = arith.andi %ne3A_1883, %ne3A_1886 : i1
      %sub3A_1888 = arith.constant 1 : i32
      %sub3A_1889 = arith.subi %div3A_1868, %sub3A_1888 : i32
      %select_n3A_1890 = arith.select %and3A_1887, %sub3A_1889, %div3A_1868 : i32
      %dma_start3A_1891 = arith.constant 0 : i32
      %dma_start3A_1892 = arith.constant 0 : i32
      %dma_start3A_1893 = tpu.memref_slice %arg3[%select_n3A_1850, %select_n3A_1890, %dma_start3A_1891, %dma_start3A_1892] : memref<50x32x4x128xi32, #tpu.memory_space<hbm>> -> memref<1x1x4x128xi32, #tpu.memory_space<hbm>>
      %dma_start3A_1894 = tpu.memref_squeeze %dma_start3A_1893 : memref<1x1x4x128xi32, #tpu.memory_space<hbm>> -> memref<4x128xi32, #tpu.memory_space<hbm>>
      %dma_start3A_1895 = arith.constant 0 : i32
      %dma_start3A_1896 = arith.constant 0 : i32
      %dma_start3A_1897 = tpu.memref_slice %arg3[%select_n3A_1850, %select_n3A_1890, %dma_start3A_1895, %dma_start3A_1896] : memref<50x32x4x128xi32, #tpu.memory_space<hbm>> -> memref<1x1x4x128xi32, #tpu.memory_space<hbm>>
      %dma_start3A_1898 = tpu.memref_squeeze %dma_start3A_1897 : memref<1x1x4x128xi32, #tpu.memory_space<hbm>> -> memref<4x128xi32, #tpu.memory_space<hbm>>
      tpu.enqueue_dma source(%dma_start3A_1898 : memref<4x128xi32, #tpu.memory_space<hbm>>) target(%arg5 : memref<4x128xi32, #tpu.memory_space<vmem>>) target_semaphore(%arg10 : memref<!tpu.dma_semaphore, #tpu.memory_space<semaphore_mem>>)
      %add3A_1899 = arith.constant 0 : i32
      %add3A_1900 = arith.addi %mul3A_1409, %add3A_1899 : i32
      %mul3A_1901 = arith.constant 128 : i32
      %mul3A_1902 = arith.muli %add3A_1900, %mul3A_1901 : i32
      %add3A_1903 = arith.addi %mul3A_2, %mul3A_1902 : i32
      %dma_start3A_1904 = arith.constant 0 : i32
      %dma_start3A_1905 = arith.constant 0 : i32
      %dma_start3A_1906 = arith.constant 0 : i32
      %dma_start3A_1907 = tpu.memref_slice %arg7[%dma_start3A_1904, %dma_start3A_1905, %dma_start3A_1906] : memref<4x128x64xf32, #tpu.memory_space<vmem>> -> memref<1x128x64xf32, #tpu.memory_space<vmem>>
      %dma_start3A_1908 = tpu.memref_squeeze %dma_start3A_1907 : memref<1x128x64xf32, #tpu.memory_space<vmem>> -> memref<128x64xf32, #tpu.memory_space<vmem>>
      %dma_start3A_1909 = arith.constant 0 : i32
      %dma_start3A_1910 = tpu.memref_slice %arg4[%add3A_1903, %dma_start3A_1909] : memref<204800x256xf32, #tpu.memory_space<hbm>> -> memref<128x64xf32, #tpu.memory_space<hbm>>
      %dma_start3A_1911 = arith.constant 0 : i32
      %dma_start3A_1912 = tpu.memref_slice %arg4[%add3A_1903, %dma_start3A_1911] : memref<204800x256xf32, #tpu.memory_space<hbm>> -> memref<128x64xf32, #tpu.memory_space<hbm>>
      %dma_start3A_1913 = arith.constant 0 : i32
      %dma_start3A_1914 = arith.constant 0 : i32
      %dma_start3A_1915 = tpu.memref_slice %arg7[%dma_start3A_1904, %dma_start3A_1913, %dma_start3A_1914] : memref<4x128x64xf32, #tpu.memory_space<vmem>> -> memref<1x128x64xf32, #tpu.memory_space<vmem>>
      %dma_start3A_1916 = tpu.memref_squeeze %dma_start3A_1915 : memref<1x128x64xf32, #tpu.memory_space<vmem>> -> memref<128x64xf32, #tpu.memory_space<vmem>>
      tpu.enqueue_dma source(%dma_start3A_1916 : memref<128x64xf32, #tpu.memory_space<vmem>>) target(%dma_start3A_1912 : memref<128x64xf32, #tpu.memory_space<hbm>>) target_semaphore(%arg14 : memref<!tpu.dma_semaphore, #tpu.memory_space<semaphore_mem>>)
      %dma_start3A_1917 = arith.constant 1 : i32
      %dma_start3A_1918 = arith.constant 0 : i32
      %dma_start3A_1919 = arith.constant 0 : i32
      %dma_start3A_1920 = tpu.memref_slice %arg7[%dma_start3A_1917, %dma_start3A_1918, %dma_start3A_1919] : memref<4x128x64xf32, #tpu.memory_space<vmem>> -> memref<1x128x64xf32, #tpu.memory_space<vmem>>
      %dma_start3A_1921 = tpu.memref_squeeze %dma_start3A_1920 : memref<1x128x64xf32, #tpu.memory_space<vmem>> -> memref<128x64xf32, #tpu.memory_space<vmem>>
      %dma_start3A_1922 = arith.constant 64 : i32
      %dma_start3A_1923 = tpu.memref_slice %arg4[%add3A_1903, %dma_start3A_1922] : memref<204800x256xf32, #tpu.memory_space<hbm>> -> memref<128x64xf32, #tpu.memory_space<hbm>>
      %dma_start3A_1924 = arith.constant 64 : i32
      %dma_start3A_1925 = tpu.memref_slice %arg4[%add3A_1903, %dma_start3A_1924] : memref<204800x256xf32, #tpu.memory_space<hbm>> -> memref<128x64xf32, #tpu.memory_space<hbm>>
      %dma_start3A_1926 = arith.constant 0 : i32
      %dma_start3A_1927 = arith.constant 0 : i32
      %dma_start3A_1928 = tpu.memref_slice %arg7[%dma_start3A_1917, %dma_start3A_1926, %dma_start3A_1927] : memref<4x128x64xf32, #tpu.memory_space<vmem>> -> memref<1x128x64xf32, #tpu.memory_space<vmem>>
      %dma_start3A_1929 = tpu.memref_squeeze %dma_start3A_1928 : memref<1x128x64xf32, #tpu.memory_space<vmem>> -> memref<128x64xf32, #tpu.memory_space<vmem>>
      tpu.enqueue_dma source(%dma_start3A_1929 : memref<128x64xf32, #tpu.memory_space<vmem>>) target(%dma_start3A_1925 : memref<128x64xf32, #tpu.memory_space<hbm>>) target_semaphore(%arg14 : memref<!tpu.dma_semaphore, #tpu.memory_space<semaphore_mem>>)
      %dma_start3A_1930 = arith.constant 2 : i32
      %dma_start3A_1931 = arith.constant 0 : i32
      %dma_start3A_1932 = arith.constant 0 : i32
      %dma_start3A_1933 = tpu.memref_slice %arg7[%dma_start3A_1930, %dma_start3A_1931, %dma_start3A_1932] : memref<4x128x64xf32, #tpu.memory_space<vmem>> -> memref<1x128x64xf32, #tpu.memory_space<vmem>>
      %dma_start3A_1934 = tpu.memref_squeeze %dma_start3A_1933 : memref<1x128x64xf32, #tpu.memory_space<vmem>> -> memref<128x64xf32, #tpu.memory_space<vmem>>
      %dma_start3A_1935 = arith.constant 128 : i32
      %dma_start3A_1936 = tpu.memref_slice %arg4[%add3A_1903, %dma_start3A_1935] : memref<204800x256xf32, #tpu.memory_space<hbm>> -> memref<128x64xf32, #tpu.memory_space<hbm>>
      %dma_start3A_1937 = arith.constant 128 : i32
      %dma_start3A_1938 = tpu.memref_slice %arg4[%add3A_1903, %dma_start3A_1937] : memref<204800x256xf32, #tpu.memory_space<hbm>> -> memref<128x64xf32, #tpu.memory_space<hbm>>
      %dma_start3A_1939 = arith.constant 0 : i32
      %dma_start3A_1940 = arith.constant 0 : i32
      %dma_start3A_1941 = tpu.memref_slice %arg7[%dma_start3A_1930, %dma_start3A_1939, %dma_start3A_1940] : memref<4x128x64xf32, #tpu.memory_space<vmem>> -> memref<1x128x64xf32, #tpu.memory_space<vmem>>
      %dma_start3A_1942 = tpu.memref_squeeze %dma_start3A_1941 : memref<1x128x64xf32, #tpu.memory_space<vmem>> -> memref<128x64xf32, #tpu.memory_space<vmem>>
      tpu.enqueue_dma source(%dma_start3A_1942 : memref<128x64xf32, #tpu.memory_space<vmem>>) target(%dma_start3A_1938 : memref<128x64xf32, #tpu.memory_space<hbm>>) target_semaphore(%arg14 : memref<!tpu.dma_semaphore, #tpu.memory_space<semaphore_mem>>)
      %dma_start3A_1943 = arith.constant 3 : i32
      %dma_start3A_1944 = arith.constant 0 : i32
      %dma_start3A_1945 = arith.constant 0 : i32
      %dma_start3A_1946 = tpu.memref_slice %arg7[%dma_start3A_1943, %dma_start3A_1944, %dma_start3A_1945] : memref<4x128x64xf32, #tpu.memory_space<vmem>> -> memref<1x128x64xf32, #tpu.memory_space<vmem>>
      %dma_start3A_1947 = tpu.memref_squeeze %dma_start3A_1946 : memref<1x128x64xf32, #tpu.memory_space<vmem>> -> memref<128x64xf32, #tpu.memory_space<vmem>>
      %dma_start3A_1948 = arith.constant 192 : i32
      %dma_start3A_1949 = tpu.memref_slice %arg4[%add3A_1903, %dma_start3A_1948] : memref<204800x256xf32, #tpu.memory_space<hbm>> -> memref<128x64xf32, #tpu.memory_space<hbm>>
      %dma_start3A_1950 = arith.constant 192 : i32
      %dma_start3A_1951 = tpu.memref_slice %arg4[%add3A_1903, %dma_start3A_1950] : memref<204800x256xf32, #tpu.memory_space<hbm>> -> memref<128x64xf32, #tpu.memory_space<hbm>>
      %dma_start3A_1952 = arith.constant 0 : i32
      %dma_start3A_1953 = arith.constant 0 : i32
      %dma_start3A_1954 = tpu.memref_slice %arg7[%dma_start3A_1943, %dma_start3A_1952, %dma_start3A_1953] : memref<4x128x64xf32, #tpu.memory_space<vmem>> -> memref<1x128x64xf32, #tpu.memory_space<vmem>>
      %dma_start3A_1955 = tpu.memref_squeeze %dma_start3A_1954 : memref<1x128x64xf32, #tpu.memory_space<vmem>> -> memref<128x64xf32, #tpu.memory_space<vmem>>
      tpu.enqueue_dma source(%dma_start3A_1955 : memref<128x64xf32, #tpu.memory_space<vmem>>) target(%dma_start3A_1951 : memref<128x64xf32, #tpu.memory_space<hbm>>) target_semaphore(%arg14 : memref<!tpu.dma_semaphore, #tpu.memory_space<semaphore_mem>>)
      %dma_wait3A_1956 = arith.constant 0 : i32
      %dma_wait3A_1957 = arith.constant 0 : i32
      %dma_wait3A_1958 = arith.constant 0 : i32
      %dma_wait3A_1959 = arith.constant 0 : i32
      %dma_wait3A_1960 = tpu.memref_slice %arg8[%dma_wait3A_1957, %dma_wait3A_1958, %dma_wait3A_1959] : memref<4x128x64xf32, #tpu.memory_space<vmem>> -> memref<1x128x64xf32, #tpu.memory_space<vmem>>
      %dma_wait3A_1961 = tpu.memref_squeeze %dma_wait3A_1960 : memref<1x128x64xf32, #tpu.memory_space<vmem>> -> memref<128x64xf32, #tpu.memory_space<vmem>>
      %dma_wait3A_1962 = arith.constant 0 : i32
      %dma_wait3A_1963 = tpu.memref_slice %arg6[%dma_wait3A_1956, %dma_wait3A_1962] : memref<4x128xi32, #tpu.memory_space<vmem>> -> memref<1x128xi32, #tpu.memory_space<vmem>>
      %dma_wait3A_1964 = tpu.memref_squeeze %dma_wait3A_1963 : memref<1x128xi32, #tpu.memory_space<vmem>> -> memref<128xi32, #tpu.memory_space<vmem>>
      %dma_wait3A_1965 = arith.constant 0 : i32
      %dma_wait3A_1966 = arith.constant 0 : i32
      %dma_wait3A_1967 = tpu.memref_slice %arg9[%dma_wait3A_1965, %dma_wait3A_1966] : memref<2048x64xf32, #tpu.memory_space<vmem_shared>> -> memref<2048x64xf32, #tpu.memory_space<vmem_shared>>
      tpu.wait_indirect_dma semaphore(%arg13 : memref<!tpu.dma_semaphore, #tpu.memory_space<semaphore_mem>>) src(%dma_wait3A_1967 : memref<2048x64xf32, #tpu.memory_space<vmem_shared>>) dst(%dma_wait3A_1961 : memref<128x64xf32, #tpu.memory_space<vmem>>)
      %dma_wait3A_1968 = arith.constant 1 : i32
      %dma_wait3A_1969 = arith.constant 1 : i32
      %dma_wait3A_1970 = arith.constant 0 : i32
      %dma_wait3A_1971 = arith.constant 0 : i32
      %dma_wait3A_1972 = tpu.memref_slice %arg8[%dma_wait3A_1969, %dma_wait3A_1970, %dma_wait3A_1971] : memref<4x128x64xf32, #tpu.memory_space<vmem>> -> memref<1x128x64xf32, #tpu.memory_space<vmem>>
      %dma_wait3A_1973 = tpu.memref_squeeze %dma_wait3A_1972 : memref<1x128x64xf32, #tpu.memory_space<vmem>> -> memref<128x64xf32, #tpu.memory_space<vmem>>
      %dma_wait3A_1974 = arith.constant 0 : i32
      %dma_wait3A_1975 = tpu.memref_slice %arg6[%dma_wait3A_1968, %dma_wait3A_1974] : memref<4x128xi32, #tpu.memory_space<vmem>> -> memref<1x128xi32, #tpu.memory_space<vmem>>
      %dma_wait3A_1976 = tpu.memref_squeeze %dma_wait3A_1975 : memref<1x128xi32, #tpu.memory_space<vmem>> -> memref<128xi32, #tpu.memory_space<vmem>>
      %dma_wait3A_1977 = arith.constant 0 : i32
      %dma_wait3A_1978 = arith.constant 0 : i32
      %dma_wait3A_1979 = tpu.memref_slice %arg9[%dma_wait3A_1977, %dma_wait3A_1978] : memref<2048x64xf32, #tpu.memory_space<vmem_shared>> -> memref<2048x64xf32, #tpu.memory_space<vmem_shared>>
      tpu.wait_indirect_dma semaphore(%arg13 : memref<!tpu.dma_semaphore, #tpu.memory_space<semaphore_mem>>) src(%dma_wait3A_1979 : memref<2048x64xf32, #tpu.memory_space<vmem_shared>>) dst(%dma_wait3A_1973 : memref<128x64xf32, #tpu.memory_space<vmem>>)
      %dma_wait3A_1980 = arith.constant 2 : i32
      %dma_wait3A_1981 = arith.constant 2 : i32
      %dma_wait3A_1982 = arith.constant 0 : i32
      %dma_wait3A_1983 = arith.constant 0 : i32
      %dma_wait3A_1984 = tpu.memref_slice %arg8[%dma_wait3A_1981, %dma_wait3A_1982, %dma_wait3A_1983] : memref<4x128x64xf32, #tpu.memory_space<vmem>> -> memref<1x128x64xf32, #tpu.memory_space<vmem>>
      %dma_wait3A_1985 = tpu.memref_squeeze %dma_wait3A_1984 : memref<1x128x64xf32, #tpu.memory_space<vmem>> -> memref<128x64xf32, #tpu.memory_space<vmem>>
      %dma_wait3A_1986 = arith.constant 0 : i32
      %dma_wait3A_1987 = tpu.memref_slice %arg6[%dma_wait3A_1980, %dma_wait3A_1986] : memref<4x128xi32, #tpu.memory_space<vmem>> -> memref<1x128xi32, #tpu.memory_space<vmem>>
      %dma_wait3A_1988 = tpu.memref_squeeze %dma_wait3A_1987 : memref<1x128xi32, #tpu.memory_space<vmem>> -> memref<128xi32, #tpu.memory_space<vmem>>
      %dma_wait3A_1989 = arith.constant 0 : i32
      %dma_wait3A_1990 = arith.constant 0 : i32
      %dma_wait3A_1991 = tpu.memref_slice %arg9[%dma_wait3A_1989, %dma_wait3A_1990] : memref<2048x64xf32, #tpu.memory_space<vmem_shared>> -> memref<2048x64xf32, #tpu.memory_space<vmem_shared>>
      tpu.wait_indirect_dma semaphore(%arg13 : memref<!tpu.dma_semaphore, #tpu.memory_space<semaphore_mem>>) src(%dma_wait3A_1991 : memref<2048x64xf32, #tpu.memory_space<vmem_shared>>) dst(%dma_wait3A_1985 : memref<128x64xf32, #tpu.memory_space<vmem>>)
      %dma_wait3A_1992 = arith.constant 3 : i32
      %dma_wait3A_1993 = arith.constant 3 : i32
      %dma_wait3A_1994 = arith.constant 0 : i32
      %dma_wait3A_1995 = arith.constant 0 : i32
      %dma_wait3A_1996 = tpu.memref_slice %arg8[%dma_wait3A_1993, %dma_wait3A_1994, %dma_wait3A_1995] : memref<4x128x64xf32, #tpu.memory_space<vmem>> -> memref<1x128x64xf32, #tpu.memory_space<vmem>>
      %dma_wait3A_1997 = tpu.memref_squeeze %dma_wait3A_1996 : memref<1x128x64xf32, #tpu.memory_space<vmem>> -> memref<128x64xf32, #tpu.memory_space<vmem>>
      %dma_wait3A_1998 = arith.constant 0 : i32
      %dma_wait3A_1999 = tpu.memref_slice %arg6[%dma_wait3A_1992, %dma_wait3A_1998] : memref<4x128xi32, #tpu.memory_space<vmem>> -> memref<1x128xi32, #tpu.memory_space<vmem>>
      %dma_wait3A_2000 = tpu.memref_squeeze %dma_wait3A_1999 : memref<1x128xi32, #tpu.memory_space<vmem>> -> memref<128xi32, #tpu.memory_space<vmem>>
      %dma_wait3A_2001 = arith.constant 0 : i32
      %dma_wait3A_2002 = arith.constant 0 : i32
      %dma_wait3A_2003 = tpu.memref_slice %arg9[%dma_wait3A_2001, %dma_wait3A_2002] : memref<2048x64xf32, #tpu.memory_space<vmem_shared>> -> memref<2048x64xf32, #tpu.memory_space<vmem_shared>>
      tpu.wait_indirect_dma semaphore(%arg13 : memref<!tpu.dma_semaphore, #tpu.memory_space<semaphore_mem>>) src(%dma_wait3A_2003 : memref<2048x64xf32, #tpu.memory_space<vmem_shared>>) dst(%dma_wait3A_1997 : memref<128x64xf32, #tpu.memory_space<vmem>>)
      %add3A_2004 = arith.constant 1 : i32
      %add3A_2005 = arith.addi %mul3A_1409, %add3A_2004 : i32
      %add3A_2006 = arith.constant 2 : i32
      %add3A_2007 = arith.addi %add3A_2005, %add3A_2006 : i32
      %mul3A_2008 = arith.constant 128 : i32
      %mul3A_2009 = arith.muli %add3A_2007, %mul3A_2008 : i32
      %add3A_2010 = arith.addi %mul3A_2, %mul3A_2009 : i32
      %jit3A_2011 = arith.constant 4096 : i32
      %div3A_2012 = arith.divsi %add3A_2010, %jit3A_2011 : i32
      %sign3A_2013 = arith.constant 0 : i32
      %sign3A_2014 = arith.cmpi sgt, %add3A_2010, %sign3A_2013 : i32
      %sign3A_2015 = arith.extui %sign3A_2014 : i1 to i32
      %sign3A_2016 = arith.constant 0 : i32
      %sign3A_2017 = arith.cmpi slt, %add3A_2010, %sign3A_2016 : i32
      %sign3A_2018 = arith.extui %sign3A_2017 : i1 to i32
      %sign3A_2019 = arith.subi %sign3A_2015, %sign3A_2018 : i32
      %sign3A_2020 = arith.constant 0 : i32
      %sign3A_2021 = arith.cmpi sgt, %jit3A_2011, %sign3A_2020 : i32
      %sign3A_2022 = arith.extui %sign3A_2021 : i1 to i32
      %sign3A_2023 = arith.constant 0 : i32
      %sign3A_2024 = arith.cmpi slt, %jit3A_2011, %sign3A_2023 : i32
      %sign3A_2025 = arith.extui %sign3A_2024 : i1 to i32
      %sign3A_2026 = arith.subi %sign3A_2022, %sign3A_2025 : i32
      %ne3A_2027 = arith.cmpi ne, %sign3A_2019, %sign3A_2026 : i32
      %rem3A_2028 = arith.remsi %add3A_2010, %jit3A_2011 : i32
      %ne3A_2029 = arith.constant 0 : i32
      %ne3A_2030 = arith.cmpi ne, %rem3A_2028, %ne3A_2029 : i32
      %and3A_2031 = arith.andi %ne3A_2027, %ne3A_2030 : i1
      %sub3A_2032 = arith.constant 1 : i32
      %sub3A_2033 = arith.subi %div3A_2012, %sub3A_2032 : i32
      %select_n3A_2034 = arith.select %and3A_2031, %sub3A_2033, %div3A_2012 : i32
      %jit3A_2035 = arith.constant 4096 : i32
      %eq3A_2036 = arith.constant 0 : i32
      %eq3A_2037 = arith.cmpi eq, %jit3A_2035, %eq3A_2036 : i32
      %jit3A_2038 = arith.constant 1 : i32
      %select_n3A_2039 = arith.select %eq3A_2037, %jit3A_2038, %jit3A_2035 : i32
      %rem3A_2040 = arith.remsi %add3A_2010, %select_n3A_2039 : i32
      %ne3A_2041 = arith.constant 0 : i32
      %ne3A_2042 = arith.cmpi ne, %rem3A_2040, %ne3A_2041 : i32
      %lt3A_2043 = arith.constant 0 : i32
      %lt3A_2044 = arith.cmpi slt, %rem3A_2040, %lt3A_2043 : i32
      %lt3A_2045 = arith.constant 0 : i32
      %lt3A_2046 = arith.cmpi slt, %select_n3A_2039, %lt3A_2045 : i32
      %ne3A_2047 = arith.xori %lt3A_2044, %lt3A_2046 : i1
      %and3A_2048 = arith.andi %ne3A_2047, %ne3A_2042 : i1
      %add3A_2049 = arith.addi %rem3A_2040, %select_n3A_2039 : i32
      %select_n3A_2050 = arith.select %and3A_2048, %add3A_2049, %rem3A_2040 : i32
      %jit3A_2051 = arith.constant 128 : i32
      %div3A_2052 = arith.divsi %select_n3A_2050, %jit3A_2051 : i32
      %sign3A_2053 = arith.constant 0 : i32
      %sign3A_2054 = arith.cmpi sgt, %select_n3A_2050, %sign3A_2053 : i32
      %sign3A_2055 = arith.extui %sign3A_2054 : i1 to i32
      %sign3A_2056 = arith.constant 0 : i32
      %sign3A_2057 = arith.cmpi slt, %select_n3A_2050, %sign3A_2056 : i32
      %sign3A_2058 = arith.extui %sign3A_2057 : i1 to i32
      %sign3A_2059 = arith.subi %sign3A_2055, %sign3A_2058 : i32
      %sign3A_2060 = arith.constant 0 : i32
      %sign3A_2061 = arith.cmpi sgt, %jit3A_2051, %sign3A_2060 : i32
      %sign3A_2062 = arith.extui %sign3A_2061 : i1 to i32
      %sign3A_2063 = arith.constant 0 : i32
      %sign3A_2064 = arith.cmpi slt, %jit3A_2051, %sign3A_2063 : i32
      %sign3A_2065 = arith.extui %sign3A_2064 : i1 to i32
      %sign3A_2066 = arith.subi %sign3A_2062, %sign3A_2065 : i32
      %ne3A_2067 = arith.cmpi ne, %sign3A_2059, %sign3A_2066 : i32
      %rem3A_2068 = arith.remsi %select_n3A_2050, %jit3A_2051 : i32
      %ne3A_2069 = arith.constant 0 : i32
      %ne3A_2070 = arith.cmpi ne, %rem3A_2068, %ne3A_2069 : i32
      %and3A_2071 = arith.andi %ne3A_2067, %ne3A_2070 : i1
      %sub3A_2072 = arith.constant 1 : i32
      %sub3A_2073 = arith.subi %div3A_2052, %sub3A_2072 : i32
      %select_n3A_2074 = arith.select %and3A_2071, %sub3A_2073, %div3A_2052 : i32
      %dma_start3A_2075 = arith.constant 0 : i32
      %dma_start3A_2076 = arith.constant 0 : i32
      %dma_start3A_2077 = tpu.memref_slice %arg3[%select_n3A_2034, %select_n3A_2074, %dma_start3A_2075, %dma_start3A_2076] : memref<50x32x4x128xi32, #tpu.memory_space<hbm>> -> memref<1x1x4x128xi32, #tpu.memory_space<hbm>>
      %dma_start3A_2078 = tpu.memref_squeeze %dma_start3A_2077 : memref<1x1x4x128xi32, #tpu.memory_space<hbm>> -> memref<4x128xi32, #tpu.memory_space<hbm>>
      %dma_start3A_2079 = arith.constant 0 : i32
      %dma_start3A_2080 = arith.constant 0 : i32
      %dma_start3A_2081 = tpu.memref_slice %arg3[%select_n3A_2034, %select_n3A_2074, %dma_start3A_2079, %dma_start3A_2080] : memref<50x32x4x128xi32, #tpu.memory_space<hbm>> -> memref<1x1x4x128xi32, #tpu.memory_space<hbm>>
      %dma_start3A_2082 = tpu.memref_squeeze %dma_start3A_2081 : memref<1x1x4x128xi32, #tpu.memory_space<hbm>> -> memref<4x128xi32, #tpu.memory_space<hbm>>
      tpu.enqueue_dma source(%dma_start3A_2082 : memref<4x128xi32, #tpu.memory_space<hbm>>) target(%arg6 : memref<4x128xi32, #tpu.memory_space<vmem>>) target_semaphore(%arg11 : memref<!tpu.dma_semaphore, #tpu.memory_space<semaphore_mem>>)
      %add3A_2083 = arith.constant 1 : i32
      %add3A_2084 = arith.addi %mul3A_1409, %add3A_2083 : i32
      %mul3A_2085 = arith.constant 128 : i32
      %mul3A_2086 = arith.muli %add3A_2084, %mul3A_2085 : i32
      %add3A_2087 = arith.addi %mul3A_2, %mul3A_2086 : i32
      %dma_start3A_2088 = arith.constant 0 : i32
      %dma_start3A_2089 = arith.constant 0 : i32
      %dma_start3A_2090 = arith.constant 0 : i32
      %dma_start3A_2091 = tpu.memref_slice %arg8[%dma_start3A_2088, %dma_start3A_2089, %dma_start3A_2090] : memref<4x128x64xf32, #tpu.memory_space<vmem>> -> memref<1x128x64xf32, #tpu.memory_space<vmem>>
      %dma_start3A_2092 = tpu.memref_squeeze %dma_start3A_2091 : memref<1x128x64xf32, #tpu.memory_space<vmem>> -> memref<128x64xf32, #tpu.memory_space<vmem>>
      %dma_start3A_2093 = arith.constant 0 : i32
      %dma_start3A_2094 = tpu.memref_slice %arg4[%add3A_2087, %dma_start3A_2093] : memref<204800x256xf32, #tpu.memory_space<hbm>> -> memref<128x64xf32, #tpu.memory_space<hbm>>
      %dma_start3A_2095 = arith.constant 0 : i32
      %dma_start3A_2096 = tpu.memref_slice %arg4[%add3A_2087, %dma_start3A_2095] : memref<204800x256xf32, #tpu.memory_space<hbm>> -> memref<128x64xf32, #tpu.memory_space<hbm>>
      %dma_start3A_2097 = arith.constant 0 : i32
      %dma_start3A_2098 = arith.constant 0 : i32
      %dma_start3A_2099 = tpu.memref_slice %arg8[%dma_start3A_2088, %dma_start3A_2097, %dma_start3A_2098] : memref<4x128x64xf32, #tpu.memory_space<vmem>> -> memref<1x128x64xf32, #tpu.memory_space<vmem>>
      %dma_start3A_2100 = tpu.memref_squeeze %dma_start3A_2099 : memref<1x128x64xf32, #tpu.memory_space<vmem>> -> memref<128x64xf32, #tpu.memory_space<vmem>>
      tpu.enqueue_dma source(%dma_start3A_2100 : memref<128x64xf32, #tpu.memory_space<vmem>>) target(%dma_start3A_2096 : memref<128x64xf32, #tpu.memory_space<hbm>>) target_semaphore(%arg15 : memref<!tpu.dma_semaphore, #tpu.memory_space<semaphore_mem>>)
      %dma_start3A_2101 = arith.constant 1 : i32
      %dma_start3A_2102 = arith.constant 0 : i32
      %dma_start3A_2103 = arith.constant 0 : i32
      %dma_start3A_2104 = tpu.memref_slice %arg8[%dma_start3A_2101, %dma_start3A_2102, %dma_start3A_2103] : memref<4x128x64xf32, #tpu.memory_space<vmem>> -> memref<1x128x64xf32, #tpu.memory_space<vmem>>
      %dma_start3A_2105 = tpu.memref_squeeze %dma_start3A_2104 : memref<1x128x64xf32, #tpu.memory_space<vmem>> -> memref<128x64xf32, #tpu.memory_space<vmem>>
      %dma_start3A_2106 = arith.constant 64 : i32
      %dma_start3A_2107 = tpu.memref_slice %arg4[%add3A_2087, %dma_start3A_2106] : memref<204800x256xf32, #tpu.memory_space<hbm>> -> memref<128x64xf32, #tpu.memory_space<hbm>>
      %dma_start3A_2108 = arith.constant 64 : i32
      %dma_start3A_2109 = tpu.memref_slice %arg4[%add3A_2087, %dma_start3A_2108] : memref<204800x256xf32, #tpu.memory_space<hbm>> -> memref<128x64xf32, #tpu.memory_space<hbm>>
      %dma_start3A_2110 = arith.constant 0 : i32
      %dma_start3A_2111 = arith.constant 0 : i32
      %dma_start3A_2112 = tpu.memref_slice %arg8[%dma_start3A_2101, %dma_start3A_2110, %dma_start3A_2111] : memref<4x128x64xf32, #tpu.memory_space<vmem>> -> memref<1x128x64xf32, #tpu.memory_space<vmem>>
      %dma_start3A_2113 = tpu.memref_squeeze %dma_start3A_2112 : memref<1x128x64xf32, #tpu.memory_space<vmem>> -> memref<128x64xf32, #tpu.memory_space<vmem>>
      tpu.enqueue_dma source(%dma_start3A_2113 : memref<128x64xf32, #tpu.memory_space<vmem>>) target(%dma_start3A_2109 : memref<128x64xf32, #tpu.memory_space<hbm>>) target_semaphore(%arg15 : memref<!tpu.dma_semaphore, #tpu.memory_space<semaphore_mem>>)
      %dma_start3A_2114 = arith.constant 2 : i32
      %dma_start3A_2115 = arith.constant 0 : i32
      %dma_start3A_2116 = arith.constant 0 : i32
      %dma_start3A_2117 = tpu.memref_slice %arg8[%dma_start3A_2114, %dma_start3A_2115, %dma_start3A_2116] : memref<4x128x64xf32, #tpu.memory_space<vmem>> -> memref<1x128x64xf32, #tpu.memory_space<vmem>>
      %dma_start3A_2118 = tpu.memref_squeeze %dma_start3A_2117 : memref<1x128x64xf32, #tpu.memory_space<vmem>> -> memref<128x64xf32, #tpu.memory_space<vmem>>
      %dma_start3A_2119 = arith.constant 128 : i32
      %dma_start3A_2120 = tpu.memref_slice %arg4[%add3A_2087, %dma_start3A_2119] : memref<204800x256xf32, #tpu.memory_space<hbm>> -> memref<128x64xf32, #tpu.memory_space<hbm>>
      %dma_start3A_2121 = arith.constant 128 : i32
      %dma_start3A_2122 = tpu.memref_slice %arg4[%add3A_2087, %dma_start3A_2121] : memref<204800x256xf32, #tpu.memory_space<hbm>> -> memref<128x64xf32, #tpu.memory_space<hbm>>
      %dma_start3A_2123 = arith.constant 0 : i32
      %dma_start3A_2124 = arith.constant 0 : i32
      %dma_start3A_2125 = tpu.memref_slice %arg8[%dma_start3A_2114, %dma_start3A_2123, %dma_start3A_2124] : memref<4x128x64xf32, #tpu.memory_space<vmem>> -> memref<1x128x64xf32, #tpu.memory_space<vmem>>
      %dma_start3A_2126 = tpu.memref_squeeze %dma_start3A_2125 : memref<1x128x64xf32, #tpu.memory_space<vmem>> -> memref<128x64xf32, #tpu.memory_space<vmem>>
      tpu.enqueue_dma source(%dma_start3A_2126 : memref<128x64xf32, #tpu.memory_space<vmem>>) target(%dma_start3A_2122 : memref<128x64xf32, #tpu.memory_space<hbm>>) target_semaphore(%arg15 : memref<!tpu.dma_semaphore, #tpu.memory_space<semaphore_mem>>)
      %dma_start3A_2127 = arith.constant 3 : i32
      %dma_start3A_2128 = arith.constant 0 : i32
      %dma_start3A_2129 = arith.constant 0 : i32
      %dma_start3A_2130 = tpu.memref_slice %arg8[%dma_start3A_2127, %dma_start3A_2128, %dma_start3A_2129] : memref<4x128x64xf32, #tpu.memory_space<vmem>> -> memref<1x128x64xf32, #tpu.memory_space<vmem>>
      %dma_start3A_2131 = tpu.memref_squeeze %dma_start3A_2130 : memref<1x128x64xf32, #tpu.memory_space<vmem>> -> memref<128x64xf32, #tpu.memory_space<vmem>>
      %dma_start3A_2132 = arith.constant 192 : i32
      %dma_start3A_2133 = tpu.memref_slice %arg4[%add3A_2087, %dma_start3A_2132] : memref<204800x256xf32, #tpu.memory_space<hbm>> -> memref<128x64xf32, #tpu.memory_space<hbm>>
      %dma_start3A_2134 = arith.constant 192 : i32
      %dma_start3A_2135 = tpu.memref_slice %arg4[%add3A_2087, %dma_start3A_2134] : memref<204800x256xf32, #tpu.memory_space<hbm>> -> memref<128x64xf32, #tpu.memory_space<hbm>>
      %dma_start3A_2136 = arith.constant 0 : i32
      %dma_start3A_2137 = arith.constant 0 : i32
      %dma_start3A_2138 = tpu.memref_slice %arg8[%dma_start3A_2127, %dma_start3A_2136, %dma_start3A_2137] : memref<4x128x64xf32, #tpu.memory_space<vmem>> -> memref<1x128x64xf32, #tpu.memory_space<vmem>>
      %dma_start3A_2139 = tpu.memref_squeeze %dma_start3A_2138 : memref<1x128x64xf32, #tpu.memory_space<vmem>> -> memref<128x64xf32, #tpu.memory_space<vmem>>
      tpu.enqueue_dma source(%dma_start3A_2139 : memref<128x64xf32, #tpu.memory_space<vmem>>) target(%dma_start3A_2135 : memref<128x64xf32, #tpu.memory_space<hbm>>) target_semaphore(%arg15 : memref<!tpu.dma_semaphore, #tpu.memory_space<semaphore_mem>>)
    }
    %scan3A_742 = arith.constant 23 : i32
    %add3A_743 = arith.constant 6144 : i32
    %add3A_744 = arith.addi %mul3A_2, %add3A_743 : i32
    %jit3A_745 = arith.constant 4096 : i32
    %div3A_746 = arith.divsi %add3A_744, %jit3A_745 : i32
    %sign3A_747 = arith.constant 0 : i32
    %sign3A_748 = arith.cmpi sgt, %add3A_744, %sign3A_747 : i32
    %sign3A_749 = arith.extui %sign3A_748 : i1 to i32
    %sign3A_750 = arith.constant 0 : i32
    %sign3A_751 = arith.cmpi slt, %add3A_744, %sign3A_750 : i32
    %sign3A_752 = arith.extui %sign3A_751 : i1 to i32
    %sign3A_753 = arith.subi %sign3A_749, %sign3A_752 : i32
    %sign3A_754 = arith.constant 0 : i32
    %sign3A_755 = arith.cmpi sgt, %jit3A_745, %sign3A_754 : i32
    %sign3A_756 = arith.extui %sign3A_755 : i1 to i32
    %sign3A_757 = arith.constant 0 : i32
    %sign3A_758 = arith.cmpi slt, %jit3A_745, %sign3A_757 : i32
    %sign3A_759 = arith.extui %sign3A_758 : i1 to i32
    %sign3A_760 = arith.subi %sign3A_756, %sign3A_759 : i32
    %ne3A_761 = arith.cmpi ne, %sign3A_753, %sign3A_760 : i32
    %rem3A_762 = arith.remsi %add3A_744, %jit3A_745 : i32
    %ne3A_763 = arith.constant 0 : i32
    %ne3A_764 = arith.cmpi ne, %rem3A_762, %ne3A_763 : i32
    %and3A_765 = arith.andi %ne3A_761, %ne3A_764 : i1
    %sub3A_766 = arith.constant 1 : i32
    %sub3A_767 = arith.subi %div3A_746, %sub3A_766 : i32
    %select_n3A_768 = arith.select %and3A_765, %sub3A_767, %div3A_746 : i32
    %jit3A_769 = arith.constant 4096 : i32
    %eq3A_770 = arith.constant 0 : i32
    %eq3A_771 = arith.cmpi eq, %jit3A_769, %eq3A_770 : i32
    %jit3A_772 = arith.constant 1 : i32
    %select_n3A_773 = arith.select %eq3A_771, %jit3A_772, %jit3A_769 : i32
    %rem3A_774 = arith.remsi %add3A_744, %select_n3A_773 : i32
    %ne3A_775 = arith.constant 0 : i32
    %ne3A_776 = arith.cmpi ne, %rem3A_774, %ne3A_775 : i32
    %lt3A_777 = arith.constant 0 : i32
    %lt3A_778 = arith.cmpi slt, %rem3A_774, %lt3A_777 : i32
    %lt3A_779 = arith.constant 0 : i32
    %lt3A_780 = arith.cmpi slt, %select_n3A_773, %lt3A_779 : i32
    %ne3A_781 = arith.xori %lt3A_778, %lt3A_780 : i1
    %and3A_782 = arith.andi %ne3A_781, %ne3A_776 : i1
    %add3A_783 = arith.addi %rem3A_774, %select_n3A_773 : i32
    %select_n3A_784 = arith.select %and3A_782, %add3A_783, %rem3A_774 : i32
    %jit3A_785 = arith.constant 128 : i32
    %div3A_786 = arith.divsi %select_n3A_784, %jit3A_785 : i32
    %sign3A_787 = arith.constant 0 : i32
    %sign3A_788 = arith.cmpi sgt, %select_n3A_784, %sign3A_787 : i32
    %sign3A_789 = arith.extui %sign3A_788 : i1 to i32
    %sign3A_790 = arith.constant 0 : i32
    %sign3A_791 = arith.cmpi slt, %select_n3A_784, %sign3A_790 : i32
    %sign3A_792 = arith.extui %sign3A_791 : i1 to i32
    %sign3A_793 = arith.subi %sign3A_789, %sign3A_792 : i32
    %sign3A_794 = arith.constant 0 : i32
    %sign3A_795 = arith.cmpi sgt, %jit3A_785, %sign3A_794 : i32
    %sign3A_796 = arith.extui %sign3A_795 : i1 to i32
    %sign3A_797 = arith.constant 0 : i32
    %sign3A_798 = arith.cmpi slt, %jit3A_785, %sign3A_797 : i32
    %sign3A_799 = arith.extui %sign3A_798 : i1 to i32
    %sign3A_800 = arith.subi %sign3A_796, %sign3A_799 : i32
    %ne3A_801 = arith.cmpi ne, %sign3A_793, %sign3A_800 : i32
    %rem3A_802 = arith.remsi %select_n3A_784, %jit3A_785 : i32
    %ne3A_803 = arith.constant 0 : i32
    %ne3A_804 = arith.cmpi ne, %rem3A_802, %ne3A_803 : i32
    %and3A_805 = arith.andi %ne3A_801, %ne3A_804 : i1
    %sub3A_806 = arith.constant 1 : i32
    %sub3A_807 = arith.subi %div3A_786, %sub3A_806 : i32
    %select_n3A_808 = arith.select %and3A_805, %sub3A_807, %div3A_786 : i32
    %dma_wait3A_809 = arith.constant 0 : i32
    %dma_wait3A_810 = arith.constant 0 : i32
    %dma_wait3A_811 = tpu.memref_slice %arg3[%select_n3A_768, %select_n3A_808, %dma_wait3A_809, %dma_wait3A_810] : memref<50x32x4x128xi32, #tpu.memory_space<hbm>> -> memref<1x1x4x128xi32, #tpu.memory_space<hbm>>
    %dma_wait3A_812 = tpu.memref_squeeze %dma_wait3A_811 : memref<1x1x4x128xi32, #tpu.memory_space<hbm>> -> memref<4x128xi32, #tpu.memory_space<hbm>>
    %dma_wait3A_813 = arith.constant 0 : i32
    %dma_wait3A_814 = arith.constant 0 : i32
    %dma_wait3A_815 = tpu.memref_slice %arg3[%select_n3A_768, %select_n3A_808, %dma_wait3A_813, %dma_wait3A_814] : memref<50x32x4x128xi32, #tpu.memory_space<hbm>> -> memref<1x1x4x128xi32, #tpu.memory_space<hbm>>
    %dma_wait3A_816 = tpu.memref_squeeze %dma_wait3A_815 : memref<1x1x4x128xi32, #tpu.memory_space<hbm>> -> memref<4x128xi32, #tpu.memory_space<hbm>>
    tpu.wait_dma2 semaphore(%arg10 : memref<!tpu.dma_semaphore, #tpu.memory_space<semaphore_mem>>) src(%dma_wait3A_816 : memref<4x128xi32, #tpu.memory_space<hbm>>) dst(%arg5 : memref<4x128xi32, #tpu.memory_space<vmem>>)
    %add3A_817 = arith.constant 5888 : i32
    %add3A_818 = arith.addi %mul3A_2, %add3A_817 : i32
    %dma_wait3A_819 = arith.constant 0 : i32
    %dma_wait3A_820 = arith.constant 0 : i32
    %dma_wait3A_821 = arith.constant 0 : i32
    %dma_wait3A_822 = tpu.memref_slice %arg7[%dma_wait3A_819, %dma_wait3A_820, %dma_wait3A_821] : memref<4x128x64xf32, #tpu.memory_space<vmem>> -> memref<1x128x64xf32, #tpu.memory_space<vmem>>
    %dma_wait3A_823 = tpu.memref_squeeze %dma_wait3A_822 : memref<1x128x64xf32, #tpu.memory_space<vmem>> -> memref<128x64xf32, #tpu.memory_space<vmem>>
    %dma_wait3A_824 = arith.constant 0 : i32
    %dma_wait3A_825 = tpu.memref_slice %arg4[%add3A_818, %dma_wait3A_824] : memref<204800x256xf32, #tpu.memory_space<hbm>> -> memref<128x64xf32, #tpu.memory_space<hbm>>
    %dma_wait3A_826 = arith.constant 0 : i32
    %dma_wait3A_827 = tpu.memref_slice %arg4[%add3A_818, %dma_wait3A_826] : memref<204800x256xf32, #tpu.memory_space<hbm>> -> memref<128x64xf32, #tpu.memory_space<hbm>>
    %dma_wait3A_828 = arith.constant 0 : i32
    %dma_wait3A_829 = arith.constant 0 : i32
    %dma_wait3A_830 = tpu.memref_slice %arg7[%dma_wait3A_819, %dma_wait3A_828, %dma_wait3A_829] : memref<4x128x64xf32, #tpu.memory_space<vmem>> -> memref<1x128x64xf32, #tpu.memory_space<vmem>>
    %dma_wait3A_831 = tpu.memref_squeeze %dma_wait3A_830 : memref<1x128x64xf32, #tpu.memory_space<vmem>> -> memref<128x64xf32, #tpu.memory_space<vmem>>
    tpu.wait_dma2 semaphore(%arg14 : memref<!tpu.dma_semaphore, #tpu.memory_space<semaphore_mem>>) src(%dma_wait3A_831 : memref<128x64xf32, #tpu.memory_space<vmem>>) dst(%dma_wait3A_827 : memref<128x64xf32, #tpu.memory_space<hbm>>)
    %dma_wait3A_832 = arith.constant 1 : i32
    %dma_wait3A_833 = arith.constant 0 : i32
    %dma_wait3A_834 = arith.constant 0 : i32
    %dma_wait3A_835 = tpu.memref_slice %arg7[%dma_wait3A_832, %dma_wait3A_833, %dma_wait3A_834] : memref<4x128x64xf32, #tpu.memory_space<vmem>> -> memref<1x128x64xf32, #tpu.memory_space<vmem>>
    %dma_wait3A_836 = tpu.memref_squeeze %dma_wait3A_835 : memref<1x128x64xf32, #tpu.memory_space<vmem>> -> memref<128x64xf32, #tpu.memory_space<vmem>>
    %dma_wait3A_837 = arith.constant 64 : i32
    %dma_wait3A_838 = tpu.memref_slice %arg4[%add3A_818, %dma_wait3A_837] : memref<204800x256xf32, #tpu.memory_space<hbm>> -> memref<128x64xf32, #tpu.memory_space<hbm>>
    %dma_wait3A_839 = arith.constant 64 : i32
    %dma_wait3A_840 = tpu.memref_slice %arg4[%add3A_818, %dma_wait3A_839] : memref<204800x256xf32, #tpu.memory_space<hbm>> -> memref<128x64xf32, #tpu.memory_space<hbm>>
    %dma_wait3A_841 = arith.constant 0 : i32
    %dma_wait3A_842 = arith.constant 0 : i32
    %dma_wait3A_843 = tpu.memref_slice %arg7[%dma_wait3A_832, %dma_wait3A_841, %dma_wait3A_842] : memref<4x128x64xf32, #tpu.memory_space<vmem>> -> memref<1x128x64xf32, #tpu.memory_space<vmem>>
    %dma_wait3A_844 = tpu.memref_squeeze %dma_wait3A_843 : memref<1x128x64xf32, #tpu.memory_space<vmem>> -> memref<128x64xf32, #tpu.memory_space<vmem>>
    tpu.wait_dma2 semaphore(%arg14 : memref<!tpu.dma_semaphore, #tpu.memory_space<semaphore_mem>>) src(%dma_wait3A_844 : memref<128x64xf32, #tpu.memory_space<vmem>>) dst(%dma_wait3A_840 : memref<128x64xf32, #tpu.memory_space<hbm>>)
    %dma_wait3A_845 = arith.constant 2 : i32
    %dma_wait3A_846 = arith.constant 0 : i32
    %dma_wait3A_847 = arith.constant 0 : i32
    %dma_wait3A_848 = tpu.memref_slice %arg7[%dma_wait3A_845, %dma_wait3A_846, %dma_wait3A_847] : memref<4x128x64xf32, #tpu.memory_space<vmem>> -> memref<1x128x64xf32, #tpu.memory_space<vmem>>
    %dma_wait3A_849 = tpu.memref_squeeze %dma_wait3A_848 : memref<1x128x64xf32, #tpu.memory_space<vmem>> -> memref<128x64xf32, #tpu.memory_space<vmem>>
    %dma_wait3A_850 = arith.constant 128 : i32
    %dma_wait3A_851 = tpu.memref_slice %arg4[%add3A_818, %dma_wait3A_850] : memref<204800x256xf32, #tpu.memory_space<hbm>> -> memref<128x64xf32, #tpu.memory_space<hbm>>
    %dma_wait3A_852 = arith.constant 128 : i32
    %dma_wait3A_853 = tpu.memref_slice %arg4[%add3A_818, %dma_wait3A_852] : memref<204800x256xf32, #tpu.memory_space<hbm>> -> memref<128x64xf32, #tpu.memory_space<hbm>>
    %dma_wait3A_854 = arith.constant 0 : i32
    %dma_wait3A_855 = arith.constant 0 : i32
    %dma_wait3A_856 = tpu.memref_slice %arg7[%dma_wait3A_845, %dma_wait3A_854, %dma_wait3A_855] : memref<4x128x64xf32, #tpu.memory_space<vmem>> -> memref<1x128x64xf32, #tpu.memory_space<vmem>>
    %dma_wait3A_857 = tpu.memref_squeeze %dma_wait3A_856 : memref<1x128x64xf32, #tpu.memory_space<vmem>> -> memref<128x64xf32, #tpu.memory_space<vmem>>
    tpu.wait_dma2 semaphore(%arg14 : memref<!tpu.dma_semaphore, #tpu.memory_space<semaphore_mem>>) src(%dma_wait3A_857 : memref<128x64xf32, #tpu.memory_space<vmem>>) dst(%dma_wait3A_853 : memref<128x64xf32, #tpu.memory_space<hbm>>)
    %dma_wait3A_858 = arith.constant 3 : i32
    %dma_wait3A_859 = arith.constant 0 : i32
    %dma_wait3A_860 = arith.constant 0 : i32
    %dma_wait3A_861 = tpu.memref_slice %arg7[%dma_wait3A_858, %dma_wait3A_859, %dma_wait3A_860] : memref<4x128x64xf32, #tpu.memory_space<vmem>> -> memref<1x128x64xf32, #tpu.memory_space<vmem>>
    %dma_wait3A_862 = tpu.memref_squeeze %dma_wait3A_861 : memref<1x128x64xf32, #tpu.memory_space<vmem>> -> memref<128x64xf32, #tpu.memory_space<vmem>>
    %dma_wait3A_863 = arith.constant 192 : i32
    %dma_wait3A_864 = tpu.memref_slice %arg4[%add3A_818, %dma_wait3A_863] : memref<204800x256xf32, #tpu.memory_space<hbm>> -> memref<128x64xf32, #tpu.memory_space<hbm>>
    %dma_wait3A_865 = arith.constant 192 : i32
    %dma_wait3A_866 = tpu.memref_slice %arg4[%add3A_818, %dma_wait3A_865] : memref<204800x256xf32, #tpu.memory_space<hbm>> -> memref<128x64xf32, #tpu.memory_space<hbm>>
    %dma_wait3A_867 = arith.constant 0 : i32
    %dma_wait3A_868 = arith.constant 0 : i32
    %dma_wait3A_869 = tpu.memref_slice %arg7[%dma_wait3A_858, %dma_wait3A_867, %dma_wait3A_868] : memref<4x128x64xf32, #tpu.memory_space<vmem>> -> memref<1x128x64xf32, #tpu.memory_space<vmem>>
    %dma_wait3A_870 = tpu.memref_squeeze %dma_wait3A_869 : memref<1x128x64xf32, #tpu.memory_space<vmem>> -> memref<128x64xf32, #tpu.memory_space<vmem>>
    tpu.wait_dma2 semaphore(%arg14 : memref<!tpu.dma_semaphore, #tpu.memory_space<semaphore_mem>>) src(%dma_wait3A_870 : memref<128x64xf32, #tpu.memory_space<vmem>>) dst(%dma_wait3A_866 : memref<128x64xf32, #tpu.memory_space<hbm>>)
    %dma_start3A_871 = arith.constant 0 : i32
    %dma_start3A_872 = arith.constant 0 : i32
    %dma_start3A_873 = arith.constant 0 : i32
    %dma_start3A_874 = arith.constant 0 : i32
    %dma_start3A_875 = tpu.memref_slice %arg7[%dma_start3A_872, %dma_start3A_873, %dma_start3A_874] : memref<4x128x64xf32, #tpu.memory_space<vmem>> -> memref<1x128x64xf32, #tpu.memory_space<vmem>>
    %dma_start3A_876 = tpu.memref_squeeze %dma_start3A_875 : memref<1x128x64xf32, #tpu.memory_space<vmem>> -> memref<128x64xf32, #tpu.memory_space<vmem>>
    %dma_start3A_877 = arith.constant 0 : i32
    %dma_start3A_878 = tpu.memref_slice %arg5[%dma_start3A_871, %dma_start3A_877] : memref<4x128xi32, #tpu.memory_space<vmem>> -> memref<1x128xi32, #tpu.memory_space<vmem>>
    %dma_start3A_879 = tpu.memref_squeeze %dma_start3A_878 : memref<1x128xi32, #tpu.memory_space<vmem>> -> memref<128xi32, #tpu.memory_space<vmem>>
    %dma_start3A_880 = arith.constant 0 : i32
    %dma_start3A_881 = arith.constant 0 : i32
    %dma_start3A_882 = tpu.memref_slice %arg9[%dma_start3A_880, %dma_start3A_881] : memref<2048x64xf32, #tpu.memory_space<vmem_shared>> -> memref<2048x64xf32, #tpu.memory_space<vmem_shared>>
    tpu.enqueue_indirect_dma source(%dma_start3A_882 : memref<2048x64xf32, #tpu.memory_space<vmem_shared>>) target(%dma_start3A_876 : memref<128x64xf32, #tpu.memory_space<vmem>>) offsets(%dma_start3A_879 : memref<128xi32, #tpu.memory_space<vmem>>) semaphore(%arg12 : memref<!tpu.dma_semaphore, #tpu.memory_space<semaphore_mem>>)
    %dma_start3A_883 = arith.constant 1 : i32
    %dma_start3A_884 = arith.constant 1 : i32
    %dma_start3A_885 = arith.constant 0 : i32
    %dma_start3A_886 = arith.constant 0 : i32
    %dma_start3A_887 = tpu.memref_slice %arg7[%dma_start3A_884, %dma_start3A_885, %dma_start3A_886] : memref<4x128x64xf32, #tpu.memory_space<vmem>> -> memref<1x128x64xf32, #tpu.memory_space<vmem>>
    %dma_start3A_888 = tpu.memref_squeeze %dma_start3A_887 : memref<1x128x64xf32, #tpu.memory_space<vmem>> -> memref<128x64xf32, #tpu.memory_space<vmem>>
    %dma_start3A_889 = arith.constant 0 : i32
    %dma_start3A_890 = tpu.memref_slice %arg5[%dma_start3A_883, %dma_start3A_889] : memref<4x128xi32, #tpu.memory_space<vmem>> -> memref<1x128xi32, #tpu.memory_space<vmem>>
    %dma_start3A_891 = tpu.memref_squeeze %dma_start3A_890 : memref<1x128xi32, #tpu.memory_space<vmem>> -> memref<128xi32, #tpu.memory_space<vmem>>
    %dma_start3A_892 = arith.constant 0 : i32
    %dma_start3A_893 = arith.constant 0 : i32
    %dma_start3A_894 = tpu.memref_slice %arg9[%dma_start3A_892, %dma_start3A_893] : memref<2048x64xf32, #tpu.memory_space<vmem_shared>> -> memref<2048x64xf32, #tpu.memory_space<vmem_shared>>
    tpu.enqueue_indirect_dma source(%dma_start3A_894 : memref<2048x64xf32, #tpu.memory_space<vmem_shared>>) target(%dma_start3A_888 : memref<128x64xf32, #tpu.memory_space<vmem>>) offsets(%dma_start3A_891 : memref<128xi32, #tpu.memory_space<vmem>>) semaphore(%arg12 : memref<!tpu.dma_semaphore, #tpu.memory_space<semaphore_mem>>)
    %dma_start3A_895 = arith.constant 2 : i32
    %dma_start3A_896 = arith.constant 2 : i32
    %dma_start3A_897 = arith.constant 0 : i32
    %dma_start3A_898 = arith.constant 0 : i32
    %dma_start3A_899 = tpu.memref_slice %arg7[%dma_start3A_896, %dma_start3A_897, %dma_start3A_898] : memref<4x128x64xf32, #tpu.memory_space<vmem>> -> memref<1x128x64xf32, #tpu.memory_space<vmem>>
    %dma_start3A_900 = tpu.memref_squeeze %dma_start3A_899 : memref<1x128x64xf32, #tpu.memory_space<vmem>> -> memref<128x64xf32, #tpu.memory_space<vmem>>
    %dma_start3A_901 = arith.constant 0 : i32
    %dma_start3A_902 = tpu.memref_slice %arg5[%dma_start3A_895, %dma_start3A_901] : memref<4x128xi32, #tpu.memory_space<vmem>> -> memref<1x128xi32, #tpu.memory_space<vmem>>
    %dma_start3A_903 = tpu.memref_squeeze %dma_start3A_902 : memref<1x128xi32, #tpu.memory_space<vmem>> -> memref<128xi32, #tpu.memory_space<vmem>>
    %dma_start3A_904 = arith.constant 0 : i32
    %dma_start3A_905 = arith.constant 0 : i32
    %dma_start3A_906 = tpu.memref_slice %arg9[%dma_start3A_904, %dma_start3A_905] : memref<2048x64xf32, #tpu.memory_space<vmem_shared>> -> memref<2048x64xf32, #tpu.memory_space<vmem_shared>>
    tpu.enqueue_indirect_dma source(%dma_start3A_906 : memref<2048x64xf32, #tpu.memory_space<vmem_shared>>) target(%dma_start3A_900 : memref<128x64xf32, #tpu.memory_space<vmem>>) offsets(%dma_start3A_903 : memref<128xi32, #tpu.memory_space<vmem>>) semaphore(%arg12 : memref<!tpu.dma_semaphore, #tpu.memory_space<semaphore_mem>>)
    %dma_start3A_907 = arith.constant 3 : i32
    %dma_start3A_908 = arith.constant 3 : i32
    %dma_start3A_909 = arith.constant 0 : i32
    %dma_start3A_910 = arith.constant 0 : i32
    %dma_start3A_911 = tpu.memref_slice %arg7[%dma_start3A_908, %dma_start3A_909, %dma_start3A_910] : memref<4x128x64xf32, #tpu.memory_space<vmem>> -> memref<1x128x64xf32, #tpu.memory_space<vmem>>
    %dma_start3A_912 = tpu.memref_squeeze %dma_start3A_911 : memref<1x128x64xf32, #tpu.memory_space<vmem>> -> memref<128x64xf32, #tpu.memory_space<vmem>>
    %dma_start3A_913 = arith.constant 0 : i32
    %dma_start3A_914 = tpu.memref_slice %arg5[%dma_start3A_907, %dma_start3A_913] : memref<4x128xi32, #tpu.memory_space<vmem>> -> memref<1x128xi32, #tpu.memory_space<vmem>>
    %dma_start3A_915 = tpu.memref_squeeze %dma_start3A_914 : memref<1x128xi32, #tpu.memory_space<vmem>> -> memref<128xi32, #tpu.memory_space<vmem>>
    %dma_start3A_916 = arith.constant 0 : i32
    %dma_start3A_917 = arith.constant 0 : i32
    %dma_start3A_918 = tpu.memref_slice %arg9[%dma_start3A_916, %dma_start3A_917] : memref<2048x64xf32, #tpu.memory_space<vmem_shared>> -> memref<2048x64xf32, #tpu.memory_space<vmem_shared>>
    tpu.enqueue_indirect_dma source(%dma_start3A_918 : memref<2048x64xf32, #tpu.memory_space<vmem_shared>>) target(%dma_start3A_912 : memref<128x64xf32, #tpu.memory_space<vmem>>) offsets(%dma_start3A_915 : memref<128xi32, #tpu.memory_space<vmem>>) semaphore(%arg12 : memref<!tpu.dma_semaphore, #tpu.memory_space<semaphore_mem>>)
    %add3A_919 = arith.constant 6272 : i32
    %add3A_920 = arith.addi %mul3A_2, %add3A_919 : i32
    %jit3A_921 = arith.constant 4096 : i32
    %div3A_922 = arith.divsi %add3A_920, %jit3A_921 : i32
    %sign3A_923 = arith.constant 0 : i32
    %sign3A_924 = arith.cmpi sgt, %add3A_920, %sign3A_923 : i32
    %sign3A_925 = arith.extui %sign3A_924 : i1 to i32
    %sign3A_926 = arith.constant 0 : i32
    %sign3A_927 = arith.cmpi slt, %add3A_920, %sign3A_926 : i32
    %sign3A_928 = arith.extui %sign3A_927 : i1 to i32
    %sign3A_929 = arith.subi %sign3A_925, %sign3A_928 : i32
    %sign3A_930 = arith.constant 0 : i32
    %sign3A_931 = arith.cmpi sgt, %jit3A_921, %sign3A_930 : i32
    %sign3A_932 = arith.extui %sign3A_931 : i1 to i32
    %sign3A_933 = arith.constant 0 : i32
    %sign3A_934 = arith.cmpi slt, %jit3A_921, %sign3A_933 : i32
    %sign3A_935 = arith.extui %sign3A_934 : i1 to i32
    %sign3A_936 = arith.subi %sign3A_932, %sign3A_935 : i32
    %ne3A_937 = arith.cmpi ne, %sign3A_929, %sign3A_936 : i32
    %rem3A_938 = arith.remsi %add3A_920, %jit3A_921 : i32
    %ne3A_939 = arith.constant 0 : i32
    %ne3A_940 = arith.cmpi ne, %rem3A_938, %ne3A_939 : i32
    %and3A_941 = arith.andi %ne3A_937, %ne3A_940 : i1
    %sub3A_942 = arith.constant 1 : i32
    %sub3A_943 = arith.subi %div3A_922, %sub3A_942 : i32
    %select_n3A_944 = arith.select %and3A_941, %sub3A_943, %div3A_922 : i32
    %jit3A_945 = arith.constant 4096 : i32
    %eq3A_946 = arith.constant 0 : i32
    %eq3A_947 = arith.cmpi eq, %jit3A_945, %eq3A_946 : i32
    %jit3A_948 = arith.constant 1 : i32
    %select_n3A_949 = arith.select %eq3A_947, %jit3A_948, %jit3A_945 : i32
    %rem3A_950 = arith.remsi %add3A_920, %select_n3A_949 : i32
    %ne3A_951 = arith.constant 0 : i32
    %ne3A_952 = arith.cmpi ne, %rem3A_950, %ne3A_951 : i32
    %lt3A_953 = arith.constant 0 : i32
    %lt3A_954 = arith.cmpi slt, %rem3A_950, %lt3A_953 : i32
    %lt3A_955 = arith.constant 0 : i32
    %lt3A_956 = arith.cmpi slt, %select_n3A_949, %lt3A_955 : i32
    %ne3A_957 = arith.xori %lt3A_954, %lt3A_956 : i1
    %and3A_958 = arith.andi %ne3A_957, %ne3A_952 : i1
    %add3A_959 = arith.addi %rem3A_950, %select_n3A_949 : i32
    %select_n3A_960 = arith.select %and3A_958, %add3A_959, %rem3A_950 : i32
    %jit3A_961 = arith.constant 128 : i32
    %div3A_962 = arith.divsi %select_n3A_960, %jit3A_961 : i32
    %sign3A_963 = arith.constant 0 : i32
    %sign3A_964 = arith.cmpi sgt, %select_n3A_960, %sign3A_963 : i32
    %sign3A_965 = arith.extui %sign3A_964 : i1 to i32
    %sign3A_966 = arith.constant 0 : i32
    %sign3A_967 = arith.cmpi slt, %select_n3A_960, %sign3A_966 : i32
    %sign3A_968 = arith.extui %sign3A_967 : i1 to i32
    %sign3A_969 = arith.subi %sign3A_965, %sign3A_968 : i32
    %sign3A_970 = arith.constant 0 : i32
    %sign3A_971 = arith.cmpi sgt, %jit3A_961, %sign3A_970 : i32
    %sign3A_972 = arith.extui %sign3A_971 : i1 to i32
    %sign3A_973 = arith.constant 0 : i32
    %sign3A_974 = arith.cmpi slt, %jit3A_961, %sign3A_973 : i32
    %sign3A_975 = arith.extui %sign3A_974 : i1 to i32
    %sign3A_976 = arith.subi %sign3A_972, %sign3A_975 : i32
    %ne3A_977 = arith.cmpi ne, %sign3A_969, %sign3A_976 : i32
    %rem3A_978 = arith.remsi %select_n3A_960, %jit3A_961 : i32
    %ne3A_979 = arith.constant 0 : i32
    %ne3A_980 = arith.cmpi ne, %rem3A_978, %ne3A_979 : i32
    %and3A_981 = arith.andi %ne3A_977, %ne3A_980 : i1
    %sub3A_982 = arith.constant 1 : i32
    %sub3A_983 = arith.subi %div3A_962, %sub3A_982 : i32
    %select_n3A_984 = arith.select %and3A_981, %sub3A_983, %div3A_962 : i32
    %dma_wait3A_985 = arith.constant 0 : i32
    %dma_wait3A_986 = arith.constant 0 : i32
    %dma_wait3A_987 = tpu.memref_slice %arg3[%select_n3A_944, %select_n3A_984, %dma_wait3A_985, %dma_wait3A_986] : memref<50x32x4x128xi32, #tpu.memory_space<hbm>> -> memref<1x1x4x128xi32, #tpu.memory_space<hbm>>
    %dma_wait3A_988 = tpu.memref_squeeze %dma_wait3A_987 : memref<1x1x4x128xi32, #tpu.memory_space<hbm>> -> memref<4x128xi32, #tpu.memory_space<hbm>>
    %dma_wait3A_989 = arith.constant 0 : i32
    %dma_wait3A_990 = arith.constant 0 : i32
    %dma_wait3A_991 = tpu.memref_slice %arg3[%select_n3A_944, %select_n3A_984, %dma_wait3A_989, %dma_wait3A_990] : memref<50x32x4x128xi32, #tpu.memory_space<hbm>> -> memref<1x1x4x128xi32, #tpu.memory_space<hbm>>
    %dma_wait3A_992 = tpu.memref_squeeze %dma_wait3A_991 : memref<1x1x4x128xi32, #tpu.memory_space<hbm>> -> memref<4x128xi32, #tpu.memory_space<hbm>>
    tpu.wait_dma2 semaphore(%arg11 : memref<!tpu.dma_semaphore, #tpu.memory_space<semaphore_mem>>) src(%dma_wait3A_992 : memref<4x128xi32, #tpu.memory_space<hbm>>) dst(%arg6 : memref<4x128xi32, #tpu.memory_space<vmem>>)
    %add3A_993 = arith.constant 6016 : i32
    %add3A_994 = arith.addi %mul3A_2, %add3A_993 : i32
    %dma_wait3A_995 = arith.constant 0 : i32
    %dma_wait3A_996 = arith.constant 0 : i32
    %dma_wait3A_997 = arith.constant 0 : i32
    %dma_wait3A_998 = tpu.memref_slice %arg8[%dma_wait3A_995, %dma_wait3A_996, %dma_wait3A_997] : memref<4x128x64xf32, #tpu.memory_space<vmem>> -> memref<1x128x64xf32, #tpu.memory_space<vmem>>
    %dma_wait3A_999 = tpu.memref_squeeze %dma_wait3A_998 : memref<1x128x64xf32, #tpu.memory_space<vmem>> -> memref<128x64xf32, #tpu.memory_space<vmem>>
    %dma_wait3A_1000 = arith.constant 0 : i32
    %dma_wait3A_1001 = tpu.memref_slice %arg4[%add3A_994, %dma_wait3A_1000] : memref<204800x256xf32, #tpu.memory_space<hbm>> -> memref<128x64xf32, #tpu.memory_space<hbm>>
    %dma_wait3A_1002 = arith.constant 0 : i32
    %dma_wait3A_1003 = tpu.memref_slice %arg4[%add3A_994, %dma_wait3A_1002] : memref<204800x256xf32, #tpu.memory_space<hbm>> -> memref<128x64xf32, #tpu.memory_space<hbm>>
    %dma_wait3A_1004 = arith.constant 0 : i32
    %dma_wait3A_1005 = arith.constant 0 : i32
    %dma_wait3A_1006 = tpu.memref_slice %arg8[%dma_wait3A_995, %dma_wait3A_1004, %dma_wait3A_1005] : memref<4x128x64xf32, #tpu.memory_space<vmem>> -> memref<1x128x64xf32, #tpu.memory_space<vmem>>
    %dma_wait3A_1007 = tpu.memref_squeeze %dma_wait3A_1006 : memref<1x128x64xf32, #tpu.memory_space<vmem>> -> memref<128x64xf32, #tpu.memory_space<vmem>>
    tpu.wait_dma2 semaphore(%arg15 : memref<!tpu.dma_semaphore, #tpu.memory_space<semaphore_mem>>) src(%dma_wait3A_1007 : memref<128x64xf32, #tpu.memory_space<vmem>>) dst(%dma_wait3A_1003 : memref<128x64xf32, #tpu.memory_space<hbm>>)
    %dma_wait3A_1008 = arith.constant 1 : i32
    %dma_wait3A_1009 = arith.constant 0 : i32
    %dma_wait3A_1010 = arith.constant 0 : i32
    %dma_wait3A_1011 = tpu.memref_slice %arg8[%dma_wait3A_1008, %dma_wait3A_1009, %dma_wait3A_1010] : memref<4x128x64xf32, #tpu.memory_space<vmem>> -> memref<1x128x64xf32, #tpu.memory_space<vmem>>
    %dma_wait3A_1012 = tpu.memref_squeeze %dma_wait3A_1011 : memref<1x128x64xf32, #tpu.memory_space<vmem>> -> memref<128x64xf32, #tpu.memory_space<vmem>>
    %dma_wait3A_1013 = arith.constant 64 : i32
    %dma_wait3A_1014 = tpu.memref_slice %arg4[%add3A_994, %dma_wait3A_1013] : memref<204800x256xf32, #tpu.memory_space<hbm>> -> memref<128x64xf32, #tpu.memory_space<hbm>>
    %dma_wait3A_1015 = arith.constant 64 : i32
    %dma_wait3A_1016 = tpu.memref_slice %arg4[%add3A_994, %dma_wait3A_1015] : memref<204800x256xf32, #tpu.memory_space<hbm>> -> memref<128x64xf32, #tpu.memory_space<hbm>>
    %dma_wait3A_1017 = arith.constant 0 : i32
    %dma_wait3A_1018 = arith.constant 0 : i32
    %dma_wait3A_1019 = tpu.memref_slice %arg8[%dma_wait3A_1008, %dma_wait3A_1017, %dma_wait3A_1018] : memref<4x128x64xf32, #tpu.memory_space<vmem>> -> memref<1x128x64xf32, #tpu.memory_space<vmem>>
    %dma_wait3A_1020 = tpu.memref_squeeze %dma_wait3A_1019 : memref<1x128x64xf32, #tpu.memory_space<vmem>> -> memref<128x64xf32, #tpu.memory_space<vmem>>
    tpu.wait_dma2 semaphore(%arg15 : memref<!tpu.dma_semaphore, #tpu.memory_space<semaphore_mem>>) src(%dma_wait3A_1020 : memref<128x64xf32, #tpu.memory_space<vmem>>) dst(%dma_wait3A_1016 : memref<128x64xf32, #tpu.memory_space<hbm>>)
    %dma_wait3A_1021 = arith.constant 2 : i32
    %dma_wait3A_1022 = arith.constant 0 : i32
    %dma_wait3A_1023 = arith.constant 0 : i32
    %dma_wait3A_1024 = tpu.memref_slice %arg8[%dma_wait3A_1021, %dma_wait3A_1022, %dma_wait3A_1023] : memref<4x128x64xf32, #tpu.memory_space<vmem>> -> memref<1x128x64xf32, #tpu.memory_space<vmem>>
    %dma_wait3A_1025 = tpu.memref_squeeze %dma_wait3A_1024 : memref<1x128x64xf32, #tpu.memory_space<vmem>> -> memref<128x64xf32, #tpu.memory_space<vmem>>
    %dma_wait3A_1026 = arith.constant 128 : i32
    %dma_wait3A_1027 = tpu.memref_slice %arg4[%add3A_994, %dma_wait3A_1026] : memref<204800x256xf32, #tpu.memory_space<hbm>> -> memref<128x64xf32, #tpu.memory_space<hbm>>
    %dma_wait3A_1028 = arith.constant 128 : i32
    %dma_wait3A_1029 = tpu.memref_slice %arg4[%add3A_994, %dma_wait3A_1028] : memref<204800x256xf32, #tpu.memory_space<hbm>> -> memref<128x64xf32, #tpu.memory_space<hbm>>
    %dma_wait3A_1030 = arith.constant 0 : i32
    %dma_wait3A_1031 = arith.constant 0 : i32
    %dma_wait3A_1032 = tpu.memref_slice %arg8[%dma_wait3A_1021, %dma_wait3A_1030, %dma_wait3A_1031] : memref<4x128x64xf32, #tpu.memory_space<vmem>> -> memref<1x128x64xf32, #tpu.memory_space<vmem>>
    %dma_wait3A_1033 = tpu.memref_squeeze %dma_wait3A_1032 : memref<1x128x64xf32, #tpu.memory_space<vmem>> -> memref<128x64xf32, #tpu.memory_space<vmem>>
    tpu.wait_dma2 semaphore(%arg15 : memref<!tpu.dma_semaphore, #tpu.memory_space<semaphore_mem>>) src(%dma_wait3A_1033 : memref<128x64xf32, #tpu.memory_space<vmem>>) dst(%dma_wait3A_1029 : memref<128x64xf32, #tpu.memory_space<hbm>>)
    %dma_wait3A_1034 = arith.constant 3 : i32
    %dma_wait3A_1035 = arith.constant 0 : i32
    %dma_wait3A_1036 = arith.constant 0 : i32
    %dma_wait3A_1037 = tpu.memref_slice %arg8[%dma_wait3A_1034, %dma_wait3A_1035, %dma_wait3A_1036] : memref<4x128x64xf32, #tpu.memory_space<vmem>> -> memref<1x128x64xf32, #tpu.memory_space<vmem>>
    %dma_wait3A_1038 = tpu.memref_squeeze %dma_wait3A_1037 : memref<1x128x64xf32, #tpu.memory_space<vmem>> -> memref<128x64xf32, #tpu.memory_space<vmem>>
    %dma_wait3A_1039 = arith.constant 192 : i32
    %dma_wait3A_1040 = tpu.memref_slice %arg4[%add3A_994, %dma_wait3A_1039] : memref<204800x256xf32, #tpu.memory_space<hbm>> -> memref<128x64xf32, #tpu.memory_space<hbm>>
    %dma_wait3A_1041 = arith.constant 192 : i32
    %dma_wait3A_1042 = tpu.memref_slice %arg4[%add3A_994, %dma_wait3A_1041] : memref<204800x256xf32, #tpu.memory_space<hbm>> -> memref<128x64xf32, #tpu.memory_space<hbm>>
    %dma_wait3A_1043 = arith.constant 0 : i32
    %dma_wait3A_1044 = arith.constant 0 : i32
    %dma_wait3A_1045 = tpu.memref_slice %arg8[%dma_wait3A_1034, %dma_wait3A_1043, %dma_wait3A_1044] : memref<4x128x64xf32, #tpu.memory_space<vmem>> -> memref<1x128x64xf32, #tpu.memory_space<vmem>>
    %dma_wait3A_1046 = tpu.memref_squeeze %dma_wait3A_1045 : memref<1x128x64xf32, #tpu.memory_space<vmem>> -> memref<128x64xf32, #tpu.memory_space<vmem>>
    tpu.wait_dma2 semaphore(%arg15 : memref<!tpu.dma_semaphore, #tpu.memory_space<semaphore_mem>>) src(%dma_wait3A_1046 : memref<128x64xf32, #tpu.memory_space<vmem>>) dst(%dma_wait3A_1042 : memref<128x64xf32, #tpu.memory_space<hbm>>)
    %dma_start3A_1047 = arith.constant 0 : i32
    %dma_start3A_1048 = arith.constant 0 : i32
    %dma_start3A_1049 = arith.constant 0 : i32
    %dma_start3A_1050 = arith.constant 0 : i32
    %dma_start3A_1051 = tpu.memref_slice %arg8[%dma_start3A_1048, %dma_start3A_1049, %dma_start3A_1050] : memref<4x128x64xf32, #tpu.memory_space<vmem>> -> memref<1x128x64xf32, #tpu.memory_space<vmem>>
    %dma_start3A_1052 = tpu.memref_squeeze %dma_start3A_1051 : memref<1x128x64xf32, #tpu.memory_space<vmem>> -> memref<128x64xf32, #tpu.memory_space<vmem>>
    %dma_start3A_1053 = arith.constant 0 : i32
    %dma_start3A_1054 = tpu.memref_slice %arg6[%dma_start3A_1047, %dma_start3A_1053] : memref<4x128xi32, #tpu.memory_space<vmem>> -> memref<1x128xi32, #tpu.memory_space<vmem>>
    %dma_start3A_1055 = tpu.memref_squeeze %dma_start3A_1054 : memref<1x128xi32, #tpu.memory_space<vmem>> -> memref<128xi32, #tpu.memory_space<vmem>>
    %dma_start3A_1056 = arith.constant 0 : i32
    %dma_start3A_1057 = arith.constant 0 : i32
    %dma_start3A_1058 = tpu.memref_slice %arg9[%dma_start3A_1056, %dma_start3A_1057] : memref<2048x64xf32, #tpu.memory_space<vmem_shared>> -> memref<2048x64xf32, #tpu.memory_space<vmem_shared>>
    tpu.enqueue_indirect_dma source(%dma_start3A_1058 : memref<2048x64xf32, #tpu.memory_space<vmem_shared>>) target(%dma_start3A_1052 : memref<128x64xf32, #tpu.memory_space<vmem>>) offsets(%dma_start3A_1055 : memref<128xi32, #tpu.memory_space<vmem>>) semaphore(%arg13 : memref<!tpu.dma_semaphore, #tpu.memory_space<semaphore_mem>>)
    %dma_start3A_1059 = arith.constant 1 : i32
    %dma_start3A_1060 = arith.constant 1 : i32
    %dma_start3A_1061 = arith.constant 0 : i32
    %dma_start3A_1062 = arith.constant 0 : i32
    %dma_start3A_1063 = tpu.memref_slice %arg8[%dma_start3A_1060, %dma_start3A_1061, %dma_start3A_1062] : memref<4x128x64xf32, #tpu.memory_space<vmem>> -> memref<1x128x64xf32, #tpu.memory_space<vmem>>
    %dma_start3A_1064 = tpu.memref_squeeze %dma_start3A_1063 : memref<1x128x64xf32, #tpu.memory_space<vmem>> -> memref<128x64xf32, #tpu.memory_space<vmem>>
    %dma_start3A_1065 = arith.constant 0 : i32
    %dma_start3A_1066 = tpu.memref_slice %arg6[%dma_start3A_1059, %dma_start3A_1065] : memref<4x128xi32, #tpu.memory_space<vmem>> -> memref<1x128xi32, #tpu.memory_space<vmem>>
    %dma_start3A_1067 = tpu.memref_squeeze %dma_start3A_1066 : memref<1x128xi32, #tpu.memory_space<vmem>> -> memref<128xi32, #tpu.memory_space<vmem>>
    %dma_start3A_1068 = arith.constant 0 : i32
    %dma_start3A_1069 = arith.constant 0 : i32
    %dma_start3A_1070 = tpu.memref_slice %arg9[%dma_start3A_1068, %dma_start3A_1069] : memref<2048x64xf32, #tpu.memory_space<vmem_shared>> -> memref<2048x64xf32, #tpu.memory_space<vmem_shared>>
    tpu.enqueue_indirect_dma source(%dma_start3A_1070 : memref<2048x64xf32, #tpu.memory_space<vmem_shared>>) target(%dma_start3A_1064 : memref<128x64xf32, #tpu.memory_space<vmem>>) offsets(%dma_start3A_1067 : memref<128xi32, #tpu.memory_space<vmem>>) semaphore(%arg13 : memref<!tpu.dma_semaphore, #tpu.memory_space<semaphore_mem>>)
    %dma_start3A_1071 = arith.constant 2 : i32
    %dma_start3A_1072 = arith.constant 2 : i32
    %dma_start3A_1073 = arith.constant 0 : i32
    %dma_start3A_1074 = arith.constant 0 : i32
    %dma_start3A_1075 = tpu.memref_slice %arg8[%dma_start3A_1072, %dma_start3A_1073, %dma_start3A_1074] : memref<4x128x64xf32, #tpu.memory_space<vmem>> -> memref<1x128x64xf32, #tpu.memory_space<vmem>>
    %dma_start3A_1076 = tpu.memref_squeeze %dma_start3A_1075 : memref<1x128x64xf32, #tpu.memory_space<vmem>> -> memref<128x64xf32, #tpu.memory_space<vmem>>
    %dma_start3A_1077 = arith.constant 0 : i32
    %dma_start3A_1078 = tpu.memref_slice %arg6[%dma_start3A_1071, %dma_start3A_1077] : memref<4x128xi32, #tpu.memory_space<vmem>> -> memref<1x128xi32, #tpu.memory_space<vmem>>
    %dma_start3A_1079 = tpu.memref_squeeze %dma_start3A_1078 : memref<1x128xi32, #tpu.memory_space<vmem>> -> memref<128xi32, #tpu.memory_space<vmem>>
    %dma_start3A_1080 = arith.constant 0 : i32
    %dma_start3A_1081 = arith.constant 0 : i32
    %dma_start3A_1082 = tpu.memref_slice %arg9[%dma_start3A_1080, %dma_start3A_1081] : memref<2048x64xf32, #tpu.memory_space<vmem_shared>> -> memref<2048x64xf32, #tpu.memory_space<vmem_shared>>
    tpu.enqueue_indirect_dma source(%dma_start3A_1082 : memref<2048x64xf32, #tpu.memory_space<vmem_shared>>) target(%dma_start3A_1076 : memref<128x64xf32, #tpu.memory_space<vmem>>) offsets(%dma_start3A_1079 : memref<128xi32, #tpu.memory_space<vmem>>) semaphore(%arg13 : memref<!tpu.dma_semaphore, #tpu.memory_space<semaphore_mem>>)
    %dma_start3A_1083 = arith.constant 3 : i32
    %dma_start3A_1084 = arith.constant 3 : i32
    %dma_start3A_1085 = arith.constant 0 : i32
    %dma_start3A_1086 = arith.constant 0 : i32
    %dma_start3A_1087 = tpu.memref_slice %arg8[%dma_start3A_1084, %dma_start3A_1085, %dma_start3A_1086] : memref<4x128x64xf32, #tpu.memory_space<vmem>> -> memref<1x128x64xf32, #tpu.memory_space<vmem>>
    %dma_start3A_1088 = tpu.memref_squeeze %dma_start3A_1087 : memref<1x128x64xf32, #tpu.memory_space<vmem>> -> memref<128x64xf32, #tpu.memory_space<vmem>>
    %dma_start3A_1089 = arith.constant 0 : i32
    %dma_start3A_1090 = tpu.memref_slice %arg6[%dma_start3A_1083, %dma_start3A_1089] : memref<4x128xi32, #tpu.memory_space<vmem>> -> memref<1x128xi32, #tpu.memory_space<vmem>>
    %dma_start3A_1091 = tpu.memref_squeeze %dma_start3A_1090 : memref<1x128xi32, #tpu.memory_space<vmem>> -> memref<128xi32, #tpu.memory_space<vmem>>
    %dma_start3A_1092 = arith.constant 0 : i32
    %dma_start3A_1093 = arith.constant 0 : i32
    %dma_start3A_1094 = tpu.memref_slice %arg9[%dma_start3A_1092, %dma_start3A_1093] : memref<2048x64xf32, #tpu.memory_space<vmem_shared>> -> memref<2048x64xf32, #tpu.memory_space<vmem_shared>>
    tpu.enqueue_indirect_dma source(%dma_start3A_1094 : memref<2048x64xf32, #tpu.memory_space<vmem_shared>>) target(%dma_start3A_1088 : memref<128x64xf32, #tpu.memory_space<vmem>>) offsets(%dma_start3A_1091 : memref<128xi32, #tpu.memory_space<vmem>>) semaphore(%arg13 : memref<!tpu.dma_semaphore, #tpu.memory_space<semaphore_mem>>)
    %dma_wait3A_1095 = arith.constant 0 : i32
    %dma_wait3A_1096 = arith.constant 0 : i32
    %dma_wait3A_1097 = arith.constant 0 : i32
    %dma_wait3A_1098 = arith.constant 0 : i32
    %dma_wait3A_1099 = tpu.memref_slice %arg7[%dma_wait3A_1096, %dma_wait3A_1097, %dma_wait3A_1098] : memref<4x128x64xf32, #tpu.memory_space<vmem>> -> memref<1x128x64xf32, #tpu.memory_space<vmem>>
    %dma_wait3A_1100 = tpu.memref_squeeze %dma_wait3A_1099 : memref<1x128x64xf32, #tpu.memory_space<vmem>> -> memref<128x64xf32, #tpu.memory_space<vmem>>
    %dma_wait3A_1101 = arith.constant 0 : i32
    %dma_wait3A_1102 = tpu.memref_slice %arg5[%dma_wait3A_1095, %dma_wait3A_1101] : memref<4x128xi32, #tpu.memory_space<vmem>> -> memref<1x128xi32, #tpu.memory_space<vmem>>
    %dma_wait3A_1103 = tpu.memref_squeeze %dma_wait3A_1102 : memref<1x128xi32, #tpu.memory_space<vmem>> -> memref<128xi32, #tpu.memory_space<vmem>>
    %dma_wait3A_1104 = arith.constant 0 : i32
    %dma_wait3A_1105 = arith.constant 0 : i32
    %dma_wait3A_1106 = tpu.memref_slice %arg9[%dma_wait3A_1104, %dma_wait3A_1105] : memref<2048x64xf32, #tpu.memory_space<vmem_shared>> -> memref<2048x64xf32, #tpu.memory_space<vmem_shared>>
    tpu.wait_indirect_dma semaphore(%arg12 : memref<!tpu.dma_semaphore, #tpu.memory_space<semaphore_mem>>) src(%dma_wait3A_1106 : memref<2048x64xf32, #tpu.memory_space<vmem_shared>>) dst(%dma_wait3A_1100 : memref<128x64xf32, #tpu.memory_space<vmem>>)
    %dma_wait3A_1107 = arith.constant 1 : i32
    %dma_wait3A_1108 = arith.constant 1 : i32
    %dma_wait3A_1109 = arith.constant 0 : i32
    %dma_wait3A_1110 = arith.constant 0 : i32
    %dma_wait3A_1111 = tpu.memref_slice %arg7[%dma_wait3A_1108, %dma_wait3A_1109, %dma_wait3A_1110] : memref<4x128x64xf32, #tpu.memory_space<vmem>> -> memref<1x128x64xf32, #tpu.memory_space<vmem>>
    %dma_wait3A_1112 = tpu.memref_squeeze %dma_wait3A_1111 : memref<1x128x64xf32, #tpu.memory_space<vmem>> -> memref<128x64xf32, #tpu.memory_space<vmem>>
    %dma_wait3A_1113 = arith.constant 0 : i32
    %dma_wait3A_1114 = tpu.memref_slice %arg5[%dma_wait3A_1107, %dma_wait3A_1113] : memref<4x128xi32, #tpu.memory_space<vmem>> -> memref<1x128xi32, #tpu.memory_space<vmem>>
    %dma_wait3A_1115 = tpu.memref_squeeze %dma_wait3A_1114 : memref<1x128xi32, #tpu.memory_space<vmem>> -> memref<128xi32, #tpu.memory_space<vmem>>
    %dma_wait3A_1116 = arith.constant 0 : i32
    %dma_wait3A_1117 = arith.constant 0 : i32
    %dma_wait3A_1118 = tpu.memref_slice %arg9[%dma_wait3A_1116, %dma_wait3A_1117] : memref<2048x64xf32, #tpu.memory_space<vmem_shared>> -> memref<2048x64xf32, #tpu.memory_space<vmem_shared>>
    tpu.wait_indirect_dma semaphore(%arg12 : memref<!tpu.dma_semaphore, #tpu.memory_space<semaphore_mem>>) src(%dma_wait3A_1118 : memref<2048x64xf32, #tpu.memory_space<vmem_shared>>) dst(%dma_wait3A_1112 : memref<128x64xf32, #tpu.memory_space<vmem>>)
    %dma_wait3A_1119 = arith.constant 2 : i32
    %dma_wait3A_1120 = arith.constant 2 : i32
    %dma_wait3A_1121 = arith.constant 0 : i32
    %dma_wait3A_1122 = arith.constant 0 : i32
    %dma_wait3A_1123 = tpu.memref_slice %arg7[%dma_wait3A_1120, %dma_wait3A_1121, %dma_wait3A_1122] : memref<4x128x64xf32, #tpu.memory_space<vmem>> -> memref<1x128x64xf32, #tpu.memory_space<vmem>>
    %dma_wait3A_1124 = tpu.memref_squeeze %dma_wait3A_1123 : memref<1x128x64xf32, #tpu.memory_space<vmem>> -> memref<128x64xf32, #tpu.memory_space<vmem>>
    %dma_wait3A_1125 = arith.constant 0 : i32
    %dma_wait3A_1126 = tpu.memref_slice %arg5[%dma_wait3A_1119, %dma_wait3A_1125] : memref<4x128xi32, #tpu.memory_space<vmem>> -> memref<1x128xi32, #tpu.memory_space<vmem>>
    %dma_wait3A_1127 = tpu.memref_squeeze %dma_wait3A_1126 : memref<1x128xi32, #tpu.memory_space<vmem>> -> memref<128xi32, #tpu.memory_space<vmem>>
    %dma_wait3A_1128 = arith.constant 0 : i32
    %dma_wait3A_1129 = arith.constant 0 : i32
    %dma_wait3A_1130 = tpu.memref_slice %arg9[%dma_wait3A_1128, %dma_wait3A_1129] : memref<2048x64xf32, #tpu.memory_space<vmem_shared>> -> memref<2048x64xf32, #tpu.memory_space<vmem_shared>>
    tpu.wait_indirect_dma semaphore(%arg12 : memref<!tpu.dma_semaphore, #tpu.memory_space<semaphore_mem>>) src(%dma_wait3A_1130 : memref<2048x64xf32, #tpu.memory_space<vmem_shared>>) dst(%dma_wait3A_1124 : memref<128x64xf32, #tpu.memory_space<vmem>>)
    %dma_wait3A_1131 = arith.constant 3 : i32
    %dma_wait3A_1132 = arith.constant 3 : i32
    %dma_wait3A_1133 = arith.constant 0 : i32
    %dma_wait3A_1134 = arith.constant 0 : i32
    %dma_wait3A_1135 = tpu.memref_slice %arg7[%dma_wait3A_1132, %dma_wait3A_1133, %dma_wait3A_1134] : memref<4x128x64xf32, #tpu.memory_space<vmem>> -> memref<1x128x64xf32, #tpu.memory_space<vmem>>
    %dma_wait3A_1136 = tpu.memref_squeeze %dma_wait3A_1135 : memref<1x128x64xf32, #tpu.memory_space<vmem>> -> memref<128x64xf32, #tpu.memory_space<vmem>>
    %dma_wait3A_1137 = arith.constant 0 : i32
    %dma_wait3A_1138 = tpu.memref_slice %arg5[%dma_wait3A_1131, %dma_wait3A_1137] : memref<4x128xi32, #tpu.memory_space<vmem>> -> memref<1x128xi32, #tpu.memory_space<vmem>>
    %dma_wait3A_1139 = tpu.memref_squeeze %dma_wait3A_1138 : memref<1x128xi32, #tpu.memory_space<vmem>> -> memref<128xi32, #tpu.memory_space<vmem>>
    %dma_wait3A_1140 = arith.constant 0 : i32
    %dma_wait3A_1141 = arith.constant 0 : i32
    %dma_wait3A_1142 = tpu.memref_slice %arg9[%dma_wait3A_1140, %dma_wait3A_1141] : memref<2048x64xf32, #tpu.memory_space<vmem_shared>> -> memref<2048x64xf32, #tpu.memory_space<vmem_shared>>
    tpu.wait_indirect_dma semaphore(%arg12 : memref<!tpu.dma_semaphore, #tpu.memory_space<semaphore_mem>>) src(%dma_wait3A_1142 : memref<2048x64xf32, #tpu.memory_space<vmem_shared>>) dst(%dma_wait3A_1136 : memref<128x64xf32, #tpu.memory_space<vmem>>)
    %add3A_1143 = arith.constant 6144 : i32
    %add3A_1144 = arith.addi %mul3A_2, %add3A_1143 : i32
    %dma_start3A_1145 = arith.constant 0 : i32
    %dma_start3A_1146 = arith.constant 0 : i32
    %dma_start3A_1147 = arith.constant 0 : i32
    %dma_start3A_1148 = tpu.memref_slice %arg7[%dma_start3A_1145, %dma_start3A_1146, %dma_start3A_1147] : memref<4x128x64xf32, #tpu.memory_space<vmem>> -> memref<1x128x64xf32, #tpu.memory_space<vmem>>
    %dma_start3A_1149 = tpu.memref_squeeze %dma_start3A_1148 : memref<1x128x64xf32, #tpu.memory_space<vmem>> -> memref<128x64xf32, #tpu.memory_space<vmem>>
    %dma_start3A_1150 = arith.constant 0 : i32
    %dma_start3A_1151 = tpu.memref_slice %arg4[%add3A_1144, %dma_start3A_1150] : memref<204800x256xf32, #tpu.memory_space<hbm>> -> memref<128x64xf32, #tpu.memory_space<hbm>>
    %dma_start3A_1152 = arith.constant 0 : i32
    %dma_start3A_1153 = tpu.memref_slice %arg4[%add3A_1144, %dma_start3A_1152] : memref<204800x256xf32, #tpu.memory_space<hbm>> -> memref<128x64xf32, #tpu.memory_space<hbm>>
    %dma_start3A_1154 = arith.constant 0 : i32
    %dma_start3A_1155 = arith.constant 0 : i32
    %dma_start3A_1156 = tpu.memref_slice %arg7[%dma_start3A_1145, %dma_start3A_1154, %dma_start3A_1155] : memref<4x128x64xf32, #tpu.memory_space<vmem>> -> memref<1x128x64xf32, #tpu.memory_space<vmem>>
    %dma_start3A_1157 = tpu.memref_squeeze %dma_start3A_1156 : memref<1x128x64xf32, #tpu.memory_space<vmem>> -> memref<128x64xf32, #tpu.memory_space<vmem>>
    tpu.enqueue_dma source(%dma_start3A_1157 : memref<128x64xf32, #tpu.memory_space<vmem>>) target(%dma_start3A_1153 : memref<128x64xf32, #tpu.memory_space<hbm>>) target_semaphore(%arg14 : memref<!tpu.dma_semaphore, #tpu.memory_space<semaphore_mem>>)
    %dma_start3A_1158 = arith.constant 1 : i32
    %dma_start3A_1159 = arith.constant 0 : i32
    %dma_start3A_1160 = arith.constant 0 : i32
    %dma_start3A_1161 = tpu.memref_slice %arg7[%dma_start3A_1158, %dma_start3A_1159, %dma_start3A_1160] : memref<4x128x64xf32, #tpu.memory_space<vmem>> -> memref<1x128x64xf32, #tpu.memory_space<vmem>>
    %dma_start3A_1162 = tpu.memref_squeeze %dma_start3A_1161 : memref<1x128x64xf32, #tpu.memory_space<vmem>> -> memref<128x64xf32, #tpu.memory_space<vmem>>
    %dma_start3A_1163 = arith.constant 64 : i32
    %dma_start3A_1164 = tpu.memref_slice %arg4[%add3A_1144, %dma_start3A_1163] : memref<204800x256xf32, #tpu.memory_space<hbm>> -> memref<128x64xf32, #tpu.memory_space<hbm>>
    %dma_start3A_1165 = arith.constant 64 : i32
    %dma_start3A_1166 = tpu.memref_slice %arg4[%add3A_1144, %dma_start3A_1165] : memref<204800x256xf32, #tpu.memory_space<hbm>> -> memref<128x64xf32, #tpu.memory_space<hbm>>
    %dma_start3A_1167 = arith.constant 0 : i32
    %dma_start3A_1168 = arith.constant 0 : i32
    %dma_start3A_1169 = tpu.memref_slice %arg7[%dma_start3A_1158, %dma_start3A_1167, %dma_start3A_1168] : memref<4x128x64xf32, #tpu.memory_space<vmem>> -> memref<1x128x64xf32, #tpu.memory_space<vmem>>
    %dma_start3A_1170 = tpu.memref_squeeze %dma_start3A_1169 : memref<1x128x64xf32, #tpu.memory_space<vmem>> -> memref<128x64xf32, #tpu.memory_space<vmem>>
    tpu.enqueue_dma source(%dma_start3A_1170 : memref<128x64xf32, #tpu.memory_space<vmem>>) target(%dma_start3A_1166 : memref<128x64xf32, #tpu.memory_space<hbm>>) target_semaphore(%arg14 : memref<!tpu.dma_semaphore, #tpu.memory_space<semaphore_mem>>)
    %dma_start3A_1171 = arith.constant 2 : i32
    %dma_start3A_1172 = arith.constant 0 : i32
    %dma_start3A_1173 = arith.constant 0 : i32
    %dma_start3A_1174 = tpu.memref_slice %arg7[%dma_start3A_1171, %dma_start3A_1172, %dma_start3A_1173] : memref<4x128x64xf32, #tpu.memory_space<vmem>> -> memref<1x128x64xf32, #tpu.memory_space<vmem>>
    %dma_start3A_1175 = tpu.memref_squeeze %dma_start3A_1174 : memref<1x128x64xf32, #tpu.memory_space<vmem>> -> memref<128x64xf32, #tpu.memory_space<vmem>>
    %dma_start3A_1176 = arith.constant 128 : i32
    %dma_start3A_1177 = tpu.memref_slice %arg4[%add3A_1144, %dma_start3A_1176] : memref<204800x256xf32, #tpu.memory_space<hbm>> -> memref<128x64xf32, #tpu.memory_space<hbm>>
    %dma_start3A_1178 = arith.constant 128 : i32
    %dma_start3A_1179 = tpu.memref_slice %arg4[%add3A_1144, %dma_start3A_1178] : memref<204800x256xf32, #tpu.memory_space<hbm>> -> memref<128x64xf32, #tpu.memory_space<hbm>>
    %dma_start3A_1180 = arith.constant 0 : i32
    %dma_start3A_1181 = arith.constant 0 : i32
    %dma_start3A_1182 = tpu.memref_slice %arg7[%dma_start3A_1171, %dma_start3A_1180, %dma_start3A_1181] : memref<4x128x64xf32, #tpu.memory_space<vmem>> -> memref<1x128x64xf32, #tpu.memory_space<vmem>>
    %dma_start3A_1183 = tpu.memref_squeeze %dma_start3A_1182 : memref<1x128x64xf32, #tpu.memory_space<vmem>> -> memref<128x64xf32, #tpu.memory_space<vmem>>
    tpu.enqueue_dma source(%dma_start3A_1183 : memref<128x64xf32, #tpu.memory_space<vmem>>) target(%dma_start3A_1179 : memref<128x64xf32, #tpu.memory_space<hbm>>) target_semaphore(%arg14 : memref<!tpu.dma_semaphore, #tpu.memory_space<semaphore_mem>>)
    %dma_start3A_1184 = arith.constant 3 : i32
    %dma_start3A_1185 = arith.constant 0 : i32
    %dma_start3A_1186 = arith.constant 0 : i32
    %dma_start3A_1187 = tpu.memref_slice %arg7[%dma_start3A_1184, %dma_start3A_1185, %dma_start3A_1186] : memref<4x128x64xf32, #tpu.memory_space<vmem>> -> memref<1x128x64xf32, #tpu.memory_space<vmem>>
    %dma_start3A_1188 = tpu.memref_squeeze %dma_start3A_1187 : memref<1x128x64xf32, #tpu.memory_space<vmem>> -> memref<128x64xf32, #tpu.memory_space<vmem>>
    %dma_start3A_1189 = arith.constant 192 : i32
    %dma_start3A_1190 = tpu.memref_slice %arg4[%add3A_1144, %dma_start3A_1189] : memref<204800x256xf32, #tpu.memory_space<hbm>> -> memref<128x64xf32, #tpu.memory_space<hbm>>
    %dma_start3A_1191 = arith.constant 192 : i32
    %dma_start3A_1192 = tpu.memref_slice %arg4[%add3A_1144, %dma_start3A_1191] : memref<204800x256xf32, #tpu.memory_space<hbm>> -> memref<128x64xf32, #tpu.memory_space<hbm>>
    %dma_start3A_1193 = arith.constant 0 : i32
    %dma_start3A_1194 = arith.constant 0 : i32
    %dma_start3A_1195 = tpu.memref_slice %arg7[%dma_start3A_1184, %dma_start3A_1193, %dma_start3A_1194] : memref<4x128x64xf32, #tpu.memory_space<vmem>> -> memref<1x128x64xf32, #tpu.memory_space<vmem>>
    %dma_start3A_1196 = tpu.memref_squeeze %dma_start3A_1195 : memref<1x128x64xf32, #tpu.memory_space<vmem>> -> memref<128x64xf32, #tpu.memory_space<vmem>>
    tpu.enqueue_dma source(%dma_start3A_1196 : memref<128x64xf32, #tpu.memory_space<vmem>>) target(%dma_start3A_1192 : memref<128x64xf32, #tpu.memory_space<hbm>>) target_semaphore(%arg14 : memref<!tpu.dma_semaphore, #tpu.memory_space<semaphore_mem>>)
    %dma_wait3A_1197 = arith.constant 0 : i32
    %dma_wait3A_1198 = arith.constant 0 : i32
    %dma_wait3A_1199 = arith.constant 0 : i32
    %dma_wait3A_1200 = arith.constant 0 : i32
    %dma_wait3A_1201 = tpu.memref_slice %arg8[%dma_wait3A_1198, %dma_wait3A_1199, %dma_wait3A_1200] : memref<4x128x64xf32, #tpu.memory_space<vmem>> -> memref<1x128x64xf32, #tpu.memory_space<vmem>>
    %dma_wait3A_1202 = tpu.memref_squeeze %dma_wait3A_1201 : memref<1x128x64xf32, #tpu.memory_space<vmem>> -> memref<128x64xf32, #tpu.memory_space<vmem>>
    %dma_wait3A_1203 = arith.constant 0 : i32
    %dma_wait3A_1204 = tpu.memref_slice %arg6[%dma_wait3A_1197, %dma_wait3A_1203] : memref<4x128xi32, #tpu.memory_space<vmem>> -> memref<1x128xi32, #tpu.memory_space<vmem>>
    %dma_wait3A_1205 = tpu.memref_squeeze %dma_wait3A_1204 : memref<1x128xi32, #tpu.memory_space<vmem>> -> memref<128xi32, #tpu.memory_space<vmem>>
    %dma_wait3A_1206 = arith.constant 0 : i32
    %dma_wait3A_1207 = arith.constant 0 : i32
    %dma_wait3A_1208 = tpu.memref_slice %arg9[%dma_wait3A_1206, %dma_wait3A_1207] : memref<2048x64xf32, #tpu.memory_space<vmem_shared>> -> memref<2048x64xf32, #tpu.memory_space<vmem_shared>>
    tpu.wait_indirect_dma semaphore(%arg13 : memref<!tpu.dma_semaphore, #tpu.memory_space<semaphore_mem>>) src(%dma_wait3A_1208 : memref<2048x64xf32, #tpu.memory_space<vmem_shared>>) dst(%dma_wait3A_1202 : memref<128x64xf32, #tpu.memory_space<vmem>>)
    %dma_wait3A_1209 = arith.constant 1 : i32
    %dma_wait3A_1210 = arith.constant 1 : i32
    %dma_wait3A_1211 = arith.constant 0 : i32
    %dma_wait3A_1212 = arith.constant 0 : i32
    %dma_wait3A_1213 = tpu.memref_slice %arg8[%dma_wait3A_1210, %dma_wait3A_1211, %dma_wait3A_1212] : memref<4x128x64xf32, #tpu.memory_space<vmem>> -> memref<1x128x64xf32, #tpu.memory_space<vmem>>
    %dma_wait3A_1214 = tpu.memref_squeeze %dma_wait3A_1213 : memref<1x128x64xf32, #tpu.memory_space<vmem>> -> memref<128x64xf32, #tpu.memory_space<vmem>>
    %dma_wait3A_1215 = arith.constant 0 : i32
    %dma_wait3A_1216 = tpu.memref_slice %arg6[%dma_wait3A_1209, %dma_wait3A_1215] : memref<4x128xi32, #tpu.memory_space<vmem>> -> memref<1x128xi32, #tpu.memory_space<vmem>>
    %dma_wait3A_1217 = tpu.memref_squeeze %dma_wait3A_1216 : memref<1x128xi32, #tpu.memory_space<vmem>> -> memref<128xi32, #tpu.memory_space<vmem>>
    %dma_wait3A_1218 = arith.constant 0 : i32
    %dma_wait3A_1219 = arith.constant 0 : i32
    %dma_wait3A_1220 = tpu.memref_slice %arg9[%dma_wait3A_1218, %dma_wait3A_1219] : memref<2048x64xf32, #tpu.memory_space<vmem_shared>> -> memref<2048x64xf32, #tpu.memory_space<vmem_shared>>
    tpu.wait_indirect_dma semaphore(%arg13 : memref<!tpu.dma_semaphore, #tpu.memory_space<semaphore_mem>>) src(%dma_wait3A_1220 : memref<2048x64xf32, #tpu.memory_space<vmem_shared>>) dst(%dma_wait3A_1214 : memref<128x64xf32, #tpu.memory_space<vmem>>)
    %dma_wait3A_1221 = arith.constant 2 : i32
    %dma_wait3A_1222 = arith.constant 2 : i32
    %dma_wait3A_1223 = arith.constant 0 : i32
    %dma_wait3A_1224 = arith.constant 0 : i32
    %dma_wait3A_1225 = tpu.memref_slice %arg8[%dma_wait3A_1222, %dma_wait3A_1223, %dma_wait3A_1224] : memref<4x128x64xf32, #tpu.memory_space<vmem>> -> memref<1x128x64xf32, #tpu.memory_space<vmem>>
    %dma_wait3A_1226 = tpu.memref_squeeze %dma_wait3A_1225 : memref<1x128x64xf32, #tpu.memory_space<vmem>> -> memref<128x64xf32, #tpu.memory_space<vmem>>
    %dma_wait3A_1227 = arith.constant 0 : i32
    %dma_wait3A_1228 = tpu.memref_slice %arg6[%dma_wait3A_1221, %dma_wait3A_1227] : memref<4x128xi32, #tpu.memory_space<vmem>> -> memref<1x128xi32, #tpu.memory_space<vmem>>
    %dma_wait3A_1229 = tpu.memref_squeeze %dma_wait3A_1228 : memref<1x128xi32, #tpu.memory_space<vmem>> -> memref<128xi32, #tpu.memory_space<vmem>>
    %dma_wait3A_1230 = arith.constant 0 : i32
    %dma_wait3A_1231 = arith.constant 0 : i32
    %dma_wait3A_1232 = tpu.memref_slice %arg9[%dma_wait3A_1230, %dma_wait3A_1231] : memref<2048x64xf32, #tpu.memory_space<vmem_shared>> -> memref<2048x64xf32, #tpu.memory_space<vmem_shared>>
    tpu.wait_indirect_dma semaphore(%arg13 : memref<!tpu.dma_semaphore, #tpu.memory_space<semaphore_mem>>) src(%dma_wait3A_1232 : memref<2048x64xf32, #tpu.memory_space<vmem_shared>>) dst(%dma_wait3A_1226 : memref<128x64xf32, #tpu.memory_space<vmem>>)
    %dma_wait3A_1233 = arith.constant 3 : i32
    %dma_wait3A_1234 = arith.constant 3 : i32
    %dma_wait3A_1235 = arith.constant 0 : i32
    %dma_wait3A_1236 = arith.constant 0 : i32
    %dma_wait3A_1237 = tpu.memref_slice %arg8[%dma_wait3A_1234, %dma_wait3A_1235, %dma_wait3A_1236] : memref<4x128x64xf32, #tpu.memory_space<vmem>> -> memref<1x128x64xf32, #tpu.memory_space<vmem>>
    %dma_wait3A_1238 = tpu.memref_squeeze %dma_wait3A_1237 : memref<1x128x64xf32, #tpu.memory_space<vmem>> -> memref<128x64xf32, #tpu.memory_space<vmem>>
    %dma_wait3A_1239 = arith.constant 0 : i32
    %dma_wait3A_1240 = tpu.memref_slice %arg6[%dma_wait3A_1233, %dma_wait3A_1239] : memref<4x128xi32, #tpu.memory_space<vmem>> -> memref<1x128xi32, #tpu.memory_space<vmem>>
    %dma_wait3A_1241 = tpu.memref_squeeze %dma_wait3A_1240 : memref<1x128xi32, #tpu.memory_space<vmem>> -> memref<128xi32, #tpu.memory_space<vmem>>
    %dma_wait3A_1242 = arith.constant 0 : i32
    %dma_wait3A_1243 = arith.constant 0 : i32
    %dma_wait3A_1244 = tpu.memref_slice %arg9[%dma_wait3A_1242, %dma_wait3A_1243] : memref<2048x64xf32, #tpu.memory_space<vmem_shared>> -> memref<2048x64xf32, #tpu.memory_space<vmem_shared>>
    tpu.wait_indirect_dma semaphore(%arg13 : memref<!tpu.dma_semaphore, #tpu.memory_space<semaphore_mem>>) src(%dma_wait3A_1244 : memref<2048x64xf32, #tpu.memory_space<vmem_shared>>) dst(%dma_wait3A_1238 : memref<128x64xf32, #tpu.memory_space<vmem>>)
    %add3A_1245 = arith.constant 6272 : i32
    %add3A_1246 = arith.addi %mul3A_2, %add3A_1245 : i32
    %dma_start3A_1247 = arith.constant 0 : i32
    %dma_start3A_1248 = arith.constant 0 : i32
    %dma_start3A_1249 = arith.constant 0 : i32
    %dma_start3A_1250 = tpu.memref_slice %arg8[%dma_start3A_1247, %dma_start3A_1248, %dma_start3A_1249] : memref<4x128x64xf32, #tpu.memory_space<vmem>> -> memref<1x128x64xf32, #tpu.memory_space<vmem>>
    %dma_start3A_1251 = tpu.memref_squeeze %dma_start3A_1250 : memref<1x128x64xf32, #tpu.memory_space<vmem>> -> memref<128x64xf32, #tpu.memory_space<vmem>>
    %dma_start3A_1252 = arith.constant 0 : i32
    %dma_start3A_1253 = tpu.memref_slice %arg4[%add3A_1246, %dma_start3A_1252] : memref<204800x256xf32, #tpu.memory_space<hbm>> -> memref<128x64xf32, #tpu.memory_space<hbm>>
    %dma_start3A_1254 = arith.constant 0 : i32
    %dma_start3A_1255 = tpu.memref_slice %arg4[%add3A_1246, %dma_start3A_1254] : memref<204800x256xf32, #tpu.memory_space<hbm>> -> memref<128x64xf32, #tpu.memory_space<hbm>>
    %dma_start3A_1256 = arith.constant 0 : i32
    %dma_start3A_1257 = arith.constant 0 : i32
    %dma_start3A_1258 = tpu.memref_slice %arg8[%dma_start3A_1247, %dma_start3A_1256, %dma_start3A_1257] : memref<4x128x64xf32, #tpu.memory_space<vmem>> -> memref<1x128x64xf32, #tpu.memory_space<vmem>>
    %dma_start3A_1259 = tpu.memref_squeeze %dma_start3A_1258 : memref<1x128x64xf32, #tpu.memory_space<vmem>> -> memref<128x64xf32, #tpu.memory_space<vmem>>
    tpu.enqueue_dma source(%dma_start3A_1259 : memref<128x64xf32, #tpu.memory_space<vmem>>) target(%dma_start3A_1255 : memref<128x64xf32, #tpu.memory_space<hbm>>) target_semaphore(%arg15 : memref<!tpu.dma_semaphore, #tpu.memory_space<semaphore_mem>>)
    %dma_start3A_1260 = arith.constant 1 : i32
    %dma_start3A_1261 = arith.constant 0 : i32
    %dma_start3A_1262 = arith.constant 0 : i32
    %dma_start3A_1263 = tpu.memref_slice %arg8[%dma_start3A_1260, %dma_start3A_1261, %dma_start3A_1262] : memref<4x128x64xf32, #tpu.memory_space<vmem>> -> memref<1x128x64xf32, #tpu.memory_space<vmem>>
    %dma_start3A_1264 = tpu.memref_squeeze %dma_start3A_1263 : memref<1x128x64xf32, #tpu.memory_space<vmem>> -> memref<128x64xf32, #tpu.memory_space<vmem>>
    %dma_start3A_1265 = arith.constant 64 : i32
    %dma_start3A_1266 = tpu.memref_slice %arg4[%add3A_1246, %dma_start3A_1265] : memref<204800x256xf32, #tpu.memory_space<hbm>> -> memref<128x64xf32, #tpu.memory_space<hbm>>
    %dma_start3A_1267 = arith.constant 64 : i32
    %dma_start3A_1268 = tpu.memref_slice %arg4[%add3A_1246, %dma_start3A_1267] : memref<204800x256xf32, #tpu.memory_space<hbm>> -> memref<128x64xf32, #tpu.memory_space<hbm>>
    %dma_start3A_1269 = arith.constant 0 : i32
    %dma_start3A_1270 = arith.constant 0 : i32
    %dma_start3A_1271 = tpu.memref_slice %arg8[%dma_start3A_1260, %dma_start3A_1269, %dma_start3A_1270] : memref<4x128x64xf32, #tpu.memory_space<vmem>> -> memref<1x128x64xf32, #tpu.memory_space<vmem>>
    %dma_start3A_1272 = tpu.memref_squeeze %dma_start3A_1271 : memref<1x128x64xf32, #tpu.memory_space<vmem>> -> memref<128x64xf32, #tpu.memory_space<vmem>>
    tpu.enqueue_dma source(%dma_start3A_1272 : memref<128x64xf32, #tpu.memory_space<vmem>>) target(%dma_start3A_1268 : memref<128x64xf32, #tpu.memory_space<hbm>>) target_semaphore(%arg15 : memref<!tpu.dma_semaphore, #tpu.memory_space<semaphore_mem>>)
    %dma_start3A_1273 = arith.constant 2 : i32
    %dma_start3A_1274 = arith.constant 0 : i32
    %dma_start3A_1275 = arith.constant 0 : i32
    %dma_start3A_1276 = tpu.memref_slice %arg8[%dma_start3A_1273, %dma_start3A_1274, %dma_start3A_1275] : memref<4x128x64xf32, #tpu.memory_space<vmem>> -> memref<1x128x64xf32, #tpu.memory_space<vmem>>
    %dma_start3A_1277 = tpu.memref_squeeze %dma_start3A_1276 : memref<1x128x64xf32, #tpu.memory_space<vmem>> -> memref<128x64xf32, #tpu.memory_space<vmem>>
    %dma_start3A_1278 = arith.constant 128 : i32
    %dma_start3A_1279 = tpu.memref_slice %arg4[%add3A_1246, %dma_start3A_1278] : memref<204800x256xf32, #tpu.memory_space<hbm>> -> memref<128x64xf32, #tpu.memory_space<hbm>>
    %dma_start3A_1280 = arith.constant 128 : i32
    %dma_start3A_1281 = tpu.memref_slice %arg4[%add3A_1246, %dma_start3A_1280] : memref<204800x256xf32, #tpu.memory_space<hbm>> -> memref<128x64xf32, #tpu.memory_space<hbm>>
    %dma_start3A_1282 = arith.constant 0 : i32
    %dma_start3A_1283 = arith.constant 0 : i32
    %dma_start3A_1284 = tpu.memref_slice %arg8[%dma_start3A_1273, %dma_start3A_1282, %dma_start3A_1283] : memref<4x128x64xf32, #tpu.memory_space<vmem>> -> memref<1x128x64xf32, #tpu.memory_space<vmem>>
    %dma_start3A_1285 = tpu.memref_squeeze %dma_start3A_1284 : memref<1x128x64xf32, #tpu.memory_space<vmem>> -> memref<128x64xf32, #tpu.memory_space<vmem>>
    tpu.enqueue_dma source(%dma_start3A_1285 : memref<128x64xf32, #tpu.memory_space<vmem>>) target(%dma_start3A_1281 : memref<128x64xf32, #tpu.memory_space<hbm>>) target_semaphore(%arg15 : memref<!tpu.dma_semaphore, #tpu.memory_space<semaphore_mem>>)
    %dma_start3A_1286 = arith.constant 3 : i32
    %dma_start3A_1287 = arith.constant 0 : i32
    %dma_start3A_1288 = arith.constant 0 : i32
    %dma_start3A_1289 = tpu.memref_slice %arg8[%dma_start3A_1286, %dma_start3A_1287, %dma_start3A_1288] : memref<4x128x64xf32, #tpu.memory_space<vmem>> -> memref<1x128x64xf32, #tpu.memory_space<vmem>>
    %dma_start3A_1290 = tpu.memref_squeeze %dma_start3A_1289 : memref<1x128x64xf32, #tpu.memory_space<vmem>> -> memref<128x64xf32, #tpu.memory_space<vmem>>
    %dma_start3A_1291 = arith.constant 192 : i32
    %dma_start3A_1292 = tpu.memref_slice %arg4[%add3A_1246, %dma_start3A_1291] : memref<204800x256xf32, #tpu.memory_space<hbm>> -> memref<128x64xf32, #tpu.memory_space<hbm>>
    %dma_start3A_1293 = arith.constant 192 : i32
    %dma_start3A_1294 = tpu.memref_slice %arg4[%add3A_1246, %dma_start3A_1293] : memref<204800x256xf32, #tpu.memory_space<hbm>> -> memref<128x64xf32, #tpu.memory_space<hbm>>
    %dma_start3A_1295 = arith.constant 0 : i32
    %dma_start3A_1296 = arith.constant 0 : i32
    %dma_start3A_1297 = tpu.memref_slice %arg8[%dma_start3A_1286, %dma_start3A_1295, %dma_start3A_1296] : memref<4x128x64xf32, #tpu.memory_space<vmem>> -> memref<1x128x64xf32, #tpu.memory_space<vmem>>
    %dma_start3A_1298 = tpu.memref_squeeze %dma_start3A_1297 : memref<1x128x64xf32, #tpu.memory_space<vmem>> -> memref<128x64xf32, #tpu.memory_space<vmem>>
    tpu.enqueue_dma source(%dma_start3A_1298 : memref<128x64xf32, #tpu.memory_space<vmem>>) target(%dma_start3A_1294 : memref<128x64xf32, #tpu.memory_space<hbm>>) target_semaphore(%arg15 : memref<!tpu.dma_semaphore, #tpu.memory_space<semaphore_mem>>)
    %add3A_1299 = arith.constant 6144 : i32
    %add3A_1300 = arith.addi %mul3A_2, %add3A_1299 : i32
    %dma_wait3A_1301 = arith.constant 0 : i32
    %dma_wait3A_1302 = arith.constant 0 : i32
    %dma_wait3A_1303 = arith.constant 0 : i32
    %dma_wait3A_1304 = tpu.memref_slice %arg7[%dma_wait3A_1301, %dma_wait3A_1302, %dma_wait3A_1303] : memref<4x128x64xf32, #tpu.memory_space<vmem>> -> memref<1x128x64xf32, #tpu.memory_space<vmem>>
    %dma_wait3A_1305 = tpu.memref_squeeze %dma_wait3A_1304 : memref<1x128x64xf32, #tpu.memory_space<vmem>> -> memref<128x64xf32, #tpu.memory_space<vmem>>
    %dma_wait3A_1306 = arith.constant 0 : i32
    %dma_wait3A_1307 = tpu.memref_slice %arg4[%add3A_1300, %dma_wait3A_1306] : memref<204800x256xf32, #tpu.memory_space<hbm>> -> memref<128x64xf32, #tpu.memory_space<hbm>>
    %dma_wait3A_1308 = arith.constant 0 : i32
    %dma_wait3A_1309 = tpu.memref_slice %arg4[%add3A_1300, %dma_wait3A_1308] : memref<204800x256xf32, #tpu.memory_space<hbm>> -> memref<128x64xf32, #tpu.memory_space<hbm>>
    %dma_wait3A_1310 = arith.constant 0 : i32
    %dma_wait3A_1311 = arith.constant 0 : i32
    %dma_wait3A_1312 = tpu.memref_slice %arg7[%dma_wait3A_1301, %dma_wait3A_1310, %dma_wait3A_1311] : memref<4x128x64xf32, #tpu.memory_space<vmem>> -> memref<1x128x64xf32, #tpu.memory_space<vmem>>
    %dma_wait3A_1313 = tpu.memref_squeeze %dma_wait3A_1312 : memref<1x128x64xf32, #tpu.memory_space<vmem>> -> memref<128x64xf32, #tpu.memory_space<vmem>>
    tpu.wait_dma2 semaphore(%arg14 : memref<!tpu.dma_semaphore, #tpu.memory_space<semaphore_mem>>) src(%dma_wait3A_1313 : memref<128x64xf32, #tpu.memory_space<vmem>>) dst(%dma_wait3A_1309 : memref<128x64xf32, #tpu.memory_space<hbm>>)
    %dma_wait3A_1314 = arith.constant 1 : i32
    %dma_wait3A_1315 = arith.constant 0 : i32
    %dma_wait3A_1316 = arith.constant 0 : i32
    %dma_wait3A_1317 = tpu.memref_slice %arg7[%dma_wait3A_1314, %dma_wait3A_1315, %dma_wait3A_1316] : memref<4x128x64xf32, #tpu.memory_space<vmem>> -> memref<1x128x64xf32, #tpu.memory_space<vmem>>
    %dma_wait3A_1318 = tpu.memref_squeeze %dma_wait3A_1317 : memref<1x128x64xf32, #tpu.memory_space<vmem>> -> memref<128x64xf32, #tpu.memory_space<vmem>>
    %dma_wait3A_1319 = arith.constant 64 : i32
    %dma_wait3A_1320 = tpu.memref_slice %arg4[%add3A_1300, %dma_wait3A_1319] : memref<204800x256xf32, #tpu.memory_space<hbm>> -> memref<128x64xf32, #tpu.memory_space<hbm>>
    %dma_wait3A_1321 = arith.constant 64 : i32
    %dma_wait3A_1322 = tpu.memref_slice %arg4[%add3A_1300, %dma_wait3A_1321] : memref<204800x256xf32, #tpu.memory_space<hbm>> -> memref<128x64xf32, #tpu.memory_space<hbm>>
    %dma_wait3A_1323 = arith.constant 0 : i32
    %dma_wait3A_1324 = arith.constant 0 : i32
    %dma_wait3A_1325 = tpu.memref_slice %arg7[%dma_wait3A_1314, %dma_wait3A_1323, %dma_wait3A_1324] : memref<4x128x64xf32, #tpu.memory_space<vmem>> -> memref<1x128x64xf32, #tpu.memory_space<vmem>>
    %dma_wait3A_1326 = tpu.memref_squeeze %dma_wait3A_1325 : memref<1x128x64xf32, #tpu.memory_space<vmem>> -> memref<128x64xf32, #tpu.memory_space<vmem>>
    tpu.wait_dma2 semaphore(%arg14 : memref<!tpu.dma_semaphore, #tpu.memory_space<semaphore_mem>>) src(%dma_wait3A_1326 : memref<128x64xf32, #tpu.memory_space<vmem>>) dst(%dma_wait3A_1322 : memref<128x64xf32, #tpu.memory_space<hbm>>)
    %dma_wait3A_1327 = arith.constant 2 : i32
    %dma_wait3A_1328 = arith.constant 0 : i32
    %dma_wait3A_1329 = arith.constant 0 : i32
    %dma_wait3A_1330 = tpu.memref_slice %arg7[%dma_wait3A_1327, %dma_wait3A_1328, %dma_wait3A_1329] : memref<4x128x64xf32, #tpu.memory_space<vmem>> -> memref<1x128x64xf32, #tpu.memory_space<vmem>>
    %dma_wait3A_1331 = tpu.memref_squeeze %dma_wait3A_1330 : memref<1x128x64xf32, #tpu.memory_space<vmem>> -> memref<128x64xf32, #tpu.memory_space<vmem>>
    %dma_wait3A_1332 = arith.constant 128 : i32
    %dma_wait3A_1333 = tpu.memref_slice %arg4[%add3A_1300, %dma_wait3A_1332] : memref<204800x256xf32, #tpu.memory_space<hbm>> -> memref<128x64xf32, #tpu.memory_space<hbm>>
    %dma_wait3A_1334 = arith.constant 128 : i32
    %dma_wait3A_1335 = tpu.memref_slice %arg4[%add3A_1300, %dma_wait3A_1334] : memref<204800x256xf32, #tpu.memory_space<hbm>> -> memref<128x64xf32, #tpu.memory_space<hbm>>
    %dma_wait3A_1336 = arith.constant 0 : i32
    %dma_wait3A_1337 = arith.constant 0 : i32
    %dma_wait3A_1338 = tpu.memref_slice %arg7[%dma_wait3A_1327, %dma_wait3A_1336, %dma_wait3A_1337] : memref<4x128x64xf32, #tpu.memory_space<vmem>> -> memref<1x128x64xf32, #tpu.memory_space<vmem>>
    %dma_wait3A_1339 = tpu.memref_squeeze %dma_wait3A_1338 : memref<1x128x64xf32, #tpu.memory_space<vmem>> -> memref<128x64xf32, #tpu.memory_space<vmem>>
    tpu.wait_dma2 semaphore(%arg14 : memref<!tpu.dma_semaphore, #tpu.memory_space<semaphore_mem>>) src(%dma_wait3A_1339 : memref<128x64xf32, #tpu.memory_space<vmem>>) dst(%dma_wait3A_1335 : memref<128x64xf32, #tpu.memory_space<hbm>>)
    %dma_wait3A_1340 = arith.constant 3 : i32
    %dma_wait3A_1341 = arith.constant 0 : i32
    %dma_wait3A_1342 = arith.constant 0 : i32
    %dma_wait3A_1343 = tpu.memref_slice %arg7[%dma_wait3A_1340, %dma_wait3A_1341, %dma_wait3A_1342] : memref<4x128x64xf32, #tpu.memory_space<vmem>> -> memref<1x128x64xf32, #tpu.memory_space<vmem>>
    %dma_wait3A_1344 = tpu.memref_squeeze %dma_wait3A_1343 : memref<1x128x64xf32, #tpu.memory_space<vmem>> -> memref<128x64xf32, #tpu.memory_space<vmem>>
    %dma_wait3A_1345 = arith.constant 192 : i32
    %dma_wait3A_1346 = tpu.memref_slice %arg4[%add3A_1300, %dma_wait3A_1345] : memref<204800x256xf32, #tpu.memory_space<hbm>> -> memref<128x64xf32, #tpu.memory_space<hbm>>
    %dma_wait3A_1347 = arith.constant 192 : i32
    %dma_wait3A_1348 = tpu.memref_slice %arg4[%add3A_1300, %dma_wait3A_1347] : memref<204800x256xf32, #tpu.memory_space<hbm>> -> memref<128x64xf32, #tpu.memory_space<hbm>>
    %dma_wait3A_1349 = arith.constant 0 : i32
    %dma_wait3A_1350 = arith.constant 0 : i32
    %dma_wait3A_1351 = tpu.memref_slice %arg7[%dma_wait3A_1340, %dma_wait3A_1349, %dma_wait3A_1350] : memref<4x128x64xf32, #tpu.memory_space<vmem>> -> memref<1x128x64xf32, #tpu.memory_space<vmem>>
    %dma_wait3A_1352 = tpu.memref_squeeze %dma_wait3A_1351 : memref<1x128x64xf32, #tpu.memory_space<vmem>> -> memref<128x64xf32, #tpu.memory_space<vmem>>
    tpu.wait_dma2 semaphore(%arg14 : memref<!tpu.dma_semaphore, #tpu.memory_space<semaphore_mem>>) src(%dma_wait3A_1352 : memref<128x64xf32, #tpu.memory_space<vmem>>) dst(%dma_wait3A_1348 : memref<128x64xf32, #tpu.memory_space<hbm>>)
    %add3A_1353 = arith.constant 6272 : i32
    %add3A_1354 = arith.addi %mul3A_2, %add3A_1353 : i32
    %dma_wait3A_1355 = arith.constant 0 : i32
    %dma_wait3A_1356 = arith.constant 0 : i32
    %dma_wait3A_1357 = arith.constant 0 : i32
    %dma_wait3A_1358 = tpu.memref_slice %arg8[%dma_wait3A_1355, %dma_wait3A_1356, %dma_wait3A_1357] : memref<4x128x64xf32, #tpu.memory_space<vmem>> -> memref<1x128x64xf32, #tpu.memory_space<vmem>>
    %dma_wait3A_1359 = tpu.memref_squeeze %dma_wait3A_1358 : memref<1x128x64xf32, #tpu.memory_space<vmem>> -> memref<128x64xf32, #tpu.memory_space<vmem>>
    %dma_wait3A_1360 = arith.constant 0 : i32
    %dma_wait3A_1361 = tpu.memref_slice %arg4[%add3A_1354, %dma_wait3A_1360] : memref<204800x256xf32, #tpu.memory_space<hbm>> -> memref<128x64xf32, #tpu.memory_space<hbm>>
    %dma_wait3A_1362 = arith.constant 0 : i32
    %dma_wait3A_1363 = tpu.memref_slice %arg4[%add3A_1354, %dma_wait3A_1362] : memref<204800x256xf32, #tpu.memory_space<hbm>> -> memref<128x64xf32, #tpu.memory_space<hbm>>
    %dma_wait3A_1364 = arith.constant 0 : i32
    %dma_wait3A_1365 = arith.constant 0 : i32
    %dma_wait3A_1366 = tpu.memref_slice %arg8[%dma_wait3A_1355, %dma_wait3A_1364, %dma_wait3A_1365] : memref<4x128x64xf32, #tpu.memory_space<vmem>> -> memref<1x128x64xf32, #tpu.memory_space<vmem>>
    %dma_wait3A_1367 = tpu.memref_squeeze %dma_wait3A_1366 : memref<1x128x64xf32, #tpu.memory_space<vmem>> -> memref<128x64xf32, #tpu.memory_space<vmem>>
    tpu.wait_dma2 semaphore(%arg15 : memref<!tpu.dma_semaphore, #tpu.memory_space<semaphore_mem>>) src(%dma_wait3A_1367 : memref<128x64xf32, #tpu.memory_space<vmem>>) dst(%dma_wait3A_1363 : memref<128x64xf32, #tpu.memory_space<hbm>>)
    %dma_wait3A_1368 = arith.constant 1 : i32
    %dma_wait3A_1369 = arith.constant 0 : i32
    %dma_wait3A_1370 = arith.constant 0 : i32
    %dma_wait3A_1371 = tpu.memref_slice %arg8[%dma_wait3A_1368, %dma_wait3A_1369, %dma_wait3A_1370] : memref<4x128x64xf32, #tpu.memory_space<vmem>> -> memref<1x128x64xf32, #tpu.memory_space<vmem>>
    %dma_wait3A_1372 = tpu.memref_squeeze %dma_wait3A_1371 : memref<1x128x64xf32, #tpu.memory_space<vmem>> -> memref<128x64xf32, #tpu.memory_space<vmem>>
    %dma_wait3A_1373 = arith.constant 64 : i32
    %dma_wait3A_1374 = tpu.memref_slice %arg4[%add3A_1354, %dma_wait3A_1373] : memref<204800x256xf32, #tpu.memory_space<hbm>> -> memref<128x64xf32, #tpu.memory_space<hbm>>
    %dma_wait3A_1375 = arith.constant 64 : i32
    %dma_wait3A_1376 = tpu.memref_slice %arg4[%add3A_1354, %dma_wait3A_1375] : memref<204800x256xf32, #tpu.memory_space<hbm>> -> memref<128x64xf32, #tpu.memory_space<hbm>>
    %dma_wait3A_1377 = arith.constant 0 : i32
    %dma_wait3A_1378 = arith.constant 0 : i32
    %dma_wait3A_1379 = tpu.memref_slice %arg8[%dma_wait3A_1368, %dma_wait3A_1377, %dma_wait3A_1378] : memref<4x128x64xf32, #tpu.memory_space<vmem>> -> memref<1x128x64xf32, #tpu.memory_space<vmem>>
    %dma_wait3A_1380 = tpu.memref_squeeze %dma_wait3A_1379 : memref<1x128x64xf32, #tpu.memory_space<vmem>> -> memref<128x64xf32, #tpu.memory_space<vmem>>
    tpu.wait_dma2 semaphore(%arg15 : memref<!tpu.dma_semaphore, #tpu.memory_space<semaphore_mem>>) src(%dma_wait3A_1380 : memref<128x64xf32, #tpu.memory_space<vmem>>) dst(%dma_wait3A_1376 : memref<128x64xf32, #tpu.memory_space<hbm>>)
    %dma_wait3A_1381 = arith.constant 2 : i32
    %dma_wait3A_1382 = arith.constant 0 : i32
    %dma_wait3A_1383 = arith.constant 0 : i32
    %dma_wait3A_1384 = tpu.memref_slice %arg8[%dma_wait3A_1381, %dma_wait3A_1382, %dma_wait3A_1383] : memref<4x128x64xf32, #tpu.memory_space<vmem>> -> memref<1x128x64xf32, #tpu.memory_space<vmem>>
    %dma_wait3A_1385 = tpu.memref_squeeze %dma_wait3A_1384 : memref<1x128x64xf32, #tpu.memory_space<vmem>> -> memref<128x64xf32, #tpu.memory_space<vmem>>
    %dma_wait3A_1386 = arith.constant 128 : i32
    %dma_wait3A_1387 = tpu.memref_slice %arg4[%add3A_1354, %dma_wait3A_1386] : memref<204800x256xf32, #tpu.memory_space<hbm>> -> memref<128x64xf32, #tpu.memory_space<hbm>>
    %dma_wait3A_1388 = arith.constant 128 : i32
    %dma_wait3A_1389 = tpu.memref_slice %arg4[%add3A_1354, %dma_wait3A_1388] : memref<204800x256xf32, #tpu.memory_space<hbm>> -> memref<128x64xf32, #tpu.memory_space<hbm>>
    %dma_wait3A_1390 = arith.constant 0 : i32
    %dma_wait3A_1391 = arith.constant 0 : i32
    %dma_wait3A_1392 = tpu.memref_slice %arg8[%dma_wait3A_1381, %dma_wait3A_1390, %dma_wait3A_1391] : memref<4x128x64xf32, #tpu.memory_space<vmem>> -> memref<1x128x64xf32, #tpu.memory_space<vmem>>
    %dma_wait3A_1393 = tpu.memref_squeeze %dma_wait3A_1392 : memref<1x128x64xf32, #tpu.memory_space<vmem>> -> memref<128x64xf32, #tpu.memory_space<vmem>>
    tpu.wait_dma2 semaphore(%arg15 : memref<!tpu.dma_semaphore, #tpu.memory_space<semaphore_mem>>) src(%dma_wait3A_1393 : memref<128x64xf32, #tpu.memory_space<vmem>>) dst(%dma_wait3A_1389 : memref<128x64xf32, #tpu.memory_space<hbm>>)
    %dma_wait3A_1394 = arith.constant 3 : i32
    %dma_wait3A_1395 = arith.constant 0 : i32
    %dma_wait3A_1396 = arith.constant 0 : i32
    %dma_wait3A_1397 = tpu.memref_slice %arg8[%dma_wait3A_1394, %dma_wait3A_1395, %dma_wait3A_1396] : memref<4x128x64xf32, #tpu.memory_space<vmem>> -> memref<1x128x64xf32, #tpu.memory_space<vmem>>
    %dma_wait3A_1398 = tpu.memref_squeeze %dma_wait3A_1397 : memref<1x128x64xf32, #tpu.memory_space<vmem>> -> memref<128x64xf32, #tpu.memory_space<vmem>>
    %dma_wait3A_1399 = arith.constant 192 : i32
    %dma_wait3A_1400 = tpu.memref_slice %arg4[%add3A_1354, %dma_wait3A_1399] : memref<204800x256xf32, #tpu.memory_space<hbm>> -> memref<128x64xf32, #tpu.memory_space<hbm>>
    %dma_wait3A_1401 = arith.constant 192 : i32
    %dma_wait3A_1402 = tpu.memref_slice %arg4[%add3A_1354, %dma_wait3A_1401] : memref<204800x256xf32, #tpu.memory_space<hbm>> -> memref<128x64xf32, #tpu.memory_space<hbm>>
    %dma_wait3A_1403 = arith.constant 0 : i32
    %dma_wait3A_1404 = arith.constant 0 : i32
    %dma_wait3A_1405 = tpu.memref_slice %arg8[%dma_wait3A_1394, %dma_wait3A_1403, %dma_wait3A_1404] : memref<4x128x64xf32, #tpu.memory_space<vmem>> -> memref<1x128x64xf32, #tpu.memory_space<vmem>>
    %dma_wait3A_1406 = tpu.memref_squeeze %dma_wait3A_1405 : memref<1x128x64xf32, #tpu.memory_space<vmem>> -> memref<128x64xf32, #tpu.memory_space<vmem>>
    tpu.wait_dma2 semaphore(%arg15 : memref<!tpu.dma_semaphore, #tpu.memory_space<semaphore_mem>>) src(%dma_wait3A_1406 : memref<128x64xf32, #tpu.memory_space<vmem>>) dst(%dma_wait3A_1402 : memref<128x64xf32, #tpu.memory_space<hbm>>)
    return
  }
}

</mosaic_0001>

<sc_bundles>
// kernel: _sc_gather.3.cloned.1.call-start
scs
__scs_entry_jumppad:
0x0: {  	(pc) =	sbr.rel $0x88, $3  }
0x1: {  	(tag) =	ssettag $0x0;
	lr =	simm.s32 $0x1  }
0x2: {  	[smem:$0x3F9F] =	sst lr;
	_ =	strace $0xD0000000  }
0x3: {  	_ = 	snop  }
0x4: {  	_ = 	snop  }
0x5: {  	_ = 	snop  }
0x6: {  	_ = 	snop  }
0x7: {  	_ = 	snop  }
__scs_overlays_trampoline_lowered:
0x8: {  	[smem:$0x3FAE] =	sst s0  }
0x9: {  	[smem:$0x3FAF] =	sst s1  }
0xa: {  	[smem:$0x3FB0] =	sst s2  }
0xb: {  	[smem:$0x3FB1] =	sst s3  }
0xc: {  	[smem:$0x3FB2] =	sst s4  }
0xd: {  	[smem:$0x3FB3] =	sst s5  }
0xe: {  	[smem:$0x3FB4] =	sst s6  }
0xf: {  	[smem:$0x3FB5] =	sst s7  }
0x10: {  	[smem:$0x3FB6] =	sst s8  }
0x11: {  	[smem:$0x3FB7] =	sst s9;
	s0 =	simm.s32 @!p0 $0x0  }
0x12: {  	s1 =	sld [smem:$0x3F9D];
	s0 =	simm.s32 @p0 $0x1  }
0x13: {  	[smem:$0x3FB8] =	sst s0;
	s0 =	simm.s32 @!p1 $0x0  }
0x14: {  	s2 =	sld [smem:$0x3F9C];
	s0 =	simm.s32 @p1 $0x1  }
0x15: {  	[smem:$0x3FB9] =	sst s0;
	s0 =	simm.s32 @!p2 $0x0  }
0x16: {  	s3 =	sld [smem:$0x3FDB];
	s0 =	simm.s32 @p2 $0x1  }
0x17: {  	s4 =	simm.s32 $0x1BF5;
	[smem:$0x3FBB] =	sst s0  }
0x18: {  	s0 =	sld [smem:$0x3F9E];
	_ =	swait.ge [sflag:s4], $0x0  }
0x19: {  	s7 =	sld [smem:$0x3F9F]  }
0x1a: {  	s8 =	sadd.s32 $0xFFFFE003, lr  }
0x1b: {  	s9 =	sadd.s32 $0xFFFFFEF7, lr;
	s5 =	simm.s32 $0xFFFFFFFF;
	p2 =	slt.u32 s8, $0xFFFFF086  }
0x1c: {  	p1 =	slt.u32 s9, $0xF7A;
	s5 =	simm.s32 @!p2 $0x0  }
0x1d: {  	s5 =	simm.s32 @p1 $0x1;
	p0 =	seq.s32 s7, s2  }
0x1e: {  	s7 =	smul.u32 @!p0 $0xF7A, s2;
	p2 =	seq.s32 @!p0 s5, $0x0  }
0x1f: {  	s9 =	smul.u32 $0xF7A, s1;
	s8 =	simm.s32 @!p0 $0x1BF5;
	p2 =	por !p2, p0  }
0x20: {  	[sflag:s8] =	ssyncset.s32 @!p0 $0xFFFFF086;
	s6 =	sadd.s32 @!p0 s3, s7;
	s7 =	simm.s32 @!p0 $0x108  }
0x21: {  	s3 =	sadd.s32 s3, s9;
	s6 =	sadd.s32 @!p0 $0x88, s6;
	s7 =	simm.s32 @p2 $0x1082  }
0x22: {  	[simem:s7], [sflag:s8] =	dma.local @!p0 [hbm:s6], $0xF7A  }
0x23: {  	s9 =	sor.u32 $0xD0000000, s2;
	s6 =	simm.s32 $0x108;
	_ =	swait.ge @!p0 [sflag:s8], $0x0  }
0x24: {  	s3 =	sadd.s32 $0x88, s3;
	s6 =	simm.s32 @!p1 $0x1082;
	[sflag:s4] =	ssyncset.s32 $0xFFFFF086  }
0x25: {  	[simem:s6], [sflag:s4] =	dma.local [hbm:s3], $0xF7A  }
0x26: {  	[smem:$0x3F9F] =	sst s1;
	(tag) =	ssettag s2;
	_ =	strace s9  }
0x27: {  	s1 =	sld [smem:$0x3FAF]  }
0x28: {  	s2 =	sld [smem:$0x3FB0]  }
0x29: {  	s4 =	sld [smem:$0x3FB2]  }
0x2a: {  	p0 =	seq.s32 s5, $0x0;
	s5 =	sld [smem:$0x3FB3]  }
0x2b: {  	s6 =	sld [smem:$0x3FB4]  }
0x2c: {  	s7 =	sld [smem:$0x3FB5]  }
0x2d: {  	s3 =	simm.s32 $0x108;
	s8 =	sld [smem:$0x3FB6]  }
0x2e: {  	s3 =	simm.s32 @!p0 $0x1082;
	s9 =	sld [smem:$0x3FB7]  }
0x2f: {  	lr =	sadd.s32 s0, s3;
	s0 =	sld [smem:$0x3FAE]  }
0x30: {  	s3 =	sld [smem:$0x3FB1]  }
0x31: {  	[smem:$0x3FBA] =	sst s10  }
0x32: {  	s10 =	sld [smem:$0x3FB8];
	_ =	sdelay $0x3  }
0x33: {  	p0 =	seq.s32 s10, $0x1;
	s10 =	sld [smem:$0x3FBA];
	_ =	sdelay $0x3  }
0x34: {  	[smem:$0x3FBA] =	sst s10  }
0x35: {  	s10 =	sld [smem:$0x3FB9];
	_ =	sdelay $0x3  }
0x36: {  	p1 =	seq.s32 s10, $0x1;
	s10 =	sld [smem:$0x3FBA];
	_ =	sdelay $0x3  }
0x37: {  	[smem:$0x3FBA] =	sst s10  }
0x38: {  	s10 =	sld [smem:$0x3FBB]  }
0x39: {  	_ = 	snop;
	(pc) =	sbr.ind lr, $3  }
0x3a: {  	_ = 	snop  }
0x3b: {  	_ = 	snop  }
0x3c: {  	p2 =	seq.s32 s10, $0x1;
	s10 =	sld [smem:$0x3FBA]  }
0x3d: {  	_ =	shalt  }
0x3e: {  	_ =	shalt  }
0x3f: {  	_ =	shalt  }
0x40: {  	_ =	shalt  }
0x41: {  	_ =	shalt  }
0x42: {  	_ =	shalt  }
0x43: {  	_ =	shalt  }
0x44: {  	_ =	shalt  }
0x45: {  	_ =	shalt  }
0x46: {  	_ =	shalt  }
0x47: {  	_ =	shalt  }
0x48: {  	_ =	shalt  }
0x49: {  	_ =	shalt  }
0x4a: {  	_ =	shalt  }
0x4b: {  	_ =	shalt  }
0x4c: {  	_ =	shalt  }
0x4d: {  	_ =	shalt  }
0x4e: {  	_ =	shalt  }
0x4f: {  	_ =	shalt  }
0x50: {  	_ =	shalt  }
0x51: {  	_ =	shalt  }
0x52: {  	_ =	shalt  }
0x53: {  	_ =	shalt  }
0x54: {  	_ =	shalt  }
0x55: {  	_ =	shalt  }
0x56: {  	_ =	shalt  }
0x57: {  	_ =	shalt  }
0x58: {  	_ =	shalt  }
0x59: {  	_ =	shalt  }
0x5a: {  	_ =	shalt  }
0x5b: {  	_ =	shalt  }
0x5c: {  	_ =	shalt  }
0x5d: {  	_ =	shalt  }
0x5e: {  	_ =	shalt  }
0x5f: {  	_ =	shalt  }
0x60: {  	_ =	shalt  }
0x61: {  	_ =	shalt  }
0x62: {  	_ =	shalt  }
0x63: {  	_ =	shalt  }
0x64: {  	_ =	shalt  }
0x65: {  	_ =	shalt  }
0x66: {  	_ =	shalt  }
0x67: {  	_ =	shalt  }
0x68: {  	_ =	shalt  }
0x69: {  	_ =	shalt  }
0x6a: {  	_ =	shalt  }
0x6b: {  	_ =	shalt  }
0x6c: {  	_ =	shalt  }
0x6d: {  	_ =	shalt  }
0x6e: {  	_ =	shalt  }
0x6f: {  	_ =	shalt  }
0x70: {  	_ =	shalt  }
0x71: {  	_ =	shalt  }
0x72: {  	_ =	shalt  }
0x73: {  	_ =	shalt  }
0x74: {  	_ =	shalt  }
0x75: {  	_ =	shalt  }
0x76: {  	_ =	shalt  }
0x77: {  	_ =	shalt  }
0x78: {  	_ =	shalt  }
0x79: {  	_ =	shalt  }
0x7a: {  	_ =	shalt  }
0x7b: {  	_ =	shalt  }
0x7c: {  	_ =	shalt  }
0x7d: {  	_ =	shalt  }
0x7e: {  	_ =	shalt  }
0x7f: {  	_ =	shalt  }
0x80: {  	_ =	shalt  }
0x81: {  	_ =	shalt  }
0x82: {  	_ =	shalt  }
0x83: {  	_ =	shalt  }
0x84: {  	_ =	shalt  }
0x85: {  	_ =	shalt  }
0x86: {  	_ =	shalt  }
0x87: {  	_ =	shalt  }
.Lfunc_end0:
.L_simem_size_0:
called_computation_lowered:
.L_overlay_start_0:
0x88: {  	s2 =	sld [smem:$0x3FD9]  }
0x89: {  	s3 =	sld [smem:$0x3FFE];
	_ =	sdelay $0x1  }
0x8a: {  	s1 =	srdreg.scid  }
0x8b: {  	s0 =	sand.u32 $0x1, s1  }
0x8c: {  	s17 =	sshll.u32 s0, $0xA;
	s2 =	sadd.s32 s3, s2  }
0x8d: {  	s2 =	sadd.s32 s2, s17  }
0x8e: {  	[smem:$0x3FC6] =	sst s2  }
0x8f: {  	_ = 	snop  }
0x90: {  	s2 =	sld [smem:$0x3FC8]  }
0x91: {  	s18 =	sld [smem:$0x3FD0];
	(tm) =	ssettm $0x1  }
0x92: {  	s4 =	sld [smem:$0x3FFB];
	_ =	sdelay $0x3  }
0x93: {  	_ =	strace s4  }
0x94: {  	s4 =	sld [smem:$0x3FFC];
	_ =	sdelay $0x3  }
0x95: {  	_ =	strace s4  }
0x96: {  	s4 =	sld [smem:$0x3FFD];
	_ =	sdelay $0x3  }
0x97: {  	_ =	strace s4  }
0x98: {  	_ =	strace $0x8FFFFFFF  }
0x99: {  	s19 =	sld [smem:$0x3FDB];
	_ =	sdelay $0x1  }
0x9a: {  	s5 =	simm.s32 $_scs_section_size  }
0x9b: {  	s6 =	simm.s32 $_size__tile_overlayer_lowered;
	s7 =	simm.s32 $_tile_overlayer_lowered  }
0x9c: {  	s22 =	simm.s32 $0x1BFF;
	s21 =	sshll.u32 s7, $0x1;
	s4 =	sadd.s32 s5, s19  }
0x9d: {  	s8 =	simm.s32 $0x0;
	s20 =	sshll.u32 s6, $0x1;
	s6 =	sadd.s32 s21, s4  }
0x9e: {  	[timem:s8], [sflag:s22] =	dma.local [hbm:s6], s20  }
0x9f: {  	_ =	swait.ge [sflag:s22], s20  }
0xa0: {  	s5 =	ssub.s32 $0x0, s20;
	[sflag:s22] =	ssyncset.done $0x0  }
0xa1: {  	[sflag:s22] =	ssyncadd.s32 s5;
	_ =	sdelay $0x1  }
0xa2: {  	s23 =	simm.s32 $0x1B8B  }
0xa3: {  	_ =	swait.ge [sflag:s23], $0x1  }
0xa4: {  	[sflag:s23] =	ssyncset.done $0x0  }
0xa5: {  	s25 =	simm.s32 $0x1B8E;
	s24 =	sld [smem:$0x3FFE];
	[sflag:s23] =	ssyncadd.s32 $0xFFFFFFFF  }
0xa6: {  	s26 =	simm.s32 $execute0_lowered;
	[smem:$0x3FD2] =	sst s25  }
0xa7: {  	s6 =	sshll.u32 s26, $0x1;
	_ =	strace $0x80000046;
	[dreg:$0x1] =	wrdreg $0xFFFFFFFF  }
0xa8: {  	s28 =	simm.s32 $_size_execute0_lowered;
	s4 =	sadd.s32 s4, s6;
	[dreg:$0x0] =	wrdreg $0x0  }
0xa9: {  	s6 =	sshll.u32 s28, $0x1;
	[dreg:$0x2] =	wrdreg s4  }
0xaa: {  	[dreg:$0x3] =	wrdreg s6  }
0xab: {  	[dreg:$0x4] =	wrdreg $0xC0  }
0xac: {  	_ =	task [dreg:s8], $0x5FFFF  }
0xad: {  	[dreg:$0x1] =	wrdreg $0xFFFFFFFF  }
0xae: {  	[dreg:$0x0] =	wrdreg $0x60  }
0xaf: {  	[dreg:$0x2] =	wrdreg s18  }
0xb0: {  	[dreg:$0x3] =	wrdreg s2  }
0xb1: {  	[dreg:$0x4] =	wrdreg s24  }
0xb2: {  	[dreg:$0x5] =	wrdreg $0x104000  }
0xb3: {  	[dreg:$0x6] =	wrdreg $0x9  }
0xb4: {  	_ =	task.clear_ibuf [dreg:s8], $0x7FFFF;
	_ =	strace $0x90000046  }
0xb5: {  	s29 =	simm.s32 $0x9;
	_ =	strace $0x80000048  }
0xb6: {  	_ =	swait.ge [sflag:s29], $0x1  }
0xb7: {  	[sflag:s29] =	ssyncadd.s32 $0xFFFFFFFF  }
0xb8: {  	_ =	strace $0x90000048  }
0xb9: {  	_ =	sfence  }
0xba: {  	s30 =	sld [smem:$0x0];
	_ =	sdelay $0x2  }
0xbb: {  	s31 =	sshll.u32 s1, $0xD;
	s1 =	sshrl.u32 s1, $0x2  }
0xbc: {  	s3 =	sand.u32 $0x4000, s31;
	s1 =	sadd.s32 s1, s30  }
0xbd: {  	s0 =	sor.u32 s3, s0;
	s1 =	sshll.u32 s1, $0x11  }
0xbe: {  	s0 =	sor.u32 s1, s0  }
0xbf: {  	s0 =	sadd.s32 $0x8F2B, s0  }
0xc0: {  	[sflag:s0] =	ssyncadd.remote.s32 $0x1  }
0xc1: {  	_ =	sfence.sel $0xFFFF  }
0xc2: {  	[dreg:$0x0] =	wrdreg $0xFFFFFFFF;
	(pc) =	sbr.abs _section_cstart, $3  }
0xc3: {  	[dreg:$0x1] =	wrdreg $0xFFFFFFFF  }
0xc4: {  	_ =	task.clear_ibuf [dreg:s8], $0x2FFFF;
	_ =	strace $0x9FFFFFFF  }
0xc5: {  	(tm) =	ssettm $0x7FFFFFFF  }
tec
execute0_lowered:
.L_overlay_start_1:
0x0: {  	(tag) =	ssettag $0x1  }
0x1: {  	s1 =	rddreg [dreg:$0x1];
	s0 =	stileid.u32  }
0x2: {  	s2 =	srdreg.scid;
	s26 =	smul.u32 $0x320000, s0  }
0x3: {  	s5 =	rddreg [dreg:$0x2];
	s6 =	sand.u32 $0x1, s2;
	s16 =	smul.u32 $0x3200, s0  }
0x4: {  	s28 =	simm.s32 $0xE400;
	s29 =	simm.s32 $0x3;
	s15 =	smul.u32 $0x190000, s6  }
0x5: {  	s30 =	simm.s32 $0x40;
	s3 =	sshll.u32 s0, $0x1;
	s20 =	smul.u32 $0x1900, s6  }
0x6: {  	s7 =	sor.u32 s6, s3;
	s11 =	ssub.s32 $0x2, s6;
	s6 =	smul.u32 $0x32000, s6  }
0x7: {  	s31 =	simm.s32 $0x4;
	s2 =	rddreg [dreg:$0x3];
	s8 =	smul.u32 $0x1900, s7  }
0x8: {  	s4 =	sadd.s32 $0x400, s5;
	s3 =	simm.s32 $0x0;
	s9 =	smul.u32 $0x6400, s7  }
0x9: {  	p0 =	sne.s32 s0, $0x0;
	[smem:$0x7FF] =	sst s3;
	s10 =	smul.u32 $0x2400, s7  }
0xa: {  	s14 =	sshrl.u32 s11, $0x1;
	s7 =	smul.u32 $0x190000, s7;
	_ =	strace $0x80000047  }
0xb: {  	s14 =	ssub.s32 s11, s14;
	s8 =	sor.u32 $0x80, s8;
	s12 =	sand.u32 $0xFC000, s9  }
0xc: {  	s10 =	sand.u32 $0x3C00, s10;
	s9 =	sshrl.u32 s9, $0x3;
	s7 =	sshrl.u32 s7, $0x3  }
0xd: {  	s13 =	sshll.u32 s8, $0x2;
	s10 =	sor.u32 s10, s12;
	s25 =	sadd.s32 s1, s9  }
0xe: {  	s17 =	sadd.s32 s4, s7;
	s22 =	sshll.u32 s8, $0x5;
	s13 =	sand.u32 $0x3E00, s13  }
0xf: {  	s10 =	sshrl.u32 s10, $0x3;
	s9 =	sadd.s32 $0x80, s25;
	[dreg:$0x9] =	wrdreg s17  }
0x10: {  	s21 =	sadd.s32 $0xC0, s25;
	s8 =	sadd.s32 s4, s22;
	[dreg:$0x8] =	wrdreg s9  }
0x11: {  	s25 =	smul.u32 $0x64000, s0;
	s23 =	sor.u32 s12, s13;
	[dreg:$0xd] =	wrdreg s21  }
0x12: {  	s10 =	sadd.s32 s1, s10;
	s9 =	sadd.s32 $0x408, s5;
	[dreg:$0xe] =	wrdreg s8  }
0x13: {  	s13 =	sadd.s32 $0x418, s5;
	s21 =	sadd.s32 $0x30010, s17;
	[dreg:$0x6] =	wrdreg s10  }
0x14: {  	s11 =	sshrl.u32 s23, $0x3;
	s18 =	sadd.s32 s7, s9;
	[dreg:$0x18] =	wrdreg s21  }
0x15: {  	s23 =	sadd.s32 s15, s26;
	s15 =	sadd.s32 s22, s13;
	[dreg:$0xa] =	wrdreg s18  }
0x16: {  	s26 =	sadd.s32 s25, s4;
	s25 =	sadd.s32 $0x31010, s17;
	[dreg:$0x13] =	wrdreg s15  }
0x17: {  	s24 =	sadd.s32 s1, s11;
	s11 =	sadd.s32 $0x410, s5;
	[dreg:$0x1c] =	wrdreg s25  }
0x18: {  	s5 =	sadd.s32 s20, s16;
	s16 =	sadd.s32 $0x30000, s17;
	[dreg:$0x7] =	wrdreg s24  }
0x19: {  	s0 =	simm.s32 $0x200;
	s18 =	sadd.s32 $0x30008, s17;
	[dreg:$0x14] =	wrdreg s16  }
0x1a: {  	s8 =	simm.s32 $0x6;
	s20 =	sadd.s32 $0x10000, s23;
	[dreg:$0x15] =	wrdreg s18  }
0x1b: {  	s23 =	sadd.s32 $0x31000, s17;
	s19 =	sadd.s32 s7, s11;
	[dreg:$0x17] =	wrdreg s20  }
0x1c: {  	s7 =	sadd.s32 s7, s13;
	s24 =	sadd.s32 $0x280, s5;
	[dreg:$0x1a] =	wrdreg s23  }
0x1d: {  	s5 =	sadd.s32 $0x200, s5;
	s12 =	sadd.s32 s22, s11;
	[dreg:$0xb] =	wrdreg s19  }
0x1e: {  	s16 =	simm.s32 $0x6400;
	s20 =	simm.s32 $0x8400;
	[dreg:$0xc] =	wrdreg s7  }
0x1f: {  	s10 =	sshrl.u32 s24, $0x1;
	[dreg:$0x12] =	wrdreg s12;
	s19 =	smax.u32 s14, $0x1  }
0x20: {  	s5 =	sshrl.u32 s5, $0x1;
	s24 =	sadd.s32 $0x31008, s17;
	[dreg:$0x16] =	wrdreg s19  }
0x21: {  	s7 =	simm.s32 $0x400;
	s10 =	sadd.s32 s10, s1;
	[dreg:$0x1b] =	wrdreg s24  }
0x22: {  	s12 =	simm.s32 $0x100;
	s1 =	sadd.s32 s5, s1;
	[dreg:$0xf] =	wrdreg s10  }
0x23: {  	s14 =	simm.s32 $0x4400;
	[dreg:$0x10] =	wrdreg s1;
	s10 =	sadd.s32 s22, s9  }
0x24: {  	s5 =	simm.s32 $0x1;
	s1 =	sadd.s32 s6, s26;
	[dreg:$0x11] =	wrdreg s10  }
0x25: {  	s19 =	simm.s32 $0x2;
	s22 =	sadd.s32 $0x30018, s17;
	[dreg:$0x5] =	wrdreg s1  }
0x26: {  	s24 =	simm.s32 $0xC400;
	s26 =	sadd.s32 $0x31018, s17;
	[dreg:$0x19] =	wrdreg s22  }
0x27: {  	s6 =	simm.s32 $0x80;
	s17 =	simm.s32 $0x0;
	[dreg:$0x1d] =	wrdreg s26  }
0x28: {  	s10 =	simm.s32 $0x2400;
	s22 =	simm.s32 $0xA400;
	s1 =	simm.s32 $0x5  }
.LBB2_1:
0x29: {  	[dreg:$0x1e] =	wrdreg s17  }
0x2a: {  	s15 =	sshrl.u32 @!p0 s2, $0x3;
	s17 =	simm.s32 @!p0 $0x1C07;
	s18 =	rddreg [dreg:$0x0]  }
0x2b: {  	[spmem:s15], [sflag:s17] =	dma.local @!p0 [hbm:s18], $0x4000  }
0x2c: {  	s15 =	simm.s32 @!p0 $0x7  }
0x2d: {  	_ =	swait.ge @!p0 [sflag:s15], $0x4000  }
0x2e: {  	[sflag:s15] =	ssyncset.done @!p0 $0x0  }
0x2f: {  	[sflag:s15] =	ssyncadd.s32 @!p0 $0xFFFFC000  }
0x30: {  	[bflag:$0x0] =	sbarrier.arrive $0xFFFF  }
0x31: {  	s21 =	rddreg [dreg:$0x6]  }
0x32: {  	[tilespmem:s3], [sflag:$0x1] =	stream.linear.gather [hbm4b:s21+s3], $0x200, $0x38;
	[tilespmem:$0x12400] =	vst v63  }
0x33: {  	s23 =	rddreg [dreg:$0x7]  }
0x34: {  	[tilespmem:s0], [sflag:$0x2] =	stream.linear.gather [hbm4b:s23+s3], $0x200, $0x38;
	[tilespmem:$0x12400] =	vst v63  }
0x35: {  	_ =	swait.ge [sflag:s5], $0x200  }
0x36: {  	[sflag:s5] =	ssyncset.done $0x0  }
0x37: {  	[sflag:s5] =	ssyncadd.s32 $0xFFFFFE00  }
0x38: {  	[tilespmem:s7], [sflag:$0x3] =	stream.indirect.gather [spmem:s2], $0x40, s3, s6, $0xb8;
	[tilespmem:$0x12400] =	vst v63  }
0x39: {  	_ = 	snop  }
0x3a: {  	[tilespmem:s10], [sflag:$0x3] =	stream.indirect.gather [spmem:s2], $0x40, s6, s6, $0xb8;
	[tilespmem:$0x12400] =	vst v63  }
0x3b: {  	_ = 	snop  }
0x3c: {  	[tilespmem:s14], [sflag:$0x3] =	stream.indirect.gather [spmem:s2], $0x40, s12, s6, $0xb8;
	[tilespmem:$0x12400] =	vst v63  }
0x3d: {  	s17 =	simm.s32 $0x180  }
0x3e: {  	[tilespmem:s16], [sflag:$0x3] =	stream.indirect.gather [spmem:s2], $0x40, s17, s6, $0xb8;
	[tilespmem:$0x12400] =	vst v63  }
0x3f: {  	_ =	swait.ge [sflag:s19], $0x200  }
0x40: {  	[sflag:s19] =	ssyncset.done $0x0  }
0x41: {  	[sflag:s19] =	ssyncadd.s32 $0xFFFFFE00  }
0x42: {  	[tilespmem:s20], [sflag:$0x4] =	stream.indirect.gather [spmem:s2], $0x40, s0, s6, $0xb8;
	[tilespmem:$0x12400] =	vst v63  }
0x43: {  	s18 =	simm.s32 $0x280  }
0x44: {  	[tilespmem:s22], [sflag:$0x4] =	stream.indirect.gather [spmem:s2], $0x40, s18, s6, $0xb8;
	[tilespmem:$0x12400] =	vst v63  }
0x45: {  	s21 =	simm.s32 $0x300  }
0x46: {  	[tilespmem:s24], [sflag:$0x4] =	stream.indirect.gather [spmem:s2], $0x40, s21, s6, $0xb8;
	[tilespmem:$0x12400] =	vst v63  }
0x47: {  	s23 =	simm.s32 $0x380  }
0x48: {  	[tilespmem:s28], [sflag:$0x4] =	stream.indirect.gather [spmem:s2], $0x40, s23, s6, $0xb8;
	[tilespmem:$0x12400] =	vst v63  }
0x49: {  	_ =	swait.ge [sflag:s29], $0x2000  }
0x4a: {  	[sflag:s29] =	ssyncset.done $0x0  }
0x4b: {  	[sflag:s29] =	ssyncadd.s32 $0xFFFFE000  }
0x4c: {  	_ =	swait.ge [sflag:s29], $0x2000  }
0x4d: {  	[sflag:s29] =	ssyncset.done $0x0  }
0x4e: {  	[sflag:s29] =	ssyncadd.s32 $0xFFFFE000  }
0x4f: {  	_ =	swait.ge [sflag:s29], $0x2000  }
0x50: {  	[sflag:s29] =	ssyncset.done $0x0  }
0x51: {  	[sflag:s29] =	ssyncadd.s32 $0xFFFFE000  }
0x52: {  	_ =	swait.ge [sflag:s29], $0x2000  }
0x53: {  	[sflag:s29] =	ssyncset.done $0x0  }
0x54: {  	s25 =	rddreg [dreg:$0x8];
	[sflag:s29] =	ssyncadd.s32 $0xFFFFE000  }
0x55: {  	[tilespmem:s3], [sflag:$0x1] =	stream.linear.gather [hbm4b:s25+s3], $0x200, $0x38;
	[tilespmem:$0x12400] =	vst v63  }
0x56: {  	s26 =	rddreg [dreg:$0x9]  }
0x57: {  	[hbm4b:s26+s30] =	stream.strided.scatter [tilespmem:s7], [sflag:$0x5], $0x2000, s12, s30, $0x38;
	[tilespmem:$0x12400] =	vst v63  }
0x58: {  	s25 =	rddreg [dreg:$0xa]  }
0x59: {  	[hbm4b:s25+s30] =	stream.strided.scatter [tilespmem:s10], [sflag:$0x5], $0x2000, s12, s30, $0x38;
	[tilespmem:$0x12400] =	vst v63  }
0x5a: {  	s26 =	rddreg [dreg:$0xb]  }
0x5b: {  	[hbm4b:s26+s30] =	stream.strided.scatter [tilespmem:s14], [sflag:$0x5], $0x2000, s12, s30, $0x38;
	[tilespmem:$0x12400] =	vst v63  }
0x5c: {  	s25 =	rddreg [dreg:$0xc]  }
0x5d: {  	[hbm4b:s25+s30] =	stream.strided.scatter [tilespmem:s16], [sflag:$0x5], $0x2000, s12, s30, $0x38;
	[tilespmem:$0x12400] =	vst v63  }
0x5e: {  	_ =	swait.ge [sflag:s31], $0x2000  }
0x5f: {  	[sflag:s31] =	ssyncset.done $0x0  }
0x60: {  	[sflag:s31] =	ssyncadd.s32 $0xFFFFE000  }
0x61: {  	_ =	swait.ge [sflag:s31], $0x2000  }
0x62: {  	[sflag:s31] =	ssyncset.done $0x0  }
0x63: {  	[sflag:s31] =	ssyncadd.s32 $0xFFFFE000  }
0x64: {  	_ =	swait.ge [sflag:s31], $0x2000  }
0x65: {  	[sflag:s31] =	ssyncset.done $0x0  }
0x66: {  	[sflag:s31] =	ssyncadd.s32 $0xFFFFE000  }
0x67: {  	_ =	swait.ge [sflag:s31], $0x2000  }
0x68: {  	[sflag:s31] =	ssyncset.done $0x0  }
0x69: {  	s26 =	rddreg [dreg:$0xd];
	[sflag:s31] =	ssyncadd.s32 $0xFFFFE000  }
0x6a: {  	[tilespmem:s0], [sflag:$0x2] =	stream.linear.gather [hbm4b:s26+s3], $0x200, $0x38;
	[tilespmem:$0x12400] =	vst v63  }
0x6b: {  	s25 =	rddreg [dreg:$0xe]  }
0x6c: {  	[hbm4b:s25+s30] =	stream.strided.scatter [tilespmem:s20], [sflag:$0x6], $0x2000, s12, s30, $0x38;
	[tilespmem:$0x12400] =	vst v63  }
0x6d: {  	s26 =	rddreg [dreg:$0x11]  }
0x6e: {  	[hbm4b:s26+s30] =	stream.strided.scatter [tilespmem:s22], [sflag:$0x6], $0x2000, s12, s30, $0x38;
	[tilespmem:$0x12400] =	vst v63  }
0x6f: {  	s25 =	rddreg [dreg:$0x12]  }
0x70: {  	[hbm4b:s25+s30] =	stream.strided.scatter [tilespmem:s24], [sflag:$0x6], $0x2000, s12, s30, $0x38;
	[tilespmem:$0x12400] =	vst v63  }
0x71: {  	s26 =	rddreg [dreg:$0x13]  }
0x72: {  	[hbm4b:s26+s30] =	stream.strided.scatter [tilespmem:s28], [sflag:$0x6], $0x2000, s12, s30, $0x38;
	[tilespmem:$0x12400] =	vst v63  }
0x73: {  	_ =	swait.ge [sflag:s5], $0x200  }
0x74: {  	[sflag:s5] =	ssyncset.done $0x0  }
0x75: {  	[sflag:s5] =	ssyncadd.s32 $0xFFFFFE00  }
0x76: {  	_ =	swait.ge [sflag:s1], $0x2000  }
0x77: {  	[sflag:s1] =	ssyncset.done $0x0  }
0x78: {  	[sflag:s1] =	ssyncadd.s32 $0xFFFFE000  }
0x79: {  	_ =	swait.ge [sflag:s1], $0x2000  }
0x7a: {  	[sflag:s1] =	ssyncset.done $0x0  }
0x7b: {  	[sflag:s1] =	ssyncadd.s32 $0xFFFFE000  }
0x7c: {  	_ =	swait.ge [sflag:s1], $0x2000  }
0x7d: {  	[sflag:s1] =	ssyncset.done $0x0  }
0x7e: {  	[sflag:s1] =	ssyncadd.s32 $0xFFFFE000  }
0x7f: {  	_ =	swait.ge [sflag:s1], $0x2000  }
0x80: {  	[sflag:s1] =	ssyncset.done $0x0  }
0x81: {  	[sflag:s1] =	ssyncadd.s32 $0xFFFFE000  }
0x82: {  	[tilespmem:s7], [sflag:$0x3] =	stream.indirect.gather [spmem:s2], $0x40, s3, s6, $0xb8;
	[tilespmem:$0x12400] =	vst v63  }
0x83: {  	_ = 	snop  }
0x84: {  	[tilespmem:s10], [sflag:$0x3] =	stream.indirect.gather [spmem:s2], $0x40, s6, s6, $0xb8;
	[tilespmem:$0x12400] =	vst v63  }
0x85: {  	_ = 	snop  }
0x86: {  	[tilespmem:s14], [sflag:$0x3] =	stream.indirect.gather [spmem:s2], $0x40, s12, s6, $0xb8;
	[tilespmem:$0x12400] =	vst v63  }
0x87: {  	_ = 	snop  }
0x88: {  	[tilespmem:s16], [sflag:$0x3] =	stream.indirect.gather [spmem:s2], $0x40, s17, s6, $0xb8;
	[tilespmem:$0x12400] =	vst v63  }
0x89: {  	_ =	swait.ge [sflag:s19], $0x200  }
0x8a: {  	[sflag:s19] =	ssyncset.done $0x0  }
0x8b: {  	[sflag:s19] =	ssyncadd.s32 $0xFFFFFE00  }
0x8c: {  	_ =	swait.ge [sflag:s8], $0x2000  }
0x8d: {  	[sflag:s8] =	ssyncset.done $0x0  }
0x8e: {  	[sflag:s8] =	ssyncadd.s32 $0xFFFFE000  }
0x8f: {  	_ =	swait.ge [sflag:s8], $0x2000  }
0x90: {  	[sflag:s8] =	ssyncset.done $0x0  }
0x91: {  	[sflag:s8] =	ssyncadd.s32 $0xFFFFE000  }
0x92: {  	_ =	swait.ge [sflag:s8], $0x2000  }
0x93: {  	[sflag:s8] =	ssyncset.done $0x0  }
0x94: {  	[sflag:s8] =	ssyncadd.s32 $0xFFFFE000  }
0x95: {  	_ =	swait.ge [sflag:s8], $0x2000  }
0x96: {  	[sflag:s8] =	ssyncset.done $0x0  }
0x97: {  	[sflag:s8] =	ssyncadd.s32 $0xFFFFE000  }
0x98: {  	[tilespmem:s20], [sflag:$0x4] =	stream.indirect.gather [spmem:s2], $0x40, s0, s6, $0xb8;
	[tilespmem:$0x12400] =	vst v63  }
0x99: {  	_ = 	snop  }
0x9a: {  	[tilespmem:s22], [sflag:$0x4] =	stream.indirect.gather [spmem:s2], $0x40, s18, s6, $0xb8;
	[tilespmem:$0x12400] =	vst v63  }
0x9b: {  	_ = 	snop  }
0x9c: {  	[tilespmem:s24], [sflag:$0x4] =	stream.indirect.gather [spmem:s2], $0x40, s21, s6, $0xb8;
	[tilespmem:$0x12400] =	vst v63  }
0x9d: {  	_ = 	snop  }
0x9e: {  	[tilespmem:s28], [sflag:$0x4] =	stream.indirect.gather [spmem:s2], $0x40, s23, s6, $0xb8;
	[tilespmem:$0x12400] =	vst v63  }
0x9f: {  	_ =	swait.ge [sflag:s29], $0x2000  }
0xa0: {  	[sflag:s29] =	ssyncset.done $0x0  }
0xa1: {  	[sflag:s29] =	ssyncadd.s32 $0xFFFFE000  }
0xa2: {  	_ =	swait.ge [sflag:s29], $0x2000  }
0xa3: {  	[sflag:s29] =	ssyncset.done $0x0  }
0xa4: {  	[sflag:s29] =	ssyncadd.s32 $0xFFFFE000  }
0xa5: {  	_ =	swait.ge [sflag:s29], $0x2000  }
0xa6: {  	[sflag:s29] =	ssyncset.done $0x0  }
0xa7: {  	[sflag:s29] =	ssyncadd.s32 $0xFFFFE000  }
0xa8: {  	_ =	swait.ge [sflag:s29], $0x2000  }
0xa9: {  	[sflag:s29] =	ssyncset.done $0x0;
	s25 =	rddreg [dreg:$0x17]  }
0xaa: {  	s26 =	rddreg [dreg:$0x10];
	[sflag:s29] =	ssyncadd.s32 $0xFFFFE000;
	s15 =	sshrl.u32 s25, $0x3  }
0xab: {  	[tilespmem:s3], [sflag:$0x1] =	stream.linear.gather [hbm4b:s26+s3], $0x200, $0x38;
	[tilespmem:$0x12400] =	vst v63  }
0xac: {  	s18 =	sadd.s32 s4, s15  }
0xad: {  	[hbm4b:s18+s30] =	stream.strided.scatter [tilespmem:s7], [sflag:$0x5], $0x2000, s12, s30, $0x38;
	[tilespmem:$0x12400] =	vst v63  }
0xae: {  	s21 =	sadd.s32 s15, s9  }
0xaf: {  	[hbm4b:s21+s30] =	stream.strided.scatter [tilespmem:s10], [sflag:$0x5], $0x2000, s12, s30, $0x38;
	[tilespmem:$0x12400] =	vst v63  }
0xb0: {  	s23 =	sadd.s32 s15, s11  }
0xb1: {  	[hbm4b:s23+s30] =	stream.strided.scatter [tilespmem:s14], [sflag:$0x5], $0x2000, s12, s30, $0x38;
	[tilespmem:$0x12400] =	vst v63  }
0xb2: {  	s15 =	sadd.s32 s15, s13  }
0xb3: {  	[hbm4b:s15+s30] =	stream.strided.scatter [tilespmem:s16], [sflag:$0x5], $0x2000, s12, s30, $0x38;
	[tilespmem:$0x12400] =	vst v63  }
0xb4: {  	_ =	swait.ge [sflag:s31], $0x2000  }
0xb5: {  	[sflag:s31] =	ssyncset.done $0x0  }
0xb6: {  	[sflag:s31] =	ssyncadd.s32 $0xFFFFE000  }
0xb7: {  	_ =	swait.ge [sflag:s31], $0x2000  }
0xb8: {  	[sflag:s31] =	ssyncset.done $0x0  }
0xb9: {  	[sflag:s31] =	ssyncadd.s32 $0xFFFFE000  }
0xba: {  	_ =	swait.ge [sflag:s31], $0x2000  }
0xbb: {  	[sflag:s31] =	ssyncset.done $0x0  }
0xbc: {  	[sflag:s31] =	ssyncadd.s32 $0xFFFFE000  }
0xbd: {  	_ =	swait.ge [sflag:s31], $0x2000  }
0xbe: {  	[sflag:s31] =	ssyncset.done $0x0;
	s18 =	rddreg [dreg:$0x5]  }
0xbf: {  	s23 =	rddreg [dreg:$0xf];
	[sflag:s31] =	ssyncadd.s32 $0xFFFFE000;
	s15 =	sadd.s32 $0x0, s18  }
0xc0: {  	[tilespmem:s0], [sflag:$0x2] =	stream.linear.gather [hbm4b:s23+s3], $0x200, $0x38;
	[tilespmem:$0x12400] =	vst v63  }
0xc1: {  	s21 =	sadd.s32 $0x3000, s15  }
0xc2: {  	[hbm4b:s21+s30] =	stream.strided.scatter [tilespmem:s20], [sflag:$0x6], $0x2000, s12, s30, $0x38;
	[tilespmem:$0x12400] =	vst v63  }
0xc3: {  	s18 =	sadd.s32 $0x3008, s15  }
0xc4: {  	[hbm4b:s18+s30] =	stream.strided.scatter [tilespmem:s22], [sflag:$0x6], $0x2000, s12, s30, $0x38;
	[tilespmem:$0x12400] =	vst v63  }
0xc5: {  	s17 =	smov.u32 s23;
	s21 =	sadd.s32 $0x3010, s15  }
0xc6: {  	[hbm4b:s21+s30] =	stream.strided.scatter [tilespmem:s24], [sflag:$0x6], $0x2000, s12, s30, $0x38;
	[tilespmem:$0x12400] =	vst v63  }
0xc7: {  	s18 =	simm.s32 $0x2000;
	s21 =	sadd.s32 $0x3018, s15;
	s15 =	smov.u32 s26  }
.LBB2_2:
0xc8: {  	[hbm4b:s21+s30] =	stream.strided.scatter [tilespmem:s28], [sflag:$0x6], $0x2000, s12, s30, $0x38;
	[tilespmem:$0x12400] =	vst v63  }
0xc9: {  	_ =	swait.ge [sflag:s5], $0x200  }
0xca: {  	[sflag:s5] =	ssyncset.done $0x0  }
0xcb: {  	[sflag:s5] =	ssyncadd.s32 $0xFFFFFE00  }
0xcc: {  	_ =	swait.ge [sflag:s1], $0x2000  }
0xcd: {  	[sflag:s1] =	ssyncset.done $0x0  }
0xce: {  	[sflag:s1] =	ssyncadd.s32 $0xFFFFE000  }
0xcf: {  	_ =	swait.ge [sflag:s1], $0x2000  }
0xd0: {  	[sflag:s1] =	ssyncset.done $0x0  }
0xd1: {  	[sflag:s1] =	ssyncadd.s32 $0xFFFFE000  }
0xd2: {  	_ =	swait.ge [sflag:s1], $0x2000  }
0xd3: {  	[sflag:s1] =	ssyncset.done $0x0  }
0xd4: {  	[sflag:s1] =	ssyncadd.s32 $0xFFFFE000  }
0xd5: {  	_ =	swait.ge [sflag:s1], $0x2000  }
0xd6: {  	[sflag:s1] =	ssyncset.done $0x0  }
0xd7: {  	[sflag:s1] =	ssyncadd.s32 $0xFFFFE000  }
0xd8: {  	[tilespmem:s7], [sflag:$0x3] =	stream.indirect.gather [spmem:s2], $0x40, s3, s6, $0xb8;
	[tilespmem:$0x12400] =	vst v63  }
0xd9: {  	_ = 	snop  }
0xda: {  	[tilespmem:s10], [sflag:$0x3] =	stream.indirect.gather [spmem:s2], $0x40, s6, s6, $0xb8;
	[tilespmem:$0x12400] =	vst v63  }
0xdb: {  	_ = 	snop  }
0xdc: {  	[tilespmem:s14], [sflag:$0x3] =	stream.indirect.gather [spmem:s2], $0x40, s12, s6, $0xb8;
	[tilespmem:$0x12400] =	vst v63  }
0xdd: {  	s23 =	simm.s32 $0x180  }
0xde: {  	[tilespmem:s16], [sflag:$0x3] =	stream.indirect.gather [spmem:s2], $0x40, s23, s6, $0xb8;
	[tilespmem:$0x12400] =	vst v63  }
0xdf: {  	_ =	swait.ge [sflag:s19], $0x200  }
0xe0: {  	[sflag:s19] =	ssyncset.done $0x0  }
0xe1: {  	[sflag:s19] =	ssyncadd.s32 $0xFFFFFE00  }
0xe2: {  	_ =	swait.ge [sflag:s8], $0x2000  }
0xe3: {  	[sflag:s8] =	ssyncset.done $0x0  }
0xe4: {  	[sflag:s8] =	ssyncadd.s32 $0xFFFFE000  }
0xe5: {  	_ =	swait.ge [sflag:s8], $0x2000  }
0xe6: {  	[sflag:s8] =	ssyncset.done $0x0  }
0xe7: {  	[sflag:s8] =	ssyncadd.s32 $0xFFFFE000  }
0xe8: {  	_ =	swait.ge [sflag:s8], $0x2000  }
0xe9: {  	[sflag:s8] =	ssyncset.done $0x0  }
0xea: {  	[sflag:s8] =	ssyncadd.s32 $0xFFFFE000  }
0xeb: {  	_ =	swait.ge [sflag:s8], $0x2000  }
0xec: {  	[sflag:s8] =	ssyncset.done $0x0  }
0xed: {  	[sflag:s8] =	ssyncadd.s32 $0xFFFFE000  }
0xee: {  	[tilespmem:s20], [sflag:$0x4] =	stream.indirect.gather [spmem:s2], $0x40, s0, s6, $0xb8;
	[tilespmem:$0x12400] =	vst v63  }
0xef: {  	s26 =	simm.s32 $0x280  }
0xf0: {  	[tilespmem:s22], [sflag:$0x4] =	stream.indirect.gather [spmem:s2], $0x40, s26, s6, $0xb8;
	[tilespmem:$0x12400] =	vst v63  }
0xf1: {  	s26 =	simm.s32 $0x300  }
0xf2: {  	[tilespmem:s24], [sflag:$0x4] =	stream.indirect.gather [spmem:s2], $0x40, s26, s6, $0xb8;
	[tilespmem:$0x12400] =	vst v63  }
0xf3: {  	s26 =	simm.s32 $0x380  }
0xf4: {  	[tilespmem:s28], [sflag:$0x4] =	stream.indirect.gather [spmem:s2], $0x40, s26, s6, $0xb8;
	[tilespmem:$0x12400] =	vst v63  }
0xf5: {  	_ =	swait.ge [sflag:s29], $0x2000  }
0xf6: {  	[sflag:s29] =	ssyncset.done $0x0  }
0xf7: {  	[sflag:s29] =	ssyncadd.s32 $0xFFFFE000  }
0xf8: {  	_ =	swait.ge [sflag:s29], $0x2000  }
0xf9: {  	[sflag:s29] =	ssyncset.done $0x0  }
0xfa: {  	[sflag:s29] =	ssyncadd.s32 $0xFFFFE000  }
0xfb: {  	_ =	swait.ge [sflag:s29], $0x2000  }
0xfc: {  	[sflag:s29] =	ssyncset.done $0x0  }
0xfd: {  	[sflag:s29] =	ssyncadd.s32 $0xFFFFE000  }
0xfe: {  	_ =	swait.ge [sflag:s29], $0x2000  }
0xff: {  	s25 =	sadd.s32 $0x10000, s25;
	[sflag:s29] =	ssyncset.done $0x0  }
0x100: {  	s15 =	sadd.s32 $0x80, s15;
	s23 =	sshrl.u32 s25, $0x3;
	[sflag:s29] =	ssyncadd.s32 $0xFFFFE000  }
0x101: {  	[tilespmem:s3], [sflag:$0x1] =	stream.linear.gather [hbm4b:s15+s3], $0x200, $0x38;
	[tilespmem:$0x12400] =	vst v63  }
0x102: {  	s26 =	sadd.s32 s4, s23  }
0x103: {  	[hbm4b:s26+s30] =	stream.strided.scatter [tilespmem:s7], [sflag:$0x5], $0x2000, s12, s30, $0x38;
	[tilespmem:$0x12400] =	vst v63  }
0x104: {  	s26 =	sadd.s32 s23, s9  }
0x105: {  	[hbm4b:s26+s30] =	stream.strided.scatter [tilespmem:s10], [sflag:$0x5], $0x2000, s12, s30, $0x38;
	[tilespmem:$0x12400] =	vst v63  }
0x106: {  	s26 =	sadd.s32 s23, s11  }
0x107: {  	[hbm4b:s26+s30] =	stream.strided.scatter [tilespmem:s14], [sflag:$0x5], $0x2000, s12, s30, $0x38;
	[tilespmem:$0x12400] =	vst v63  }
0x108: {  	s23 =	sadd.s32 s23, s13  }
0x109: {  	[hbm4b:s23+s30] =	stream.strided.scatter [tilespmem:s16], [sflag:$0x5], $0x2000, s12, s30, $0x38;
	[tilespmem:$0x12400] =	vst v63  }
0x10a: {  	_ =	swait.ge [sflag:s31], $0x2000  }
0x10b: {  	[sflag:s31] =	ssyncset.done $0x0  }
0x10c: {  	[sflag:s31] =	ssyncadd.s32 $0xFFFFE000  }
0x10d: {  	_ =	swait.ge [sflag:s31], $0x2000  }
0x10e: {  	[sflag:s31] =	ssyncset.done $0x0  }
0x10f: {  	[sflag:s31] =	ssyncadd.s32 $0xFFFFE000  }
0x110: {  	_ =	swait.ge [sflag:s31], $0x2000  }
0x111: {  	[sflag:s31] =	ssyncset.done $0x0  }
0x112: {  	[sflag:s31] =	ssyncadd.s32 $0xFFFFE000  }
0x113: {  	_ =	swait.ge [sflag:s31], $0x2000  }
0x114: {  	s21 =	smov.u32 s18;
	[sflag:s31] =	ssyncset.done $0x0;
	s26 =	rddreg [dreg:$0x5]  }
0x115: {  	s17 =	sadd.s32 $0x80, s17;
	[sflag:s31] =	ssyncadd.s32 $0xFFFFE000;
	s21 =	sadd.s32 s21, s26  }
0x116: {  	[tilespmem:s0], [sflag:$0x2] =	stream.linear.gather [hbm4b:s17+s3], $0x200, $0x38;
	[tilespmem:$0x12400] =	vst v63  }
0x117: {  	p1 =	sne.s32 s18, $0x2C000;
	s23 =	sadd.s32 $0x3000, s21  }
0x118: {  	[hbm4b:s23+s30] =	stream.strided.scatter [tilespmem:s20], [sflag:$0x6], $0x2000, s12, s30, $0x38;
	[tilespmem:$0x12400] =	vst v63  }
.Ltmp0:
0x119: {  	_ = 	snop;
	(pc) =	sbr.rel @p1 .LBB2_2-.Ltmp0, $4  }
0x11a: {  	s26 =	sadd.s32 $0x3008, s21  }
0x11b: {  	[hbm4b:s26+s30] =	stream.strided.scatter [tilespmem:s22], [sflag:$0x6], $0x2000, s12, s30, $0x38;
	[tilespmem:$0x12400] =	vst v63  }
0x11c: {  	s18 =	sadd.s32 $0x2000, s18;
	s23 =	sadd.s32 $0x3010, s21;
	s21 =	sadd.s32 $0x3018, s21  }
0x11d: {  	[hbm4b:s23+s30] =	stream.strided.scatter [tilespmem:s24], [sflag:$0x6], $0x2000, s12, s30, $0x38;
	[tilespmem:$0x12400] =	vst v63  }
0x11e: {  	[hbm4b:s21+s30] =	stream.strided.scatter [tilespmem:s28], [sflag:$0x6], $0x2000, s12, s30, $0x38;
	[tilespmem:$0x12400] =	vst v63  }
0x11f: {  	_ =	swait.ge [sflag:s5], $0x200  }
0x120: {  	[sflag:s5] =	ssyncset.done $0x0  }
0x121: {  	[sflag:s5] =	ssyncadd.s32 $0xFFFFFE00  }
0x122: {  	_ =	swait.ge [sflag:s1], $0x2000  }
0x123: {  	[sflag:s1] =	ssyncset.done $0x0  }
0x124: {  	[sflag:s1] =	ssyncadd.s32 $0xFFFFE000  }
0x125: {  	_ =	swait.ge [sflag:s1], $0x2000  }
0x126: {  	[sflag:s1] =	ssyncset.done $0x0  }
0x127: {  	[sflag:s1] =	ssyncadd.s32 $0xFFFFE000  }
0x128: {  	_ =	swait.ge [sflag:s1], $0x2000  }
0x129: {  	[sflag:s1] =	ssyncset.done $0x0  }
0x12a: {  	[sflag:s1] =	ssyncadd.s32 $0xFFFFE000  }
0x12b: {  	_ =	swait.ge [sflag:s1], $0x2000  }
0x12c: {  	[sflag:s1] =	ssyncset.done $0x0  }
0x12d: {  	[sflag:s1] =	ssyncadd.s32 $0xFFFFE000  }
0x12e: {  	[tilespmem:s7], [sflag:$0x3] =	stream.indirect.gather [spmem:s2], $0x40, s3, s6, $0xb8;
	[tilespmem:$0x12400] =	vst v63  }
0x12f: {  	_ = 	snop  }
0x130: {  	[tilespmem:s10], [sflag:$0x3] =	stream.indirect.gather [spmem:s2], $0x40, s6, s6, $0xb8;
	[tilespmem:$0x12400] =	vst v63  }
0x131: {  	_ = 	snop  }
0x132: {  	[tilespmem:s14], [sflag:$0x3] =	stream.indirect.gather [spmem:s2], $0x40, s12, s6, $0xb8;
	[tilespmem:$0x12400] =	vst v63  }
0x133: {  	s15 =	simm.s32 $0x180  }
0x134: {  	[tilespmem:s16], [sflag:$0x3] =	stream.indirect.gather [spmem:s2], $0x40, s15, s6, $0xb8;
	[tilespmem:$0x12400] =	vst v63  }
0x135: {  	_ =	swait.ge [sflag:s19], $0x200  }
0x136: {  	[sflag:s19] =	ssyncset.done $0x0  }
0x137: {  	[sflag:s19] =	ssyncadd.s32 $0xFFFFFE00  }
0x138: {  	_ =	swait.ge [sflag:s8], $0x2000  }
0x139: {  	[sflag:s8] =	ssyncset.done $0x0  }
0x13a: {  	[sflag:s8] =	ssyncadd.s32 $0xFFFFE000  }
0x13b: {  	_ =	swait.ge [sflag:s8], $0x2000  }
0x13c: {  	[sflag:s8] =	ssyncset.done $0x0  }
0x13d: {  	[sflag:s8] =	ssyncadd.s32 $0xFFFFE000  }
0x13e: {  	_ =	swait.ge [sflag:s8], $0x2000  }
0x13f: {  	[sflag:s8] =	ssyncset.done $0x0  }
0x140: {  	[sflag:s8] =	ssyncadd.s32 $0xFFFFE000  }
0x141: {  	_ =	swait.ge [sflag:s8], $0x2000  }
0x142: {  	[sflag:s8] =	ssyncset.done $0x0  }
0x143: {  	[sflag:s8] =	ssyncadd.s32 $0xFFFFE000  }
0x144: {  	[tilespmem:s20], [sflag:$0x4] =	stream.indirect.gather [spmem:s2], $0x40, s0, s6, $0xb8;
	[tilespmem:$0x12400] =	vst v63  }
0x145: {  	s17 =	simm.s32 $0x280  }
0x146: {  	[tilespmem:s22], [sflag:$0x4] =	stream.indirect.gather [spmem:s2], $0x40, s17, s6, $0xb8;
	[tilespmem:$0x12400] =	vst v63  }
0x147: {  	s18 =	simm.s32 $0x300  }
0x148: {  	[tilespmem:s24], [sflag:$0x4] =	stream.indirect.gather [spmem:s2], $0x40, s18, s6, $0xb8;
	[tilespmem:$0x12400] =	vst v63  }
0x149: {  	s21 =	simm.s32 $0x380  }
0x14a: {  	[tilespmem:s28], [sflag:$0x4] =	stream.indirect.gather [spmem:s2], $0x40, s21, s6, $0xb8;
	[tilespmem:$0x12400] =	vst v63  }
0x14b: {  	_ =	swait.ge [sflag:s29], $0x2000  }
0x14c: {  	[sflag:s29] =	ssyncset.done $0x0  }
0x14d: {  	[sflag:s29] =	ssyncadd.s32 $0xFFFFE000  }
0x14e: {  	_ =	swait.ge [sflag:s29], $0x2000  }
0x14f: {  	[sflag:s29] =	ssyncset.done $0x0  }
0x150: {  	[sflag:s29] =	ssyncadd.s32 $0xFFFFE000  }
0x151: {  	_ =	swait.ge [sflag:s29], $0x2000  }
0x152: {  	[sflag:s29] =	ssyncset.done $0x0  }
0x153: {  	[sflag:s29] =	ssyncadd.s32 $0xFFFFE000  }
0x154: {  	_ =	swait.ge [sflag:s29], $0x2000  }
0x155: {  	[sflag:s29] =	ssyncset.done $0x0  }
0x156: {  	s23 =	rddreg [dreg:$0x14];
	[sflag:s29] =	ssyncadd.s32 $0xFFFFE000  }
0x157: {  	[hbm4b:s23+s30] =	stream.strided.scatter [tilespmem:s7], [sflag:$0x5], $0x2000, s12, s30, $0x38;
	[tilespmem:$0x12400] =	vst v63  }
0x158: {  	s25 =	rddreg [dreg:$0x15]  }
0x159: {  	[hbm4b:s25+s30] =	stream.strided.scatter [tilespmem:s10], [sflag:$0x5], $0x2000, s12, s30, $0x38;
	[tilespmem:$0x12400] =	vst v63  }
0x15a: {  	s26 =	rddreg [dreg:$0x18]  }
0x15b: {  	[hbm4b:s26+s30] =	stream.strided.scatter [tilespmem:s14], [sflag:$0x5], $0x2000, s12, s30, $0x38;
	[tilespmem:$0x12400] =	vst v63  }
0x15c: {  	s17 =	rddreg [dreg:$0x19]  }
0x15d: {  	[hbm4b:s17+s30] =	stream.strided.scatter [tilespmem:s16], [sflag:$0x5], $0x2000, s12, s30, $0x38;
	[tilespmem:$0x12400] =	vst v63  }
0x15e: {  	_ =	swait.ge [sflag:s31], $0x2000  }
0x15f: {  	[sflag:s31] =	ssyncset.done $0x0  }
0x160: {  	[sflag:s31] =	ssyncadd.s32 $0xFFFFE000  }
0x161: {  	_ =	swait.ge [sflag:s31], $0x2000  }
0x162: {  	[sflag:s31] =	ssyncset.done $0x0  }
0x163: {  	[sflag:s31] =	ssyncadd.s32 $0xFFFFE000  }
0x164: {  	_ =	swait.ge [sflag:s31], $0x2000  }
0x165: {  	[sflag:s31] =	ssyncset.done $0x0  }
0x166: {  	[sflag:s31] =	ssyncadd.s32 $0xFFFFE000  }
0x167: {  	_ =	swait.ge [sflag:s31], $0x2000  }
0x168: {  	[sflag:s31] =	ssyncset.done $0x0  }
0x169: {  	s18 =	rddreg [dreg:$0x1a];
	[sflag:s31] =	ssyncadd.s32 $0xFFFFE000  }
0x16a: {  	[hbm4b:s18+s30] =	stream.strided.scatter [tilespmem:s20], [sflag:$0x6], $0x2000, s12, s30, $0x38;
	[tilespmem:$0x12400] =	vst v63  }
0x16b: {  	s21 =	rddreg [dreg:$0x1b]  }
0x16c: {  	[hbm4b:s21+s30] =	stream.strided.scatter [tilespmem:s22], [sflag:$0x6], $0x2000, s12, s30, $0x38;
	[tilespmem:$0x12400] =	vst v63  }
0x16d: {  	s23 =	rddreg [dreg:$0x1c]  }
0x16e: {  	[hbm4b:s23+s30] =	stream.strided.scatter [tilespmem:s24], [sflag:$0x6], $0x2000, s12, s30, $0x38;
	[tilespmem:$0x12400] =	vst v63  }
0x16f: {  	s25 =	rddreg [dreg:$0x1d]  }
0x170: {  	[hbm4b:s25+s30] =	stream.strided.scatter [tilespmem:s28], [sflag:$0x6], $0x2000, s12, s30, $0x38;
	[tilespmem:$0x12400] =	vst v63  }
0x171: {  	_ =	swait.ge [sflag:s1], $0x2000  }
0x172: {  	[sflag:s1] =	ssyncset.done $0x0  }
0x173: {  	[sflag:s1] =	ssyncadd.s32 $0xFFFFE000  }
0x174: {  	_ =	swait.ge [sflag:s1], $0x2000  }
0x175: {  	[sflag:s1] =	ssyncset.done $0x0  }
0x176: {  	[sflag:s1] =	ssyncadd.s32 $0xFFFFE000  }
0x177: {  	_ =	swait.ge [sflag:s1], $0x2000  }
0x178: {  	[sflag:s1] =	ssyncset.done $0x0  }
0x179: {  	[sflag:s1] =	ssyncadd.s32 $0xFFFFE000  }
0x17a: {  	_ =	swait.ge [sflag:s1], $0x2000  }
0x17b: {  	[sflag:s1] =	ssyncset.done $0x0  }
0x17c: {  	[sflag:s1] =	ssyncadd.s32 $0xFFFFE000  }
0x17d: {  	_ =	swait.ge [sflag:s8], $0x2000  }
0x17e: {  	[sflag:s8] =	ssyncset.done $0x0  }
0x17f: {  	[sflag:s8] =	ssyncadd.s32 $0xFFFFE000  }
0x180: {  	_ =	swait.ge [sflag:s8], $0x2000  }
0x181: {  	[sflag:s8] =	ssyncset.done $0x0  }
0x182: {  	[sflag:s8] =	ssyncadd.s32 $0xFFFFE000  }
0x183: {  	_ =	swait.ge [sflag:s8], $0x2000  }
0x184: {  	[sflag:s8] =	ssyncset.done $0x0  }
0x185: {  	[sflag:s8] =	ssyncadd.s32 $0xFFFFE000  }
0x186: {  	_ =	swait.ge [sflag:s8], $0x2000  }
0x187: {  	s17 =	rddreg [dreg:$0x1e]  }
0x188: {  	s26 =	rddreg [dreg:$0x16];
	s17 =	sadd.s32 $0x1, s17  }
0x189: {  	p1 =	sne.s32 s17, s26  }
.Ltmp1:
0x18a: {  	_ = 	snop;
	(pc) =	sbr.rel @p1 .LBB2_1-.Ltmp1, $3  }
0x18b: {  	_ =	sdelay $0x1  }
0x18c: {  	[sflag:s8] =	ssyncset.done $0x0  }
0x18d: {  	[sflag:s8] =	ssyncadd.s32 $0xFFFFE000  }
0x18e: {  	_ =	sfence.sel $0x180000  }
0x18f: {  	[bflag:$0x0] =	sbarrier.arrive $0xFFFF  }
0x190: {  	_ =	strace $0x90000047  }
0x191: {  	[bflag:$0x2] =	sbarrier.arrive $0xFFFF  }
0x192: {  	s0 =	rddreg [dreg:$0x4]  }
0x193: {  	s0 =	sadd.s32 @!p0 $0x100000, s0  }
0x194: {  	[sflag:s0] =	ssyncadd.tile.s32 @!p0 $0x1;
	_ =	shalt  }
.Lfunc_end2:
_tile_overlayer_lowered:
.L_overlay_start_2:
0x195: {  	(tag) =	ssettag $0x2  }
0x196: {  	s0 =	rddreg [dreg:$0x0];
	s2 =	stileid.u32  }
0x197: {  	s1 =	rddreg [dreg:$0x1];
	p0 =	sne.s32 s2, $0x0  }
0x198: {  	s3 =	rddreg [dreg:$0x2];
	[bflag:$0x3] =	sbarrier.arrive $0xFFFF;
	s2 =	simm.s32 @!p0 $0x1C07  }
0x199: {  	[timem:s3], [sflag:s2] =	dma.local @!p0 [hbm:s0], s1  }
0x19a: {  	s0 =	simm.s32 @!p0 $0x7  }
0x19b: {  	_ =	swait.ge @!p0 [sflag:s0], s1  }
0x19c: {  	s1 =	ssub.s32 @!p0 $0x0, s1;
	[sflag:s0] =	ssyncset.done @!p0 $0x0  }
0x19d: {  	[sflag:s0] =	ssyncadd.s32 @!p0 s1  }
0x19e: {  	[bflag:$0x3] =	sbarrier.arrive $0xFFFF  }
0x19f: {  	_ =	shalt  }

</sc_bundles>
